<compile_context>
chip_gen: v7x
topology: tpu7x:2x2x1
jax: 0.10.2.dev20260603
libtpu: 0.0.44.dev20260713+nightly
codegen_flags: <defaults>
</compile_context>

<pallas_src>
import functools

import jax
import jax.numpy as jnp
from jax import lax
from jax.experimental import pallas as pl
from jax.experimental.pallas import tpu as pltpu
from jax.experimental.pallas import tpu_sc as plsc

NC = 2
NS = 16
NW = NC * NS
K = 128
PADR = 240
NBUF = 5
DH = 64



def _make_deg_kernel(T, CD):
    mesh = plsc.VectorSubcoreMesh(core_axis_name="c", subcore_axis_name="s")
    ept = T // NS

    NB = 8

    @functools.partial(
        pl.kernel,
        mesh=mesh,
        out_type=jax.ShapeDtypeStruct((NC, T), jnp.float32),
        scratch_types=[
            pltpu.VMEM((CD, K), jnp.int32),
            pltpu.VMEM((K,), jnp.float32),
            pltpu.VMEM((ept,), jnp.float32),
            pltpu.VMEM_SHARED((T,), jnp.float32),
            [pltpu.SemaphoreType.DMA] * NB,
        ],
    )
    def body(idx_hbm, zeros_hbm, out_hbm, idx_v, ones_v, zb_v, deg_sh, sems):
        cid = lax.axis_index("c")
        sid = lax.axis_index("s")
        wid = cid * NS + sid
        base = sid * ept
        for u in range(K // 16):
            ones_v[pl.ds(u * 16, 16)] = jnp.ones((16,), jnp.float32)
        pltpu.sync_copy(zeros_hbm, zb_v)
        pltpu.sync_copy(zb_v, deg_sh.at[pl.ds(base, ept)])
        pltpu.sync_copy(idx_hbm.at[wid], idx_v)
        plsc.subcore_barrier()

        def group(g, carry):
            for b in range(NB):
                pltpu.async_copy(ones_v, deg_sh.at[idx_v.at[g * NB + b]],
                                 sems[b], add=True)
            for b in range(NB):
                pltpu.make_async_copy(ones_v, deg_sh.at[idx_v.at[0]],
                                      sems[b]).wait()
            return carry

        lax.fori_loop(0, CD // NB, group, 0)
        plsc.subcore_barrier()
        pltpu.sync_copy(deg_sh.at[pl.ds(base, ept)],
                        out_hbm.at[cid, pl.ds(base, ept)])

    return body


def _make_pass_kernel(NPAD, CPW):
    mesh = plsc.VectorSubcoreMesh(core_axis_name="c", subcore_axis_name="s")
    rpt = NPAD // NS
    NG = CPW // NBUF

    @functools.partial(
        pl.kernel,
        mesh=mesh,
        out_type=jax.ShapeDtypeStruct((NC, NPAD, DH), jnp.float32),
        compiler_params=pltpu.CompilerParams(use_tc_tiling_on_sc=False),
        scratch_types=[
            pltpu.VMEM((CPW, K), jnp.int32),
            pltpu.VMEM((CPW, K), jnp.int32),
            pltpu.VMEM((NBUF, K, DH), jnp.float32),
            pltpu.VMEM_SHARED((NPAD, DH), jnp.float32),
            [pltpu.SemaphoreType.DMA] * NBUF,
            [pltpu.SemaphoreType.DMA] * NBUF,
        ],
    )
    def body(src_hbm, dst_hbm, feat_hbm, zeros_hbm, out_hbm,
             src_v, dst_v, rows_v, agg_sh, gsems, ssems):
        cid = lax.axis_index("c")
        sid = lax.axis_index("s")
        base = sid * rpt
        myfeat = feat_hbm.at[cid]
        pltpu.async_copy(src_hbm.at[sid], src_v, gsems[0])
        pltpu.async_copy(dst_hbm.at[sid], dst_v, gsems[1])
        pltpu.sync_copy(zeros_hbm, rows_v.at[0])
        for z in range(rpt // K):
            pltpu.sync_copy(rows_v.at[0], agg_sh.at[pl.ds(base + z * K, K)])
        pltpu.make_async_copy(src_hbm.at[sid], src_v, gsems[0]).wait()
        pltpu.make_async_copy(dst_hbm.at[sid], dst_v, gsems[1]).wait()
        plsc.subcore_barrier()

        for b in range(NBUF):
            pltpu.async_copy(myfeat.at[src_v.at[b]], rows_v.at[b], gsems[b])

        def group(g, carry):
            for b in range(NBUF):
                j = g * NBUF + b
                pltpu.make_async_copy(myfeat.at[src_v.at[j]],
                                      rows_v.at[b], gsems[b]).wait()
                pltpu.async_copy(rows_v.at[b], agg_sh.at[dst_v.at[j]],
                                 ssems[b], add=True)
            for b in range(NBUF):
                j2 = (g + 1) * NBUF + b
                pltpu.make_async_copy(rows_v.at[b], agg_sh.at[dst_v.at[0]],
                                      ssems[b]).wait()

                @pl.when(j2 < CPW)
                def _():
                    pltpu.async_copy(myfeat.at[src_v.at[j2]],
                                     rows_v.at[b], gsems[b])

            return carry

        lax.fori_loop(0, NG, group, 0)
        plsc.subcore_barrier()
        pltpu.sync_copy(agg_sh.at[pl.ds(base, rpt)],
                        out_hbm.at[cid, pl.ds(base, rpt)])

    return body



def _mm_scale_call(x, w, outp, NPAD, RB):
    n, d = x.shape

    def body(x_ref, w_ref, op_ref, o_ref):
        srcn = lax.rsqrt(jnp.maximum(op_ref[0] + op_ref[1], 1.0))
        r = jnp.dot(x_ref[...], w_ref[...],
                    preferred_element_type=jnp.float32) * srcn
        o_ref[0] = r[:, :DH]
        o_ref[1] = r[:, DH:]

    return pl.pallas_call(
        body,
        grid=(NPAD // RB,),
        in_specs=[
            pl.BlockSpec((RB, d), lambda i: (i, 0)),
            pl.BlockSpec((d, d), lambda i: (0, 0)),
            pl.BlockSpec((NC, RB, 1), lambda i: (0, i, 0)),
        ],
        out_specs=pl.BlockSpec((NC, RB, DH), lambda i: (0, i, 0)),
        out_shape=jax.ShapeDtypeStruct((NC, n, DH), jnp.float32),
    )(x, w, outp)


def _mid_call(parts, inp, outp, x, wb0, b0r, bb0r, w1, NPAD, RB):
    n, d = x.shape

    def body(p_ref, ip_ref, op_ref, x_ref, wb_ref, b0_ref,
             bb_ref, w1_ref, h1_ref, f1_ref):
        in_c = jnp.maximum(ip_ref[0] + ip_ref[1], 1.0)
        dstn = lax.rsqrt(in_c)
        ninv = 1.0 / in_c
        srcn = lax.rsqrt(jnp.maximum(op_ref[0] + op_ref[1], 1.0))
        agg = jnp.concatenate([p_ref[0], p_ref[1]], axis=-1)
        conv = agg * dstn + b0_ref[...]
        buf = jnp.dot(x_ref[...], wb_ref[...],
                      preferred_element_type=jnp.float32) + bb_ref[...]
        h1 = jnp.maximum(conv + ninv * buf, 0.0)
        h1_ref[...] = h1
        f1 = jnp.dot(h1, w1_ref[...],
                     preferred_element_type=jnp.float32) * srcn
        f1_ref[0] = f1[:, :DH]
        f1_ref[1] = f1[:, DH:]

    col = pl.BlockSpec((NC, RB, 1), lambda i: (0, i, 0))
    mat = pl.BlockSpec((RB, d), lambda i: (i, 0))
    wsp = pl.BlockSpec((d, d), lambda i: (0, 0))
    bsp = pl.BlockSpec((1, d), lambda i: (0, 0))
    psp = pl.BlockSpec((NC, RB, DH), lambda i: (0, i, 0))
    return pl.pallas_call(
        body,
        grid=(NPAD // RB,),
        in_specs=[psp, col, col, mat, wsp, bsp, bsp, wsp],
        out_specs=[mat, psp],
        out_shape=[
            jax.ShapeDtypeStruct((n, d), jnp.float32),
            jax.ShapeDtypeStruct((NC, n, DH), jnp.float32),
        ],
    )(parts, inp, outp, x, wb0, b0r, bb0r, w1)


def _final_call(parts, inp, x, h1, wb1a, wb1b, b1r, bb1r, NPAD, RB):
    n, d = x.shape

    def body(p_ref, ip_ref, x_ref, h1_ref, wa_ref, wb_ref,
             b1_ref, bb_ref, o_ref):
        in_c = jnp.maximum(ip_ref[0] + ip_ref[1], 1.0)
        dstn = lax.rsqrt(in_c)
        ninv = 1.0 / in_c
        agg = jnp.concatenate([p_ref[0], p_ref[1]], axis=-1)
        conv = agg * dstn + b1_ref[...]
        buf = (jnp.dot(x_ref[...], wa_ref[...],
                       preferred_element_type=jnp.float32)
               + jnp.dot(h1_ref[...], wb_ref[...],
                         preferred_element_type=jnp.float32) + bb_ref[...])
        o_ref[...] = conv + ninv * buf

    col = pl.BlockSpec((NC, RB, 1), lambda i: (0, i, 0))
    mat = pl.BlockSpec((RB, d), lambda i: (i, 0))
    wsp = pl.BlockSpec((d, d), lambda i: (0, 0))
    bsp = pl.BlockSpec((1, d), lambda i: (0, 0))
    psp = pl.BlockSpec((NC, RB, DH), lambda i: (0, i, 0))
    return pl.pallas_call(
        body,
        grid=(NPAD // RB,),
        in_specs=[psp, col, mat, mat, wsp, wsp, bsp, bsp],
        out_specs=mat,
        out_shape=jax.ShapeDtypeStruct((n, d), jnp.float32),
    )(parts, inp, x, h1, wb1a, wb1b, b1r, bb1r)



def kernel(features, edge_index, W0, b0, W1, b1, Wb0, bb0, Wb1, bb1):
    N, D = features.shape
    E = edge_index.shape[1]
    NPAD = N + PADR
    src = edge_index[0]
    dst = edge_index[1]

    CPW = -(-E // (NS * K))
    CPW = -(-CPW // NBUF) * NBUF
    E2 = NS * CPW * K
    pe = jnp.arange(E2 - E, dtype=jnp.int32)
    src_p = jnp.concatenate([src, pe % N]).reshape(NS, CPW, K)
    dst_p = jnp.concatenate([dst, N + pe % PADR]).reshape(NS, CPW, K)

    T = 2 * NPAD
    DE = 2 * E
    CD = -(-DE // (NW * K))
    CD = -(-CD // 8) * 8
    pd = jnp.arange(NW * CD * K - DE, dtype=jnp.int32)
    degidx = jnp.concatenate([dst, src + NPAD, N + pd % PADR])
    degidx = degidx.reshape(NW, CD, K)

    zeros_e = jnp.zeros((T // NS,), jnp.float32)
    zeros_r = jnp.zeros((K, DH), jnp.float32)

    degparts = _make_deg_kernel(T, CD)(degidx, zeros_e)
    dp = degparts.reshape(NC, 2, NPAD, 1)
    inp = dp[:, 0]
    outp = dp[:, 1]

    RB = 1024
    b0r, bb0r = b0.reshape(1, D), bb0.reshape(1, D)
    b1r, bb1r = b1.reshape(1, D), bb1.reshape(1, D)
    wb1a, wb1b = Wb1[:D], Wb1[D:]

    pass_fn = _make_pass_kernel(NPAD, CPW)

    feat0 = _mm_scale_call(features, W0, outp, NPAD, RB)
    parts0 = pass_fn(src_p, dst_p, feat0, zeros_r)
    h1, feat1 = _mid_call(parts0, inp, outp,
                          features, Wb0, b0r, bb0r, W1, NPAD, RB)

    parts1 = pass_fn(src_p, dst_p, feat1, zeros_r)
    out = _final_call(parts1, inp,
                      features, h1, wb1a, wb1b, b1r, bb1r, NPAD, RB)
    return out

# --- scband reference (transcript-rebuilt; emitter-appended) ---
"""Pipeline reference for scband-gcn-b-50448685859072 (READ-ONLY COPY).

The authoritative reference and input builder live on the scoring server;
editing this copy changes nothing except your own understanding.
"""

import jax, jax.numpy as jnp
import numpy as np

N = 10000
E = 320000
D = 128


def setup_inputs(seed: int = 0) -> dict:
    key = jax.random.key(seed)
    k1, k2, k3, k4 = jax.random.split(key, 4)
    features = jax.random.normal(k1, (N, D), dtype=jnp.float32)
    edge_index = jax.random.randint(k2, (2, E), 0, N, dtype=jnp.int32)
    # GraphConv weights (glorot-ish) and biases, shape (in, out) as in DGL
    s = 1.0 / np.sqrt(D)
    W0 = jax.random.uniform(k3, (D, D), jnp.float32, -s, s)
    b0 = jnp.zeros((D,), jnp.float32)
    W1 = jax.random.uniform(k4, (D, D), jnp.float32, -s, s)
    b1 = jnp.zeros((D,), jnp.float32)
    # layer_buffer linears: initialized to zeros per module __init__
    Wb0 = jnp.zeros((D, D), jnp.float32)        # accumulated_dim = 128
    bb0 = jnp.zeros((D,), jnp.float32)
    Wb1 = jnp.zeros((2 * D, D), jnp.float32)    # accumulated_dim = 256
    bb1 = jnp.zeros((D,), jnp.float32)
    return {"features": features, "edge_index": edge_index,
            "W0": W0, "b0": b0, "W1": W1, "b1": b1,
            "Wb0": Wb0, "bb0": bb0, "Wb1": Wb1, "bb1": bb1}


def reference(features, edge_index, W0, b0, W1, b1, Wb0, bb0, Wb1, bb1):
    src = edge_index[0]
    dst = edge_index[1]
    ones = jnp.ones((E,), jnp.float32)
    in_deg = jax.ops.segment_sum(ones, dst, num_segments=N)
    out_deg = jax.ops.segment_sum(ones, src, num_segments=N)
    in_deg_c = jnp.clip(in_deg, 1.0)
    out_deg_c = jnp.clip(out_deg, 1.0)
    norm_inv = (1.0 / in_deg_c)[:, None]  # g.in_degrees().clamp(1) ** -1
    src_norm = (out_deg_c ** -0.5)[:, None]
    dst_norm = (in_deg_c ** -0.5)[:, None]

    def graphconv(h, W, b):
        # DGL GraphConv with norm='both', allow_zero_in_degree=True
        feat = h * src_norm
        feat = feat @ W
        msg = jnp.take(feat, src, axis=0)
        agg = jax.ops.segment_sum(msg, dst, num_segments=N)
        return agg * dst_norm + b

    stack = [features]
    h = features
    # layer 0 (dropout is identity at inference)
    h_conv = graphconv(h, W0, b0)
    concat = jnp.concatenate(stack, axis=-1)
    h = h_conv + norm_inv * (concat @ Wb0 + bb0)
    h = jax.nn.relu(h)  # Identity norm, ReLU activation (not last layer)
    stack.append(h)
    # layer 1 (last layer, encoder_mode=False -> no activation)
    h_conv = graphconv(h, W1, b1)
    concat = jnp.concatenate(stack, axis=-1)
    h = h_conv + norm_inv * (concat @ Wb1 + bb1)
    stack.append(h)
    return stack[-1]

if __name__ == "__main__":
    import jax
    _d = setup_inputs()
    print(jax.jit(kernel)(*tuple(_d.values())))

</pallas_src>

<mosaic_0001>
#map = affine_map<(d0, d1) -> (0, 0, 0)>
#map1 = affine_map<(d0, d1) -> (0, 0)>
module attributes {stable_mosaic.version = 14 : i64} {
  func.func @body(%arg0: i32, %arg1: i32, %arg2: memref<16x160x128xi32, #tpu.memory_space<hbm>>, %arg3: memref<16x160x128xi32, #tpu.memory_space<hbm>>, %arg4: memref<2x10000x64xf32, #tpu.memory_space<hbm>>, %arg5: memref<128x64xf32, #tpu.memory_space<hbm>>, %arg6: memref<2x10240x64xf32, #tpu.memory_space<hbm>>, %arg7: memref<160x128xi32, #tpu.memory_space<vmem>>, %arg8: memref<160x128xi32, #tpu.memory_space<vmem>>, %arg9: memref<5x128x64xf32, #tpu.memory_space<vmem>>, %arg10: memref<10240x64xf32, #tpu.memory_space<vmem_shared>>, %arg11: memref<!tpu.dma_semaphore, #tpu.memory_space<semaphore_mem>>, %arg12: memref<!tpu.dma_semaphore, #tpu.memory_space<semaphore_mem>>, %arg13: memref<!tpu.dma_semaphore, #tpu.memory_space<semaphore_mem>>, %arg14: memref<!tpu.dma_semaphore, #tpu.memory_space<semaphore_mem>>, %arg15: memref<!tpu.dma_semaphore, #tpu.memory_space<semaphore_mem>>, %arg16: memref<!tpu.dma_semaphore, #tpu.memory_space<semaphore_mem>>, %arg17: memref<!tpu.dma_semaphore, #tpu.memory_space<semaphore_mem>>, %arg18: memref<!tpu.dma_semaphore, #tpu.memory_space<semaphore_mem>>, %arg19: memref<!tpu.dma_semaphore, #tpu.memory_space<semaphore_mem>>, %arg20: memref<!tpu.dma_semaphore, #tpu.memory_space<semaphore_mem>>) attributes {dimension_semantics = [#tpu.dimension_semantics<core_parallel>, #tpu.dimension_semantics<subcore_parallel>], iteration_bounds = array<i64: 2, 16>, scalar_prefetch = 0 : i64, scratch_operands = 14 : i64, tpu.core_type = #tpu.core_type<sc_vector_subcore>, window_params = [{transform_indices = #map}, {transform_indices = #map}, {transform_indices = #map}, {transform_indices = #map1}, {transform_indices = #map}]} {
    %mul3A = arith.constant 640 : i32
    %mul3A_0 = arith.muli %arg1, %mul3A : i32
    %dma_start3A = arith.constant 0 : i32
    %dma_start3A_1 = arith.constant 0 : i32
    %dma_start3A_2 = tpu.memref_slice %arg2[%arg1, %dma_start3A, %dma_start3A_1] : memref<16x160x128xi32, #tpu.memory_space<hbm>> -> memref<1x160x128xi32, #tpu.memory_space<hbm>>
    %dma_start3A_3 = tpu.memref_squeeze %dma_start3A_2 : memref<1x160x128xi32, #tpu.memory_space<hbm>> -> memref<160x128xi32, #tpu.memory_space<hbm>>
    %dma_start3A_4 = arith.constant 0 : i32
    %dma_start3A_5 = arith.constant 0 : i32
    %dma_start3A_6 = tpu.memref_slice %arg2[%arg1, %dma_start3A_4, %dma_start3A_5] : memref<16x160x128xi32, #tpu.memory_space<hbm>> -> memref<1x160x128xi32, #tpu.memory_space<hbm>>
    %dma_start3A_7 = tpu.memref_squeeze %dma_start3A_6 : memref<1x160x128xi32, #tpu.memory_space<hbm>> -> memref<160x128xi32, #tpu.memory_space<hbm>>
    tpu.enqueue_dma source(%dma_start3A_7 : memref<160x128xi32, #tpu.memory_space<hbm>>) target(%arg7 : memref<160x128xi32, #tpu.memory_space<vmem>>) target_semaphore(%arg11 : memref<!tpu.dma_semaphore, #tpu.memory_space<semaphore_mem>>)
    %dma_start3A_8 = arith.constant 0 : i32
    %dma_start3A_9 = arith.constant 0 : i32
    %dma_start3A_10 = tpu.memref_slice %arg3[%arg1, %dma_start3A_8, %dma_start3A_9] : memref<16x160x128xi32, #tpu.memory_space<hbm>> -> memref<1x160x128xi32, #tpu.memory_space<hbm>>
    %dma_start3A_11 = tpu.memref_squeeze %dma_start3A_10 : memref<1x160x128xi32, #tpu.memory_space<hbm>> -> memref<160x128xi32, #tpu.memory_space<hbm>>
    %dma_start3A_12 = arith.constant 0 : i32
    %dma_start3A_13 = arith.constant 0 : i32
    %dma_start3A_14 = tpu.memref_slice %arg3[%arg1, %dma_start3A_12, %dma_start3A_13] : memref<16x160x128xi32, #tpu.memory_space<hbm>> -> memref<1x160x128xi32, #tpu.memory_space<hbm>>
    %dma_start3A_15 = tpu.memref_squeeze %dma_start3A_14 : memref<1x160x128xi32, #tpu.memory_space<hbm>> -> memref<160x128xi32, #tpu.memory_space<hbm>>
    tpu.enqueue_dma source(%dma_start3A_15 : memref<160x128xi32, #tpu.memory_space<hbm>>) target(%arg8 : memref<160x128xi32, #tpu.memory_space<vmem>>) target_semaphore(%arg12 : memref<!tpu.dma_semaphore, #tpu.memory_space<semaphore_mem>>)
    %run_scoped3A = arith.constant 0 : i32
    "tpu.region"() ({
      %run_scoped3A_131 = tpu.sem_alloc : memref<!tpu.dma_semaphore, #tpu.memory_space<semaphore_mem>>
      %dma_start3A_132 = arith.constant 0 : i32
      %dma_start3A_133 = arith.constant 0 : i32
      %dma_start3A_134 = tpu.memref_slice %arg9[%run_scoped3A, %dma_start3A_132, %dma_start3A_133] : memref<5x128x64xf32, #tpu.memory_space<vmem>> -> memref<1x128x64xf32, #tpu.memory_space<vmem>>
      %dma_start3A_135 = tpu.memref_squeeze %dma_start3A_134 : memref<1x128x64xf32, #tpu.memory_space<vmem>> -> memref<128x64xf32, #tpu.memory_space<vmem>>
      %dma_start3A_136 = arith.constant 0 : i32
      %dma_start3A_137 = arith.constant 0 : i32
      %dma_start3A_138 = tpu.memref_slice %arg9[%run_scoped3A, %dma_start3A_136, %dma_start3A_137] : memref<5x128x64xf32, #tpu.memory_space<vmem>> -> memref<1x128x64xf32, #tpu.memory_space<vmem>>
      %dma_start3A_139 = tpu.memref_squeeze %dma_start3A_138 : memref<1x128x64xf32, #tpu.memory_space<vmem>> -> memref<128x64xf32, #tpu.memory_space<vmem>>
      tpu.enqueue_dma source(%arg5 : memref<128x64xf32, #tpu.memory_space<hbm>>) target(%dma_start3A_139 : memref<128x64xf32, #tpu.memory_space<vmem>>) target_semaphore(%run_scoped3A_131 : memref<!tpu.dma_semaphore, #tpu.memory_space<semaphore_mem>>)
      %dma_wait3A_140 = arith.constant 0 : i32
      %dma_wait3A_141 = arith.constant 0 : i32
      %dma_wait3A_142 = tpu.memref_slice %arg9[%run_scoped3A, %dma_wait3A_140, %dma_wait3A_141] : memref<5x128x64xf32, #tpu.memory_space<vmem>> -> memref<1x128x64xf32, #tpu.memory_space<vmem>>
      %dma_wait3A_143 = tpu.memref_squeeze %dma_wait3A_142 : memref<1x128x64xf32, #tpu.memory_space<vmem>> -> memref<128x64xf32, #tpu.memory_space<vmem>>
      %dma_wait3A_144 = arith.constant 0 : i32
      %dma_wait3A_145 = arith.constant 0 : i32
      %dma_wait3A_146 = tpu.memref_slice %arg9[%run_scoped3A, %dma_wait3A_144, %dma_wait3A_145] : memref<5x128x64xf32, #tpu.memory_space<vmem>> -> memref<1x128x64xf32, #tpu.memory_space<vmem>>
      %dma_wait3A_147 = tpu.memref_squeeze %dma_wait3A_146 : memref<1x128x64xf32, #tpu.memory_space<vmem>> -> memref<128x64xf32, #tpu.memory_space<vmem>>
      tpu.wait_dma2 semaphore(%run_scoped3A_131 : memref<!tpu.dma_semaphore, #tpu.memory_space<semaphore_mem>>) src(%arg5 : memref<128x64xf32, #tpu.memory_space<hbm>>) dst(%dma_wait3A_147 : memref<128x64xf32, #tpu.memory_space<vmem>>)
      tpu.yield
    }) : () -> ()
    %add3A = arith.constant 0 : i32
    %add3A_16 = arith.addi %mul3A_0, %add3A : i32
    %run_scoped3A_17 = arith.constant 0 : i32
    "tpu.region"() ({
      %run_scoped3A_131 = tpu.sem_alloc : memref<!tpu.dma_semaphore, #tpu.memory_space<semaphore_mem>>
      %dma_start3A_132 = arith.constant 0 : i32
      %dma_start3A_133 = arith.constant 0 : i32
      %dma_start3A_134 = tpu.memref_slice %arg9[%run_scoped3A_17, %dma_start3A_132, %dma_start3A_133] : memref<5x128x64xf32, #tpu.memory_space<vmem>> -> memref<1x128x64xf32, #tpu.memory_space<vmem>>
      %dma_start3A_135 = tpu.memref_squeeze %dma_start3A_134 : memref<1x128x64xf32, #tpu.memory_space<vmem>> -> memref<128x64xf32, #tpu.memory_space<vmem>>
      %dma_start3A_136 = arith.constant 0 : i32
      %dma_start3A_137 = tpu.memref_slice %arg10[%add3A_16, %dma_start3A_136] : memref<10240x64xf32, #tpu.memory_space<vmem_shared>> -> memref<128x64xf32, #tpu.memory_space<vmem_shared>>
      %dma_start3A_138 = arith.constant 0 : i32
      %dma_start3A_139 = tpu.memref_slice %arg10[%add3A_16, %dma_start3A_138] : memref<10240x64xf32, #tpu.memory_space<vmem_shared>> -> memref<128x64xf32, #tpu.memory_space<vmem_shared>>
      %dma_start3A_140 = arith.constant 0 : i32
      %dma_start3A_141 = arith.constant 0 : i32
      %dma_start3A_142 = tpu.memref_slice %arg9[%run_scoped3A_17, %dma_start3A_140, %dma_start3A_141] : memref<5x128x64xf32, #tpu.memory_space<vmem>> -> memref<1x128x64xf32, #tpu.memory_space<vmem>>
      %dma_start3A_143 = tpu.memref_squeeze %dma_start3A_142 : memref<1x128x64xf32, #tpu.memory_space<vmem>> -> memref<128x64xf32, #tpu.memory_space<vmem>>
      tpu.enqueue_dma source(%dma_start3A_143 : memref<128x64xf32, #tpu.memory_space<vmem>>) target(%dma_start3A_139 : memref<128x64xf32, #tpu.memory_space<vmem_shared>>) target_semaphore(%run_scoped3A_131 : memref<!tpu.dma_semaphore, #tpu.memory_space<semaphore_mem>>)
      %dma_wait3A_144 = arith.constant 0 : i32
      %dma_wait3A_145 = arith.constant 0 : i32
      %dma_wait3A_146 = tpu.memref_slice %arg9[%run_scoped3A_17, %dma_wait3A_144, %dma_wait3A_145] : memref<5x128x64xf32, #tpu.memory_space<vmem>> -> memref<1x128x64xf32, #tpu.memory_space<vmem>>
      %dma_wait3A_147 = tpu.memref_squeeze %dma_wait3A_146 : memref<1x128x64xf32, #tpu.memory_space<vmem>> -> memref<128x64xf32, #tpu.memory_space<vmem>>
      %dma_wait3A_148 = arith.constant 0 : i32
      %dma_wait3A_149 = tpu.memref_slice %arg10[%add3A_16, %dma_wait3A_148] : memref<10240x64xf32, #tpu.memory_space<vmem_shared>> -> memref<128x64xf32, #tpu.memory_space<vmem_shared>>
      %dma_wait3A_150 = arith.constant 0 : i32
      %dma_wait3A_151 = tpu.memref_slice %arg10[%add3A_16, %dma_wait3A_150] : memref<10240x64xf32, #tpu.memory_space<vmem_shared>> -> memref<128x64xf32, #tpu.memory_space<vmem_shared>>
      %dma_wait3A_152 = arith.constant 0 : i32
      %dma_wait3A_153 = arith.constant 0 : i32
      %dma_wait3A_154 = tpu.memref_slice %arg9[%run_scoped3A_17, %dma_wait3A_152, %dma_wait3A_153] : memref<5x128x64xf32, #tpu.memory_space<vmem>> -> memref<1x128x64xf32, #tpu.memory_space<vmem>>
      %dma_wait3A_155 = tpu.memref_squeeze %dma_wait3A_154 : memref<1x128x64xf32, #tpu.memory_space<vmem>> -> memref<128x64xf32, #tpu.memory_space<vmem>>
      tpu.wait_dma2 semaphore(%run_scoped3A_131 : memref<!tpu.dma_semaphore, #tpu.memory_space<semaphore_mem>>) src(%dma_wait3A_155 : memref<128x64xf32, #tpu.memory_space<vmem>>) dst(%dma_wait3A_151 : memref<128x64xf32, #tpu.memory_space<vmem_shared>>)
      tpu.yield
    }) : () -> ()
    %add3A_18 = arith.constant 128 : i32
    %add3A_19 = arith.addi %mul3A_0, %add3A_18 : i32
    %run_scoped3A_20 = arith.constant 0 : i32
    "tpu.region"() ({
      %run_scoped3A_131 = tpu.sem_alloc : memref<!tpu.dma_semaphore, #tpu.memory_space<semaphore_mem>>
      %dma_start3A_132 = arith.constant 0 : i32
      %dma_start3A_133 = arith.constant 0 : i32
      %dma_start3A_134 = tpu.memref_slice %arg9[%run_scoped3A_20, %dma_start3A_132, %dma_start3A_133] : memref<5x128x64xf32, #tpu.memory_space<vmem>> -> memref<1x128x64xf32, #tpu.memory_space<vmem>>
      %dma_start3A_135 = tpu.memref_squeeze %dma_start3A_134 : memref<1x128x64xf32, #tpu.memory_space<vmem>> -> memref<128x64xf32, #tpu.memory_space<vmem>>
      %dma_start3A_136 = arith.constant 0 : i32
      %dma_start3A_137 = tpu.memref_slice %arg10[%add3A_19, %dma_start3A_136] : memref<10240x64xf32, #tpu.memory_space<vmem_shared>> -> memref<128x64xf32, #tpu.memory_space<vmem_shared>>
      %dma_start3A_138 = arith.constant 0 : i32
      %dma_start3A_139 = tpu.memref_slice %arg10[%add3A_19, %dma_start3A_138] : memref<10240x64xf32, #tpu.memory_space<vmem_shared>> -> memref<128x64xf32, #tpu.memory_space<vmem_shared>>
      %dma_start3A_140 = arith.constant 0 : i32
      %dma_start3A_141 = arith.constant 0 : i32
      %dma_start3A_142 = tpu.memref_slice %arg9[%run_scoped3A_20, %dma_start3A_140, %dma_start3A_141] : memref<5x128x64xf32, #tpu.memory_space<vmem>> -> memref<1x128x64xf32, #tpu.memory_space<vmem>>
      %dma_start3A_143 = tpu.memref_squeeze %dma_start3A_142 : memref<1x128x64xf32, #tpu.memory_space<vmem>> -> memref<128x64xf32, #tpu.memory_space<vmem>>
      tpu.enqueue_dma source(%dma_start3A_143 : memref<128x64xf32, #tpu.memory_space<vmem>>) target(%dma_start3A_139 : memref<128x64xf32, #tpu.memory_space<vmem_shared>>) target_semaphore(%run_scoped3A_131 : memref<!tpu.dma_semaphore, #tpu.memory_space<semaphore_mem>>)
      %dma_wait3A_144 = arith.constant 0 : i32
      %dma_wait3A_145 = arith.constant 0 : i32
      %dma_wait3A_146 = tpu.memref_slice %arg9[%run_scoped3A_20, %dma_wait3A_144, %dma_wait3A_145] : memref<5x128x64xf32, #tpu.memory_space<vmem>> -> memref<1x128x64xf32, #tpu.memory_space<vmem>>
      %dma_wait3A_147 = tpu.memref_squeeze %dma_wait3A_146 : memref<1x128x64xf32, #tpu.memory_space<vmem>> -> memref<128x64xf32, #tpu.memory_space<vmem>>
      %dma_wait3A_148 = arith.constant 0 : i32
      %dma_wait3A_149 = tpu.memref_slice %arg10[%add3A_19, %dma_wait3A_148] : memref<10240x64xf32, #tpu.memory_space<vmem_shared>> -> memref<128x64xf32, #tpu.memory_space<vmem_shared>>
      %dma_wait3A_150 = arith.constant 0 : i32
      %dma_wait3A_151 = tpu.memref_slice %arg10[%add3A_19, %dma_wait3A_150] : memref<10240x64xf32, #tpu.memory_space<vmem_shared>> -> memref<128x64xf32, #tpu.memory_space<vmem_shared>>
      %dma_wait3A_152 = arith.constant 0 : i32
      %dma_wait3A_153 = arith.constant 0 : i32
      %dma_wait3A_154 = tpu.memref_slice %arg9[%run_scoped3A_20, %dma_wait3A_152, %dma_wait3A_153] : memref<5x128x64xf32, #tpu.memory_space<vmem>> -> memref<1x128x64xf32, #tpu.memory_space<vmem>>
      %dma_wait3A_155 = tpu.memref_squeeze %dma_wait3A_154 : memref<1x128x64xf32, #tpu.memory_space<vmem>> -> memref<128x64xf32, #tpu.memory_space<vmem>>
      tpu.wait_dma2 semaphore(%run_scoped3A_131 : memref<!tpu.dma_semaphore, #tpu.memory_space<semaphore_mem>>) src(%dma_wait3A_155 : memref<128x64xf32, #tpu.memory_space<vmem>>) dst(%dma_wait3A_151 : memref<128x64xf32, #tpu.memory_space<vmem_shared>>)
      tpu.yield
    }) : () -> ()
    %add3A_21 = arith.constant 256 : i32
    %add3A_22 = arith.addi %mul3A_0, %add3A_21 : i32
    %run_scoped3A_23 = arith.constant 0 : i32
    "tpu.region"() ({
      %run_scoped3A_131 = tpu.sem_alloc : memref<!tpu.dma_semaphore, #tpu.memory_space<semaphore_mem>>
      %dma_start3A_132 = arith.constant 0 : i32
      %dma_start3A_133 = arith.constant 0 : i32
      %dma_start3A_134 = tpu.memref_slice %arg9[%run_scoped3A_23, %dma_start3A_132, %dma_start3A_133] : memref<5x128x64xf32, #tpu.memory_space<vmem>> -> memref<1x128x64xf32, #tpu.memory_space<vmem>>
      %dma_start3A_135 = tpu.memref_squeeze %dma_start3A_134 : memref<1x128x64xf32, #tpu.memory_space<vmem>> -> memref<128x64xf32, #tpu.memory_space<vmem>>
      %dma_start3A_136 = arith.constant 0 : i32
      %dma_start3A_137 = tpu.memref_slice %arg10[%add3A_22, %dma_start3A_136] : memref<10240x64xf32, #tpu.memory_space<vmem_shared>> -> memref<128x64xf32, #tpu.memory_space<vmem_shared>>
      %dma_start3A_138 = arith.constant 0 : i32
      %dma_start3A_139 = tpu.memref_slice %arg10[%add3A_22, %dma_start3A_138] : memref<10240x64xf32, #tpu.memory_space<vmem_shared>> -> memref<128x64xf32, #tpu.memory_space<vmem_shared>>
      %dma_start3A_140 = arith.constant 0 : i32
      %dma_start3A_141 = arith.constant 0 : i32
      %dma_start3A_142 = tpu.memref_slice %arg9[%run_scoped3A_23, %dma_start3A_140, %dma_start3A_141] : memref<5x128x64xf32, #tpu.memory_space<vmem>> -> memref<1x128x64xf32, #tpu.memory_space<vmem>>
      %dma_start3A_143 = tpu.memref_squeeze %dma_start3A_142 : memref<1x128x64xf32, #tpu.memory_space<vmem>> -> memref<128x64xf32, #tpu.memory_space<vmem>>
      tpu.enqueue_dma source(%dma_start3A_143 : memref<128x64xf32, #tpu.memory_space<vmem>>) target(%dma_start3A_139 : memref<128x64xf32, #tpu.memory_space<vmem_shared>>) target_semaphore(%run_scoped3A_131 : memref<!tpu.dma_semaphore, #tpu.memory_space<semaphore_mem>>)
      %dma_wait3A_144 = arith.constant 0 : i32
      %dma_wait3A_145 = arith.constant 0 : i32
      %dma_wait3A_146 = tpu.memref_slice %arg9[%run_scoped3A_23, %dma_wait3A_144, %dma_wait3A_145] : memref<5x128x64xf32, #tpu.memory_space<vmem>> -> memref<1x128x64xf32, #tpu.memory_space<vmem>>
      %dma_wait3A_147 = tpu.memref_squeeze %dma_wait3A_146 : memref<1x128x64xf32, #tpu.memory_space<vmem>> -> memref<128x64xf32, #tpu.memory_space<vmem>>
      %dma_wait3A_148 = arith.constant 0 : i32
      %dma_wait3A_149 = tpu.memref_slice %arg10[%add3A_22, %dma_wait3A_148] : memref<10240x64xf32, #tpu.memory_space<vmem_shared>> -> memref<128x64xf32, #tpu.memory_space<vmem_shared>>
      %dma_wait3A_150 = arith.constant 0 : i32
      %dma_wait3A_151 = tpu.memref_slice %arg10[%add3A_22, %dma_wait3A_150] : memref<10240x64xf32, #tpu.memory_space<vmem_shared>> -> memref<128x64xf32, #tpu.memory_space<vmem_shared>>
      %dma_wait3A_152 = arith.constant 0 : i32
      %dma_wait3A_153 = arith.constant 0 : i32
      %dma_wait3A_154 = tpu.memref_slice %arg9[%run_scoped3A_23, %dma_wait3A_152, %dma_wait3A_153] : memref<5x128x64xf32, #tpu.memory_space<vmem>> -> memref<1x128x64xf32, #tpu.memory_space<vmem>>
      %dma_wait3A_155 = tpu.memref_squeeze %dma_wait3A_154 : memref<1x128x64xf32, #tpu.memory_space<vmem>> -> memref<128x64xf32, #tpu.memory_space<vmem>>
      tpu.wait_dma2 semaphore(%run_scoped3A_131 : memref<!tpu.dma_semaphore, #tpu.memory_space<semaphore_mem>>) src(%dma_wait3A_155 : memref<128x64xf32, #tpu.memory_space<vmem>>) dst(%dma_wait3A_151 : memref<128x64xf32, #tpu.memory_space<vmem_shared>>)
      tpu.yield
    }) : () -> ()
    %add3A_24 = arith.constant 384 : i32
    %add3A_25 = arith.addi %mul3A_0, %add3A_24 : i32
    %run_scoped3A_26 = arith.constant 0 : i32
    "tpu.region"() ({
      %run_scoped3A_131 = tpu.sem_alloc : memref<!tpu.dma_semaphore, #tpu.memory_space<semaphore_mem>>
      %dma_start3A_132 = arith.constant 0 : i32
      %dma_start3A_133 = arith.constant 0 : i32
      %dma_start3A_134 = tpu.memref_slice %arg9[%run_scoped3A_26, %dma_start3A_132, %dma_start3A_133] : memref<5x128x64xf32, #tpu.memory_space<vmem>> -> memref<1x128x64xf32, #tpu.memory_space<vmem>>
      %dma_start3A_135 = tpu.memref_squeeze %dma_start3A_134 : memref<1x128x64xf32, #tpu.memory_space<vmem>> -> memref<128x64xf32, #tpu.memory_space<vmem>>
      %dma_start3A_136 = arith.constant 0 : i32
      %dma_start3A_137 = tpu.memref_slice %arg10[%add3A_25, %dma_start3A_136] : memref<10240x64xf32, #tpu.memory_space<vmem_shared>> -> memref<128x64xf32, #tpu.memory_space<vmem_shared>>
      %dma_start3A_138 = arith.constant 0 : i32
      %dma_start3A_139 = tpu.memref_slice %arg10[%add3A_25, %dma_start3A_138] : memref<10240x64xf32, #tpu.memory_space<vmem_shared>> -> memref<128x64xf32, #tpu.memory_space<vmem_shared>>
      %dma_start3A_140 = arith.constant 0 : i32
      %dma_start3A_141 = arith.constant 0 : i32
      %dma_start3A_142 = tpu.memref_slice %arg9[%run_scoped3A_26, %dma_start3A_140, %dma_start3A_141] : memref<5x128x64xf32, #tpu.memory_space<vmem>> -> memref<1x128x64xf32, #tpu.memory_space<vmem>>
      %dma_start3A_143 = tpu.memref_squeeze %dma_start3A_142 : memref<1x128x64xf32, #tpu.memory_space<vmem>> -> memref<128x64xf32, #tpu.memory_space<vmem>>
      tpu.enqueue_dma source(%dma_start3A_143 : memref<128x64xf32, #tpu.memory_space<vmem>>) target(%dma_start3A_139 : memref<128x64xf32, #tpu.memory_space<vmem_shared>>) target_semaphore(%run_scoped3A_131 : memref<!tpu.dma_semaphore, #tpu.memory_space<semaphore_mem>>)
      %dma_wait3A_144 = arith.constant 0 : i32
      %dma_wait3A_145 = arith.constant 0 : i32
      %dma_wait3A_146 = tpu.memref_slice %arg9[%run_scoped3A_26, %dma_wait3A_144, %dma_wait3A_145] : memref<5x128x64xf32, #tpu.memory_space<vmem>> -> memref<1x128x64xf32, #tpu.memory_space<vmem>>
      %dma_wait3A_147 = tpu.memref_squeeze %dma_wait3A_146 : memref<1x128x64xf32, #tpu.memory_space<vmem>> -> memref<128x64xf32, #tpu.memory_space<vmem>>
      %dma_wait3A_148 = arith.constant 0 : i32
      %dma_wait3A_149 = tpu.memref_slice %arg10[%add3A_25, %dma_wait3A_148] : memref<10240x64xf32, #tpu.memory_space<vmem_shared>> -> memref<128x64xf32, #tpu.memory_space<vmem_shared>>
      %dma_wait3A_150 = arith.constant 0 : i32
      %dma_wait3A_151 = tpu.memref_slice %arg10[%add3A_25, %dma_wait3A_150] : memref<10240x64xf32, #tpu.memory_space<vmem_shared>> -> memref<128x64xf32, #tpu.memory_space<vmem_shared>>
      %dma_wait3A_152 = arith.constant 0 : i32
      %dma_wait3A_153 = arith.constant 0 : i32
      %dma_wait3A_154 = tpu.memref_slice %arg9[%run_scoped3A_26, %dma_wait3A_152, %dma_wait3A_153] : memref<5x128x64xf32, #tpu.memory_space<vmem>> -> memref<1x128x64xf32, #tpu.memory_space<vmem>>
      %dma_wait3A_155 = tpu.memref_squeeze %dma_wait3A_154 : memref<1x128x64xf32, #tpu.memory_space<vmem>> -> memref<128x64xf32, #tpu.memory_space<vmem>>
      tpu.wait_dma2 semaphore(%run_scoped3A_131 : memref<!tpu.dma_semaphore, #tpu.memory_space<semaphore_mem>>) src(%dma_wait3A_155 : memref<128x64xf32, #tpu.memory_space<vmem>>) dst(%dma_wait3A_151 : memref<128x64xf32, #tpu.memory_space<vmem_shared>>)
      tpu.yield
    }) : () -> ()
    %add3A_27 = arith.constant 512 : i32
    %add3A_28 = arith.addi %mul3A_0, %add3A_27 : i32
    %run_scoped3A_29 = arith.constant 0 : i32
    "tpu.region"() ({
      %run_scoped3A_131 = tpu.sem_alloc : memref<!tpu.dma_semaphore, #tpu.memory_space<semaphore_mem>>
      %dma_start3A_132 = arith.constant 0 : i32
      %dma_start3A_133 = arith.constant 0 : i32
      %dma_start3A_134 = tpu.memref_slice %arg9[%run_scoped3A_29, %dma_start3A_132, %dma_start3A_133] : memref<5x128x64xf32, #tpu.memory_space<vmem>> -> memref<1x128x64xf32, #tpu.memory_space<vmem>>
      %dma_start3A_135 = tpu.memref_squeeze %dma_start3A_134 : memref<1x128x64xf32, #tpu.memory_space<vmem>> -> memref<128x64xf32, #tpu.memory_space<vmem>>
      %dma_start3A_136 = arith.constant 0 : i32
      %dma_start3A_137 = tpu.memref_slice %arg10[%add3A_28, %dma_start3A_136] : memref<10240x64xf32, #tpu.memory_space<vmem_shared>> -> memref<128x64xf32, #tpu.memory_space<vmem_shared>>
      %dma_start3A_138 = arith.constant 0 : i32
      %dma_start3A_139 = tpu.memref_slice %arg10[%add3A_28, %dma_start3A_138] : memref<10240x64xf32, #tpu.memory_space<vmem_shared>> -> memref<128x64xf32, #tpu.memory_space<vmem_shared>>
      %dma_start3A_140 = arith.constant 0 : i32
      %dma_start3A_141 = arith.constant 0 : i32
      %dma_start3A_142 = tpu.memref_slice %arg9[%run_scoped3A_29, %dma_start3A_140, %dma_start3A_141] : memref<5x128x64xf32, #tpu.memory_space<vmem>> -> memref<1x128x64xf32, #tpu.memory_space<vmem>>
      %dma_start3A_143 = tpu.memref_squeeze %dma_start3A_142 : memref<1x128x64xf32, #tpu.memory_space<vmem>> -> memref<128x64xf32, #tpu.memory_space<vmem>>
      tpu.enqueue_dma source(%dma_start3A_143 : memref<128x64xf32, #tpu.memory_space<vmem>>) target(%dma_start3A_139 : memref<128x64xf32, #tpu.memory_space<vmem_shared>>) target_semaphore(%run_scoped3A_131 : memref<!tpu.dma_semaphore, #tpu.memory_space<semaphore_mem>>)
      %dma_wait3A_144 = arith.constant 0 : i32
      %dma_wait3A_145 = arith.constant 0 : i32
      %dma_wait3A_146 = tpu.memref_slice %arg9[%run_scoped3A_29, %dma_wait3A_144, %dma_wait3A_145] : memref<5x128x64xf32, #tpu.memory_space<vmem>> -> memref<1x128x64xf32, #tpu.memory_space<vmem>>
      %dma_wait3A_147 = tpu.memref_squeeze %dma_wait3A_146 : memref<1x128x64xf32, #tpu.memory_space<vmem>> -> memref<128x64xf32, #tpu.memory_space<vmem>>
      %dma_wait3A_148 = arith.constant 0 : i32
      %dma_wait3A_149 = tpu.memref_slice %arg10[%add3A_28, %dma_wait3A_148] : memref<10240x64xf32, #tpu.memory_space<vmem_shared>> -> memref<128x64xf32, #tpu.memory_space<vmem_shared>>
      %dma_wait3A_150 = arith.constant 0 : i32
      %dma_wait3A_151 = tpu.memref_slice %arg10[%add3A_28, %dma_wait3A_150] : memref<10240x64xf32, #tpu.memory_space<vmem_shared>> -> memref<128x64xf32, #tpu.memory_space<vmem_shared>>
      %dma_wait3A_152 = arith.constant 0 : i32
      %dma_wait3A_153 = arith.constant 0 : i32
      %dma_wait3A_154 = tpu.memref_slice %arg9[%run_scoped3A_29, %dma_wait3A_152, %dma_wait3A_153] : memref<5x128x64xf32, #tpu.memory_space<vmem>> -> memref<1x128x64xf32, #tpu.memory_space<vmem>>
      %dma_wait3A_155 = tpu.memref_squeeze %dma_wait3A_154 : memref<1x128x64xf32, #tpu.memory_space<vmem>> -> memref<128x64xf32, #tpu.memory_space<vmem>>
      tpu.wait_dma2 semaphore(%run_scoped3A_131 : memref<!tpu.dma_semaphore, #tpu.memory_space<semaphore_mem>>) src(%dma_wait3A_155 : memref<128x64xf32, #tpu.memory_space<vmem>>) dst(%dma_wait3A_151 : memref<128x64xf32, #tpu.memory_space<vmem_shared>>)
      tpu.yield
    }) : () -> ()
    %dma_wait3A = arith.constant 0 : i32
    %dma_wait3A_30 = arith.constant 0 : i32
    %dma_wait3A_31 = tpu.memref_slice %arg2[%arg1, %dma_wait3A, %dma_wait3A_30] : memref<16x160x128xi32, #tpu.memory_space<hbm>> -> memref<1x160x128xi32, #tpu.memory_space<hbm>>
    %dma_wait3A_32 = tpu.memref_squeeze %dma_wait3A_31 : memref<1x160x128xi32, #tpu.memory_space<hbm>> -> memref<160x128xi32, #tpu.memory_space<hbm>>
    %dma_wait3A_33 = arith.constant 0 : i32
    %dma_wait3A_34 = arith.constant 0 : i32
    %dma_wait3A_35 = tpu.memref_slice %arg2[%arg1, %dma_wait3A_33, %dma_wait3A_34] : memref<16x160x128xi32, #tpu.memory_space<hbm>> -> memref<1x160x128xi32, #tpu.memory_space<hbm>>
    %dma_wait3A_36 = tpu.memref_squeeze %dma_wait3A_35 : memref<1x160x128xi32, #tpu.memory_space<hbm>> -> memref<160x128xi32, #tpu.memory_space<hbm>>
    tpu.wait_dma2 semaphore(%arg11 : memref<!tpu.dma_semaphore, #tpu.memory_space<semaphore_mem>>) src(%dma_wait3A_36 : memref<160x128xi32, #tpu.memory_space<hbm>>) dst(%arg7 : memref<160x128xi32, #tpu.memory_space<vmem>>)
    %dma_wait3A_37 = arith.constant 0 : i32
    %dma_wait3A_38 = arith.constant 0 : i32
    %dma_wait3A_39 = tpu.memref_slice %arg3[%arg1, %dma_wait3A_37, %dma_wait3A_38] : memref<16x160x128xi32, #tpu.memory_space<hbm>> -> memref<1x160x128xi32, #tpu.memory_space<hbm>>
    %dma_wait3A_40 = tpu.memref_squeeze %dma_wait3A_39 : memref<1x160x128xi32, #tpu.memory_space<hbm>> -> memref<160x128xi32, #tpu.memory_space<hbm>>
    %dma_wait3A_41 = arith.constant 0 : i32
    %dma_wait3A_42 = arith.constant 0 : i32
    %dma_wait3A_43 = tpu.memref_slice %arg3[%arg1, %dma_wait3A_41, %dma_wait3A_42] : memref<16x160x128xi32, #tpu.memory_space<hbm>> -> memref<1x160x128xi32, #tpu.memory_space<hbm>>
    %dma_wait3A_44 = tpu.memref_squeeze %dma_wait3A_43 : memref<1x160x128xi32, #tpu.memory_space<hbm>> -> memref<160x128xi32, #tpu.memory_space<hbm>>
    tpu.wait_dma2 semaphore(%arg12 : memref<!tpu.dma_semaphore, #tpu.memory_space<semaphore_mem>>) src(%dma_wait3A_44 : memref<160x128xi32, #tpu.memory_space<hbm>>) dst(%arg8 : memref<160x128xi32, #tpu.memory_space<vmem>>)
    %barrier3A = arith.constant 0 : index
    tpu.barrier barrier_id(%barrier3A)
    %dma_start3A_45 = arith.constant 0 : i32
    %dma_start3A_46 = arith.constant 0 : i32
    %dma_start3A_47 = arith.constant 0 : i32
    %dma_start3A_48 = arith.constant 0 : i32
    %dma_start3A_49 = tpu.memref_slice %arg9[%dma_start3A_46, %dma_start3A_47, %dma_start3A_48] : memref<5x128x64xf32, #tpu.memory_space<vmem>> -> memref<1x128x64xf32, #tpu.memory_space<vmem>>
    %dma_start3A_50 = tpu.memref_squeeze %dma_start3A_49 : memref<1x128x64xf32, #tpu.memory_space<vmem>> -> memref<128x64xf32, #tpu.memory_space<vmem>>
    %dma_start3A_51 = arith.constant 0 : i32
    %dma_start3A_52 = tpu.memref_slice %arg7[%dma_start3A_45, %dma_start3A_51] : memref<160x128xi32, #tpu.memory_space<vmem>> -> memref<1x128xi32, #tpu.memory_space<vmem>>
    %dma_start3A_53 = tpu.memref_squeeze %dma_start3A_52 : memref<1x128xi32, #tpu.memory_space<vmem>> -> memref<128xi32, #tpu.memory_space<vmem>>
    %dma_start3A_54 = arith.constant 0 : i32
    %dma_start3A_55 = arith.constant 0 : i32
    %dma_start3A_56 = tpu.memref_slice %arg4[%arg0, %dma_start3A_54, %dma_start3A_55] : memref<2x10000x64xf32, #tpu.memory_space<hbm>> -> memref<1x10000x64xf32, #tpu.memory_space<hbm>>
    %dma_start3A_57 = tpu.memref_squeeze %dma_start3A_56 : memref<1x10000x64xf32, #tpu.memory_space<hbm>> -> memref<10000x64xf32, #tpu.memory_space<hbm>>
    %dma_start3A_58 = arith.constant 0 : i32
    %dma_start3A_59 = arith.constant 0 : i32
    %dma_start3A_60 = tpu.memref_slice %dma_start3A_57[%dma_start3A_58, %dma_start3A_59] : memref<10000x64xf32, #tpu.memory_space<hbm>> -> memref<10000x64xf32, #tpu.memory_space<hbm>>
    tpu.enqueue_indirect_dma source(%dma_start3A_60 : memref<10000x64xf32, #tpu.memory_space<hbm>>) target(%dma_start3A_50 : memref<128x64xf32, #tpu.memory_space<vmem>>) offsets(%dma_start3A_53 : memref<128xi32, #tpu.memory_space<vmem>>) semaphore(%arg11 : memref<!tpu.dma_semaphore, #tpu.memory_space<semaphore_mem>>)
    %dma_start3A_61 = arith.constant 1 : i32
    %dma_start3A_62 = arith.constant 1 : i32
    %dma_start3A_63 = arith.constant 0 : i32
    %dma_start3A_64 = arith.constant 0 : i32
    %dma_start3A_65 = tpu.memref_slice %arg9[%dma_start3A_62, %dma_start3A_63, %dma_start3A_64] : memref<5x128x64xf32, #tpu.memory_space<vmem>> -> memref<1x128x64xf32, #tpu.memory_space<vmem>>
    %dma_start3A_66 = tpu.memref_squeeze %dma_start3A_65 : memref<1x128x64xf32, #tpu.memory_space<vmem>> -> memref<128x64xf32, #tpu.memory_space<vmem>>
    %dma_start3A_67 = arith.constant 0 : i32
    %dma_start3A_68 = tpu.memref_slice %arg7[%dma_start3A_61, %dma_start3A_67] : memref<160x128xi32, #tpu.memory_space<vmem>> -> memref<1x128xi32, #tpu.memory_space<vmem>>
    %dma_start3A_69 = tpu.memref_squeeze %dma_start3A_68 : memref<1x128xi32, #tpu.memory_space<vmem>> -> memref<128xi32, #tpu.memory_space<vmem>>
    %dma_start3A_70 = arith.constant 0 : i32
    %dma_start3A_71 = arith.constant 0 : i32
    %dma_start3A_72 = tpu.memref_slice %arg4[%arg0, %dma_start3A_70, %dma_start3A_71] : memref<2x10000x64xf32, #tpu.memory_space<hbm>> -> memref<1x10000x64xf32, #tpu.memory_space<hbm>>
    %dma_start3A_73 = tpu.memref_squeeze %dma_start3A_72 : memref<1x10000x64xf32, #tpu.memory_space<hbm>> -> memref<10000x64xf32, #tpu.memory_space<hbm>>
    %dma_start3A_74 = arith.constant 0 : i32
    %dma_start3A_75 = arith.constant 0 : i32
    %dma_start3A_76 = tpu.memref_slice %dma_start3A_73[%dma_start3A_74, %dma_start3A_75] : memref<10000x64xf32, #tpu.memory_space<hbm>> -> memref<10000x64xf32, #tpu.memory_space<hbm>>
    tpu.enqueue_indirect_dma source(%dma_start3A_76 : memref<10000x64xf32, #tpu.memory_space<hbm>>) target(%dma_start3A_66 : memref<128x64xf32, #tpu.memory_space<vmem>>) offsets(%dma_start3A_69 : memref<128xi32, #tpu.memory_space<vmem>>) semaphore(%arg12 : memref<!tpu.dma_semaphore, #tpu.memory_space<semaphore_mem>>)
    %dma_start3A_77 = arith.constant 2 : i32
    %dma_start3A_78 = arith.constant 2 : i32
    %dma_start3A_79 = arith.constant 0 : i32
    %dma_start3A_80 = arith.constant 0 : i32
    %dma_start3A_81 = tpu.memref_slice %arg9[%dma_start3A_78, %dma_start3A_79, %dma_start3A_80] : memref<5x128x64xf32, #tpu.memory_space<vmem>> -> memref<1x128x64xf32, #tpu.memory_space<vmem>>
    %dma_start3A_82 = tpu.memref_squeeze %dma_start3A_81 : memref<1x128x64xf32, #tpu.memory_space<vmem>> -> memref<128x64xf32, #tpu.memory_space<vmem>>
    %dma_start3A_83 = arith.constant 0 : i32
    %dma_start3A_84 = tpu.memref_slice %arg7[%dma_start3A_77, %dma_start3A_83] : memref<160x128xi32, #tpu.memory_space<vmem>> -> memref<1x128xi32, #tpu.memory_space<vmem>>
    %dma_start3A_85 = tpu.memref_squeeze %dma_start3A_84 : memref<1x128xi32, #tpu.memory_space<vmem>> -> memref<128xi32, #tpu.memory_space<vmem>>
    %dma_start3A_86 = arith.constant 0 : i32
    %dma_start3A_87 = arith.constant 0 : i32
    %dma_start3A_88 = tpu.memref_slice %arg4[%arg0, %dma_start3A_86, %dma_start3A_87] : memref<2x10000x64xf32, #tpu.memory_space<hbm>> -> memref<1x10000x64xf32, #tpu.memory_space<hbm>>
    %dma_start3A_89 = tpu.memref_squeeze %dma_start3A_88 : memref<1x10000x64xf32, #tpu.memory_space<hbm>> -> memref<10000x64xf32, #tpu.memory_space<hbm>>
    %dma_start3A_90 = arith.constant 0 : i32
    %dma_start3A_91 = arith.constant 0 : i32
    %dma_start3A_92 = tpu.memref_slice %dma_start3A_89[%dma_start3A_90, %dma_start3A_91] : memref<10000x64xf32, #tpu.memory_space<hbm>> -> memref<10000x64xf32, #tpu.memory_space<hbm>>
    tpu.enqueue_indirect_dma source(%dma_start3A_92 : memref<10000x64xf32, #tpu.memory_space<hbm>>) target(%dma_start3A_82 : memref<128x64xf32, #tpu.memory_space<vmem>>) offsets(%dma_start3A_85 : memref<128xi32, #tpu.memory_space<vmem>>) semaphore(%arg13 : memref<!tpu.dma_semaphore, #tpu.memory_space<semaphore_mem>>)
    %dma_start3A_93 = arith.constant 3 : i32
    %dma_start3A_94 = arith.constant 3 : i32
    %dma_start3A_95 = arith.constant 0 : i32
    %dma_start3A_96 = arith.constant 0 : i32
    %dma_start3A_97 = tpu.memref_slice %arg9[%dma_start3A_94, %dma_start3A_95, %dma_start3A_96] : memref<5x128x64xf32, #tpu.memory_space<vmem>> -> memref<1x128x64xf32, #tpu.memory_space<vmem>>
    %dma_start3A_98 = tpu.memref_squeeze %dma_start3A_97 : memref<1x128x64xf32, #tpu.memory_space<vmem>> -> memref<128x64xf32, #tpu.memory_space<vmem>>
    %dma_start3A_99 = arith.constant 0 : i32
    %dma_start3A_100 = tpu.memref_slice %arg7[%dma_start3A_93, %dma_start3A_99] : memref<160x128xi32, #tpu.memory_space<vmem>> -> memref<1x128xi32, #tpu.memory_space<vmem>>
    %dma_start3A_101 = tpu.memref_squeeze %dma_start3A_100 : memref<1x128xi32, #tpu.memory_space<vmem>> -> memref<128xi32, #tpu.memory_space<vmem>>
    %dma_start3A_102 = arith.constant 0 : i32
    %dma_start3A_103 = arith.constant 0 : i32
    %dma_start3A_104 = tpu.memref_slice %arg4[%arg0, %dma_start3A_102, %dma_start3A_103] : memref<2x10000x64xf32, #tpu.memory_space<hbm>> -> memref<1x10000x64xf32, #tpu.memory_space<hbm>>
    %dma_start3A_105 = tpu.memref_squeeze %dma_start3A_104 : memref<1x10000x64xf32, #tpu.memory_space<hbm>> -> memref<10000x64xf32, #tpu.memory_space<hbm>>
    %dma_start3A_106 = arith.constant 0 : i32
    %dma_start3A_107 = arith.constant 0 : i32
    %dma_start3A_108 = tpu.memref_slice %dma_start3A_105[%dma_start3A_106, %dma_start3A_107] : memref<10000x64xf32, #tpu.memory_space<hbm>> -> memref<10000x64xf32, #tpu.memory_space<hbm>>
    tpu.enqueue_indirect_dma source(%dma_start3A_108 : memref<10000x64xf32, #tpu.memory_space<hbm>>) target(%dma_start3A_98 : memref<128x64xf32, #tpu.memory_space<vmem>>) offsets(%dma_start3A_101 : memref<128xi32, #tpu.memory_space<vmem>>) semaphore(%arg14 : memref<!tpu.dma_semaphore, #tpu.memory_space<semaphore_mem>>)
    %dma_start3A_109 = arith.constant 4 : i32
    %dma_start3A_110 = arith.constant 4 : i32
    %dma_start3A_111 = arith.constant 0 : i32
    %dma_start3A_112 = arith.constant 0 : i32
    %dma_start3A_113 = tpu.memref_slice %arg9[%dma_start3A_110, %dma_start3A_111, %dma_start3A_112] : memref<5x128x64xf32, #tpu.memory_space<vmem>> -> memref<1x128x64xf32, #tpu.memory_space<vmem>>
    %dma_start3A_114 = tpu.memref_squeeze %dma_start3A_113 : memref<1x128x64xf32, #tpu.memory_space<vmem>> -> memref<128x64xf32, #tpu.memory_space<vmem>>
    %dma_start3A_115 = arith.constant 0 : i32
    %dma_start3A_116 = tpu.memref_slice %arg7[%dma_start3A_109, %dma_start3A_115] : memref<160x128xi32, #tpu.memory_space<vmem>> -> memref<1x128xi32, #tpu.memory_space<vmem>>
    %dma_start3A_117 = tpu.memref_squeeze %dma_start3A_116 : memref<1x128xi32, #tpu.memory_space<vmem>> -> memref<128xi32, #tpu.memory_space<vmem>>
    %dma_start3A_118 = arith.constant 0 : i32
    %dma_start3A_119 = arith.constant 0 : i32
    %dma_start3A_120 = tpu.memref_slice %arg4[%arg0, %dma_start3A_118, %dma_start3A_119] : memref<2x10000x64xf32, #tpu.memory_space<hbm>> -> memref<1x10000x64xf32, #tpu.memory_space<hbm>>
    %dma_start3A_121 = tpu.memref_squeeze %dma_start3A_120 : memref<1x10000x64xf32, #tpu.memory_space<hbm>> -> memref<10000x64xf32, #tpu.memory_space<hbm>>
    %dma_start3A_122 = arith.constant 0 : i32
    %dma_start3A_123 = arith.constant 0 : i32
    %dma_start3A_124 = tpu.memref_slice %dma_start3A_121[%dma_start3A_122, %dma_start3A_123] : memref<10000x64xf32, #tpu.memory_space<hbm>> -> memref<10000x64xf32, #tpu.memory_space<hbm>>
    tpu.enqueue_indirect_dma source(%dma_start3A_124 : memref<10000x64xf32, #tpu.memory_space<hbm>>) target(%dma_start3A_114 : memref<128x64xf32, #tpu.memory_space<vmem>>) offsets(%dma_start3A_117 : memref<128xi32, #tpu.memory_space<vmem>>) semaphore(%arg15 : memref<!tpu.dma_semaphore, #tpu.memory_space<semaphore_mem>>)
    %scan3A = arith.constant 0 : i32
    %scan3A_125 = arith.constant 0 : i32
    %scan3A_126 = arith.constant 32 : i32
    %scan3A_127 = arith.addi %scan3A_125, %scan3A_126 : i32
    %scan3A_128 = arith.constant 1 : i32
    scf.for %scan3A_131 = %scan3A_125 to %scan3A_127 step %scan3A_128  : i32 {
      %mul3A_132 = arith.constant 5 : i32
      %mul3A_133 = arith.muli %scan3A_131, %mul3A_132 : i32
      %add3A_134 = arith.constant 0 : i32
      %add3A_135 = arith.addi %mul3A_133, %add3A_134 : i32
      %dma_wait3A_136 = arith.constant 0 : i32
      %dma_wait3A_137 = arith.constant 0 : i32
      %dma_wait3A_138 = arith.constant 0 : i32
      %dma_wait3A_139 = tpu.memref_slice %arg9[%dma_wait3A_136, %dma_wait3A_137, %dma_wait3A_138] : memref<5x128x64xf32, #tpu.memory_space<vmem>> -> memref<1x128x64xf32, #tpu.memory_space<vmem>>
      %dma_wait3A_140 = tpu.memref_squeeze %dma_wait3A_139 : memref<1x128x64xf32, #tpu.memory_space<vmem>> -> memref<128x64xf32, #tpu.memory_space<vmem>>
      %dma_wait3A_141 = arith.constant 0 : i32
      %dma_wait3A_142 = tpu.memref_slice %arg7[%add3A_135, %dma_wait3A_141] : memref<160x128xi32, #tpu.memory_space<vmem>> -> memref<1x128xi32, #tpu.memory_space<vmem>>
      %dma_wait3A_143 = tpu.memref_squeeze %dma_wait3A_142 : memref<1x128xi32, #tpu.memory_space<vmem>> -> memref<128xi32, #tpu.memory_space<vmem>>
      %dma_wait3A_144 = arith.constant 0 : i32
      %dma_wait3A_145 = arith.constant 0 : i32
      %dma_wait3A_146 = tpu.memref_slice %arg4[%arg0, %dma_wait3A_144, %dma_wait3A_145] : memref<2x10000x64xf32, #tpu.memory_space<hbm>> -> memref<1x10000x64xf32, #tpu.memory_space<hbm>>
      %dma_wait3A_147 = tpu.memref_squeeze %dma_wait3A_146 : memref<1x10000x64xf32, #tpu.memory_space<hbm>> -> memref<10000x64xf32, #tpu.memory_space<hbm>>
      %dma_wait3A_148 = arith.constant 0 : i32
      %dma_wait3A_149 = arith.constant 0 : i32
      %dma_wait3A_150 = tpu.memref_slice %dma_wait3A_147[%dma_wait3A_148, %dma_wait3A_149] : memref<10000x64xf32, #tpu.memory_space<hbm>> -> memref<10000x64xf32, #tpu.memory_space<hbm>>
      tpu.wait_indirect_dma semaphore(%arg11 : memref<!tpu.dma_semaphore, #tpu.memory_space<semaphore_mem>>) src(%dma_wait3A_150 : memref<10000x64xf32, #tpu.memory_space<hbm>>) dst(%dma_wait3A_140 : memref<128x64xf32, #tpu.memory_space<vmem>>)
      %dma_start3A_151 = arith.constant 0 : i32
      %dma_start3A_152 = arith.constant 0 : i32
      %dma_start3A_153 = arith.constant 0 : i32
      %dma_start3A_154 = tpu.memref_slice %arg9[%dma_start3A_151, %dma_start3A_152, %dma_start3A_153] : memref<5x128x64xf32, #tpu.memory_space<vmem>> -> memref<1x128x64xf32, #tpu.memory_space<vmem>>
      %dma_start3A_155 = tpu.memref_squeeze %dma_start3A_154 : memref<1x128x64xf32, #tpu.memory_space<vmem>> -> memref<128x64xf32, #tpu.memory_space<vmem>>
      %dma_start3A_156 = arith.constant 0 : i32
      %dma_start3A_157 = tpu.memref_slice %arg8[%add3A_135, %dma_start3A_156] : memref<160x128xi32, #tpu.memory_space<vmem>> -> memref<1x128xi32, #tpu.memory_space<vmem>>
      %dma_start3A_158 = tpu.memref_squeeze %dma_start3A_157 : memref<1x128xi32, #tpu.memory_space<vmem>> -> memref<128xi32, #tpu.memory_space<vmem>>
      %dma_start3A_159 = arith.constant 0 : i32
      %dma_start3A_160 = arith.constant 0 : i32
      %dma_start3A_161 = tpu.memref_slice %arg10[%dma_start3A_159, %dma_start3A_160] : memref<10240x64xf32, #tpu.memory_space<vmem_shared>> -> memref<10240x64xf32, #tpu.memory_space<vmem_shared>>
      tpu.enqueue_indirect_dma source(%dma_start3A_155 : memref<128x64xf32, #tpu.memory_space<vmem>>) target(%dma_start3A_161 : memref<10240x64xf32, #tpu.memory_space<vmem_shared>>) offsets(%dma_start3A_158 : memref<128xi32, #tpu.memory_space<vmem>>) semaphore(%arg16 : memref<!tpu.dma_semaphore, #tpu.memory_space<semaphore_mem>>) {add = true}
      %mul3A_162 = arith.constant 5 : i32
      %mul3A_163 = arith.muli %scan3A_131, %mul3A_162 : i32
      %add3A_164 = arith.constant 1 : i32
      %add3A_165 = arith.addi %mul3A_163, %add3A_164 : i32
      %dma_wait3A_166 = arith.constant 1 : i32
      %dma_wait3A_167 = arith.constant 0 : i32
      %dma_wait3A_168 = arith.constant 0 : i32
      %dma_wait3A_169 = tpu.memref_slice %arg9[%dma_wait3A_166, %dma_wait3A_167, %dma_wait3A_168] : memref<5x128x64xf32, #tpu.memory_space<vmem>> -> memref<1x128x64xf32, #tpu.memory_space<vmem>>
      %dma_wait3A_170 = tpu.memref_squeeze %dma_wait3A_169 : memref<1x128x64xf32, #tpu.memory_space<vmem>> -> memref<128x64xf32, #tpu.memory_space<vmem>>
      %dma_wait3A_171 = arith.constant 0 : i32
      %dma_wait3A_172 = tpu.memref_slice %arg7[%add3A_165, %dma_wait3A_171] : memref<160x128xi32, #tpu.memory_space<vmem>> -> memref<1x128xi32, #tpu.memory_space<vmem>>
      %dma_wait3A_173 = tpu.memref_squeeze %dma_wait3A_172 : memref<1x128xi32, #tpu.memory_space<vmem>> -> memref<128xi32, #tpu.memory_space<vmem>>
      %dma_wait3A_174 = arith.constant 0 : i32
      %dma_wait3A_175 = arith.constant 0 : i32
      %dma_wait3A_176 = tpu.memref_slice %arg4[%arg0, %dma_wait3A_174, %dma_wait3A_175] : memref<2x10000x64xf32, #tpu.memory_space<hbm>> -> memref<1x10000x64xf32, #tpu.memory_space<hbm>>
      %dma_wait3A_177 = tpu.memref_squeeze %dma_wait3A_176 : memref<1x10000x64xf32, #tpu.memory_space<hbm>> -> memref<10000x64xf32, #tpu.memory_space<hbm>>
      %dma_wait3A_178 = arith.constant 0 : i32
      %dma_wait3A_179 = arith.constant 0 : i32
      %dma_wait3A_180 = tpu.memref_slice %dma_wait3A_177[%dma_wait3A_178, %dma_wait3A_179] : memref<10000x64xf32, #tpu.memory_space<hbm>> -> memref<10000x64xf32, #tpu.memory_space<hbm>>
      tpu.wait_indirect_dma semaphore(%arg12 : memref<!tpu.dma_semaphore, #tpu.memory_space<semaphore_mem>>) src(%dma_wait3A_180 : memref<10000x64xf32, #tpu.memory_space<hbm>>) dst(%dma_wait3A_170 : memref<128x64xf32, #tpu.memory_space<vmem>>)
      %dma_start3A_181 = arith.constant 1 : i32
      %dma_start3A_182 = arith.constant 0 : i32
      %dma_start3A_183 = arith.constant 0 : i32
      %dma_start3A_184 = tpu.memref_slice %arg9[%dma_start3A_181, %dma_start3A_182, %dma_start3A_183] : memref<5x128x64xf32, #tpu.memory_space<vmem>> -> memref<1x128x64xf32, #tpu.memory_space<vmem>>
      %dma_start3A_185 = tpu.memref_squeeze %dma_start3A_184 : memref<1x128x64xf32, #tpu.memory_space<vmem>> -> memref<128x64xf32, #tpu.memory_space<vmem>>
      %dma_start3A_186 = arith.constant 0 : i32
      %dma_start3A_187 = tpu.memref_slice %arg8[%add3A_165, %dma_start3A_186] : memref<160x128xi32, #tpu.memory_space<vmem>> -> memref<1x128xi32, #tpu.memory_space<vmem>>
      %dma_start3A_188 = tpu.memref_squeeze %dma_start3A_187 : memref<1x128xi32, #tpu.memory_space<vmem>> -> memref<128xi32, #tpu.memory_space<vmem>>
      %dma_start3A_189 = arith.constant 0 : i32
      %dma_start3A_190 = arith.constant 0 : i32
      %dma_start3A_191 = tpu.memref_slice %arg10[%dma_start3A_189, %dma_start3A_190] : memref<10240x64xf32, #tpu.memory_space<vmem_shared>> -> memref<10240x64xf32, #tpu.memory_space<vmem_shared>>
      tpu.enqueue_indirect_dma source(%dma_start3A_185 : memref<128x64xf32, #tpu.memory_space<vmem>>) target(%dma_start3A_191 : memref<10240x64xf32, #tpu.memory_space<vmem_shared>>) offsets(%dma_start3A_188 : memref<128xi32, #tpu.memory_space<vmem>>) semaphore(%arg17 : memref<!tpu.dma_semaphore, #tpu.memory_space<semaphore_mem>>) {add = true}
      %mul3A_192 = arith.constant 5 : i32
      %mul3A_193 = arith.muli %scan3A_131, %mul3A_192 : i32
      %add3A_194 = arith.constant 2 : i32
      %add3A_195 = arith.addi %mul3A_193, %add3A_194 : i32
      %dma_wait3A_196 = arith.constant 2 : i32
      %dma_wait3A_197 = arith.constant 0 : i32
      %dma_wait3A_198 = arith.constant 0 : i32
      %dma_wait3A_199 = tpu.memref_slice %arg9[%dma_wait3A_196, %dma_wait3A_197, %dma_wait3A_198] : memref<5x128x64xf32, #tpu.memory_space<vmem>> -> memref<1x128x64xf32, #tpu.memory_space<vmem>>
      %dma_wait3A_200 = tpu.memref_squeeze %dma_wait3A_199 : memref<1x128x64xf32, #tpu.memory_space<vmem>> -> memref<128x64xf32, #tpu.memory_space<vmem>>
      %dma_wait3A_201 = arith.constant 0 : i32
      %dma_wait3A_202 = tpu.memref_slice %arg7[%add3A_195, %dma_wait3A_201] : memref<160x128xi32, #tpu.memory_space<vmem>> -> memref<1x128xi32, #tpu.memory_space<vmem>>
      %dma_wait3A_203 = tpu.memref_squeeze %dma_wait3A_202 : memref<1x128xi32, #tpu.memory_space<vmem>> -> memref<128xi32, #tpu.memory_space<vmem>>
      %dma_wait3A_204 = arith.constant 0 : i32
      %dma_wait3A_205 = arith.constant 0 : i32
      %dma_wait3A_206 = tpu.memref_slice %arg4[%arg0, %dma_wait3A_204, %dma_wait3A_205] : memref<2x10000x64xf32, #tpu.memory_space<hbm>> -> memref<1x10000x64xf32, #tpu.memory_space<hbm>>
      %dma_wait3A_207 = tpu.memref_squeeze %dma_wait3A_206 : memref<1x10000x64xf32, #tpu.memory_space<hbm>> -> memref<10000x64xf32, #tpu.memory_space<hbm>>
      %dma_wait3A_208 = arith.constant 0 : i32
      %dma_wait3A_209 = arith.constant 0 : i32
      %dma_wait3A_210 = tpu.memref_slice %dma_wait3A_207[%dma_wait3A_208, %dma_wait3A_209] : memref<10000x64xf32, #tpu.memory_space<hbm>> -> memref<10000x64xf32, #tpu.memory_space<hbm>>
      tpu.wait_indirect_dma semaphore(%arg13 : memref<!tpu.dma_semaphore, #tpu.memory_space<semaphore_mem>>) src(%dma_wait3A_210 : memref<10000x64xf32, #tpu.memory_space<hbm>>) dst(%dma_wait3A_200 : memref<128x64xf32, #tpu.memory_space<vmem>>)
      %dma_start3A_211 = arith.constant 2 : i32
      %dma_start3A_212 = arith.constant 0 : i32
      %dma_start3A_213 = arith.constant 0 : i32
      %dma_start3A_214 = tpu.memref_slice %arg9[%dma_start3A_211, %dma_start3A_212, %dma_start3A_213] : memref<5x128x64xf32, #tpu.memory_space<vmem>> -> memref<1x128x64xf32, #tpu.memory_space<vmem>>
      %dma_start3A_215 = tpu.memref_squeeze %dma_start3A_214 : memref<1x128x64xf32, #tpu.memory_space<vmem>> -> memref<128x64xf32, #tpu.memory_space<vmem>>
      %dma_start3A_216 = arith.constant 0 : i32
      %dma_start3A_217 = tpu.memref_slice %arg8[%add3A_195, %dma_start3A_216] : memref<160x128xi32, #tpu.memory_space<vmem>> -> memref<1x128xi32, #tpu.memory_space<vmem>>
      %dma_start3A_218 = tpu.memref_squeeze %dma_start3A_217 : memref<1x128xi32, #tpu.memory_space<vmem>> -> memref<128xi32, #tpu.memory_space<vmem>>
      %dma_start3A_219 = arith.constant 0 : i32
      %dma_start3A_220 = arith.constant 0 : i32
      %dma_start3A_221 = tpu.memref_slice %arg10[%dma_start3A_219, %dma_start3A_220] : memref<10240x64xf32, #tpu.memory_space<vmem_shared>> -> memref<10240x64xf32, #tpu.memory_space<vmem_shared>>
      tpu.enqueue_indirect_dma source(%dma_start3A_215 : memref<128x64xf32, #tpu.memory_space<vmem>>) target(%dma_start3A_221 : memref<10240x64xf32, #tpu.memory_space<vmem_shared>>) offsets(%dma_start3A_218 : memref<128xi32, #tpu.memory_space<vmem>>) semaphore(%arg18 : memref<!tpu.dma_semaphore, #tpu.memory_space<semaphore_mem>>) {add = true}
      %mul3A_222 = arith.constant 5 : i32
      %mul3A_223 = arith.muli %scan3A_131, %mul3A_222 : i32
      %add3A_224 = arith.constant 3 : i32
      %add3A_225 = arith.addi %mul3A_223, %add3A_224 : i32
      %dma_wait3A_226 = arith.constant 3 : i32
      %dma_wait3A_227 = arith.constant 0 : i32
      %dma_wait3A_228 = arith.constant 0 : i32
      %dma_wait3A_229 = tpu.memref_slice %arg9[%dma_wait3A_226, %dma_wait3A_227, %dma_wait3A_228] : memref<5x128x64xf32, #tpu.memory_space<vmem>> -> memref<1x128x64xf32, #tpu.memory_space<vmem>>
      %dma_wait3A_230 = tpu.memref_squeeze %dma_wait3A_229 : memref<1x128x64xf32, #tpu.memory_space<vmem>> -> memref<128x64xf32, #tpu.memory_space<vmem>>
      %dma_wait3A_231 = arith.constant 0 : i32
      %dma_wait3A_232 = tpu.memref_slice %arg7[%add3A_225, %dma_wait3A_231] : memref<160x128xi32, #tpu.memory_space<vmem>> -> memref<1x128xi32, #tpu.memory_space<vmem>>
      %dma_wait3A_233 = tpu.memref_squeeze %dma_wait3A_232 : memref<1x128xi32, #tpu.memory_space<vmem>> -> memref<128xi32, #tpu.memory_space<vmem>>
      %dma_wait3A_234 = arith.constant 0 : i32
      %dma_wait3A_235 = arith.constant 0 : i32
      %dma_wait3A_236 = tpu.memref_slice %arg4[%arg0, %dma_wait3A_234, %dma_wait3A_235] : memref<2x10000x64xf32, #tpu.memory_space<hbm>> -> memref<1x10000x64xf32, #tpu.memory_space<hbm>>
      %dma_wait3A_237 = tpu.memref_squeeze %dma_wait3A_236 : memref<1x10000x64xf32, #tpu.memory_space<hbm>> -> memref<10000x64xf32, #tpu.memory_space<hbm>>
      %dma_wait3A_238 = arith.constant 0 : i32
      %dma_wait3A_239 = arith.constant 0 : i32
      %dma_wait3A_240 = tpu.memref_slice %dma_wait3A_237[%dma_wait3A_238, %dma_wait3A_239] : memref<10000x64xf32, #tpu.memory_space<hbm>> -> memref<10000x64xf32, #tpu.memory_space<hbm>>
      tpu.wait_indirect_dma semaphore(%arg14 : memref<!tpu.dma_semaphore, #tpu.memory_space<semaphore_mem>>) src(%dma_wait3A_240 : memref<10000x64xf32, #tpu.memory_space<hbm>>) dst(%dma_wait3A_230 : memref<128x64xf32, #tpu.memory_space<vmem>>)
      %dma_start3A_241 = arith.constant 3 : i32
      %dma_start3A_242 = arith.constant 0 : i32
      %dma_start3A_243 = arith.constant 0 : i32
      %dma_start3A_244 = tpu.memref_slice %arg9[%dma_start3A_241, %dma_start3A_242, %dma_start3A_243] : memref<5x128x64xf32, #tpu.memory_space<vmem>> -> memref<1x128x64xf32, #tpu.memory_space<vmem>>
      %dma_start3A_245 = tpu.memref_squeeze %dma_start3A_244 : memref<1x128x64xf32, #tpu.memory_space<vmem>> -> memref<128x64xf32, #tpu.memory_space<vmem>>
      %dma_start3A_246 = arith.constant 0 : i32
      %dma_start3A_247 = tpu.memref_slice %arg8[%add3A_225, %dma_start3A_246] : memref<160x128xi32, #tpu.memory_space<vmem>> -> memref<1x128xi32, #tpu.memory_space<vmem>>
      %dma_start3A_248 = tpu.memref_squeeze %dma_start3A_247 : memref<1x128xi32, #tpu.memory_space<vmem>> -> memref<128xi32, #tpu.memory_space<vmem>>
      %dma_start3A_249 = arith.constant 0 : i32
      %dma_start3A_250 = arith.constant 0 : i32
      %dma_start3A_251 = tpu.memref_slice %arg10[%dma_start3A_249, %dma_start3A_250] : memref<10240x64xf32, #tpu.memory_space<vmem_shared>> -> memref<10240x64xf32, #tpu.memory_space<vmem_shared>>
      tpu.enqueue_indirect_dma source(%dma_start3A_245 : memref<128x64xf32, #tpu.memory_space<vmem>>) target(%dma_start3A_251 : memref<10240x64xf32, #tpu.memory_space<vmem_shared>>) offsets(%dma_start3A_248 : memref<128xi32, #tpu.memory_space<vmem>>) semaphore(%arg19 : memref<!tpu.dma_semaphore, #tpu.memory_space<semaphore_mem>>) {add = true}
      %mul3A_252 = arith.constant 5 : i32
      %mul3A_253 = arith.muli %scan3A_131, %mul3A_252 : i32
      %add3A_254 = arith.constant 4 : i32
      %add3A_255 = arith.addi %mul3A_253, %add3A_254 : i32
      %dma_wait3A_256 = arith.constant 4 : i32
      %dma_wait3A_257 = arith.constant 0 : i32
      %dma_wait3A_258 = arith.constant 0 : i32
      %dma_wait3A_259 = tpu.memref_slice %arg9[%dma_wait3A_256, %dma_wait3A_257, %dma_wait3A_258] : memref<5x128x64xf32, #tpu.memory_space<vmem>> -> memref<1x128x64xf32, #tpu.memory_space<vmem>>
      %dma_wait3A_260 = tpu.memref_squeeze %dma_wait3A_259 : memref<1x128x64xf32, #tpu.memory_space<vmem>> -> memref<128x64xf32, #tpu.memory_space<vmem>>
      %dma_wait3A_261 = arith.constant 0 : i32
      %dma_wait3A_262 = tpu.memref_slice %arg7[%add3A_255, %dma_wait3A_261] : memref<160x128xi32, #tpu.memory_space<vmem>> -> memref<1x128xi32, #tpu.memory_space<vmem>>
      %dma_wait3A_263 = tpu.memref_squeeze %dma_wait3A_262 : memref<1x128xi32, #tpu.memory_space<vmem>> -> memref<128xi32, #tpu.memory_space<vmem>>
      %dma_wait3A_264 = arith.constant 0 : i32
      %dma_wait3A_265 = arith.constant 0 : i32
      %dma_wait3A_266 = tpu.memref_slice %arg4[%arg0, %dma_wait3A_264, %dma_wait3A_265] : memref<2x10000x64xf32, #tpu.memory_space<hbm>> -> memref<1x10000x64xf32, #tpu.memory_space<hbm>>
      %dma_wait3A_267 = tpu.memref_squeeze %dma_wait3A_266 : memref<1x10000x64xf32, #tpu.memory_space<hbm>> -> memref<10000x64xf32, #tpu.memory_space<hbm>>
      %dma_wait3A_268 = arith.constant 0 : i32
      %dma_wait3A_269 = arith.constant 0 : i32
      %dma_wait3A_270 = tpu.memref_slice %dma_wait3A_267[%dma_wait3A_268, %dma_wait3A_269] : memref<10000x64xf32, #tpu.memory_space<hbm>> -> memref<10000x64xf32, #tpu.memory_space<hbm>>
      tpu.wait_indirect_dma semaphore(%arg15 : memref<!tpu.dma_semaphore, #tpu.memory_space<semaphore_mem>>) src(%dma_wait3A_270 : memref<10000x64xf32, #tpu.memory_space<hbm>>) dst(%dma_wait3A_260 : memref<128x64xf32, #tpu.memory_space<vmem>>)
      %dma_start3A_271 = arith.constant 4 : i32
      %dma_start3A_272 = arith.constant 0 : i32
      %dma_start3A_273 = arith.constant 0 : i32
      %dma_start3A_274 = tpu.memref_slice %arg9[%dma_start3A_271, %dma_start3A_272, %dma_start3A_273] : memref<5x128x64xf32, #tpu.memory_space<vmem>> -> memref<1x128x64xf32, #tpu.memory_space<vmem>>
      %dma_start3A_275 = tpu.memref_squeeze %dma_start3A_274 : memref<1x128x64xf32, #tpu.memory_space<vmem>> -> memref<128x64xf32, #tpu.memory_space<vmem>>
      %dma_start3A_276 = arith.constant 0 : i32
      %dma_start3A_277 = tpu.memref_slice %arg8[%add3A_255, %dma_start3A_276] : memref<160x128xi32, #tpu.memory_space<vmem>> -> memref<1x128xi32, #tpu.memory_space<vmem>>
      %dma_start3A_278 = tpu.memref_squeeze %dma_start3A_277 : memref<1x128xi32, #tpu.memory_space<vmem>> -> memref<128xi32, #tpu.memory_space<vmem>>
      %dma_start3A_279 = arith.constant 0 : i32
      %dma_start3A_280 = arith.constant 0 : i32
      %dma_start3A_281 = tpu.memref_slice %arg10[%dma_start3A_279, %dma_start3A_280] : memref<10240x64xf32, #tpu.memory_space<vmem_shared>> -> memref<10240x64xf32, #tpu.memory_space<vmem_shared>>
      tpu.enqueue_indirect_dma source(%dma_start3A_275 : memref<128x64xf32, #tpu.memory_space<vmem>>) target(%dma_start3A_281 : memref<10240x64xf32, #tpu.memory_space<vmem_shared>>) offsets(%dma_start3A_278 : memref<128xi32, #tpu.memory_space<vmem>>) semaphore(%arg20 : memref<!tpu.dma_semaphore, #tpu.memory_space<semaphore_mem>>) {add = true}
      %add3A_282 = arith.constant 1 : i32
      %add3A_283 = arith.addi %scan3A_131, %add3A_282 : i32
      %mul3A_284 = arith.constant 5 : i32
      %mul3A_285 = arith.muli %add3A_283, %mul3A_284 : i32
      %add3A_286 = arith.constant 0 : i32
      %add3A_287 = arith.addi %mul3A_285, %add3A_286 : i32
      %dma_wait3A_288 = arith.constant 0 : i32
      %dma_wait3A_289 = arith.constant 0 : i32
      %dma_wait3A_290 = arith.constant 0 : i32
      %dma_wait3A_291 = arith.constant 0 : i32
      %dma_wait3A_292 = tpu.memref_slice %arg9[%dma_wait3A_288, %dma_wait3A_290, %dma_wait3A_291] : memref<5x128x64xf32, #tpu.memory_space<vmem>> -> memref<1x128x64xf32, #tpu.memory_space<vmem>>
      %dma_wait3A_293 = tpu.memref_squeeze %dma_wait3A_292 : memref<1x128x64xf32, #tpu.memory_space<vmem>> -> memref<128x64xf32, #tpu.memory_space<vmem>>
      %dma_wait3A_294 = arith.constant 0 : i32
      %dma_wait3A_295 = tpu.memref_slice %arg8[%dma_wait3A_289, %dma_wait3A_294] : memref<160x128xi32, #tpu.memory_space<vmem>> -> memref<1x128xi32, #tpu.memory_space<vmem>>
      %dma_wait3A_296 = tpu.memref_squeeze %dma_wait3A_295 : memref<1x128xi32, #tpu.memory_space<vmem>> -> memref<128xi32, #tpu.memory_space<vmem>>
      %dma_wait3A_297 = arith.constant 0 : i32
      %dma_wait3A_298 = arith.constant 0 : i32
      %dma_wait3A_299 = tpu.memref_slice %arg10[%dma_wait3A_297, %dma_wait3A_298] : memref<10240x64xf32, #tpu.memory_space<vmem_shared>> -> memref<10240x64xf32, #tpu.memory_space<vmem_shared>>
      tpu.wait_indirect_dma semaphore(%arg16 : memref<!tpu.dma_semaphore, #tpu.memory_space<semaphore_mem>>) src(%dma_wait3A_293 : memref<128x64xf32, #tpu.memory_space<vmem>>) dst(%dma_wait3A_299 : memref<10240x64xf32, #tpu.memory_space<vmem_shared>>)
      %lt3A = arith.constant 160 : i32
      %lt3A_300 = arith.cmpi slt, %add3A_287, %lt3A : i32
      %convert_element_type3A = arith.extui %lt3A_300 : i1 to i32
      %cond3A = arith.constant 0 : i32
      %cond3A_301 = arith.cmpi ne, %convert_element_type3A, %cond3A : i32
      scf.if %cond3A_301 {
        %dma_start3A_394 = arith.constant 0 : i32
        %dma_start3A_395 = arith.constant 0 : i32
        %dma_start3A_396 = arith.constant 0 : i32
        %dma_start3A_397 = tpu.memref_slice %arg9[%dma_start3A_394, %dma_start3A_395, %dma_start3A_396] : memref<5x128x64xf32, #tpu.memory_space<vmem>> -> memref<1x128x64xf32, #tpu.memory_space<vmem>>
        %dma_start3A_398 = tpu.memref_squeeze %dma_start3A_397 : memref<1x128x64xf32, #tpu.memory_space<vmem>> -> memref<128x64xf32, #tpu.memory_space<vmem>>
        %dma_start3A_399 = arith.constant 0 : i32
        %dma_start3A_400 = tpu.memref_slice %arg7[%add3A_287, %dma_start3A_399] : memref<160x128xi32, #tpu.memory_space<vmem>> -> memref<1x128xi32, #tpu.memory_space<vmem>>
        %dma_start3A_401 = tpu.memref_squeeze %dma_start3A_400 : memref<1x128xi32, #tpu.memory_space<vmem>> -> memref<128xi32, #tpu.memory_space<vmem>>
        %dma_start3A_402 = arith.constant 0 : i32
        %dma_start3A_403 = arith.constant 0 : i32
        %dma_start3A_404 = tpu.memref_slice %arg4[%arg0, %dma_start3A_402, %dma_start3A_403] : memref<2x10000x64xf32, #tpu.memory_space<hbm>> -> memref<1x10000x64xf32, #tpu.memory_space<hbm>>
        %dma_start3A_405 = tpu.memref_squeeze %dma_start3A_404 : memref<1x10000x64xf32, #tpu.memory_space<hbm>> -> memref<10000x64xf32, #tpu.memory_space<hbm>>
        %dma_start3A_406 = arith.constant 0 : i32
        %dma_start3A_407 = arith.constant 0 : i32
        %dma_start3A_408 = tpu.memref_slice %dma_start3A_405[%dma_start3A_406, %dma_start3A_407] : memref<10000x64xf32, #tpu.memory_space<hbm>> -> memref<10000x64xf32, #tpu.memory_space<hbm>>
        tpu.enqueue_indirect_dma source(%dma_start3A_408 : memref<10000x64xf32, #tpu.memory_space<hbm>>) target(%dma_start3A_398 : memref<128x64xf32, #tpu.memory_space<vmem>>) offsets(%dma_start3A_401 : memref<128xi32, #tpu.memory_space<vmem>>) semaphore(%arg11 : memref<!tpu.dma_semaphore, #tpu.memory_space<semaphore_mem>>)
      } else {
      }
      %add3A_302 = arith.constant 1 : i32
      %add3A_303 = arith.addi %scan3A_131, %add3A_302 : i32
      %mul3A_304 = arith.constant 5 : i32
      %mul3A_305 = arith.muli %add3A_303, %mul3A_304 : i32
      %add3A_306 = arith.constant 1 : i32
      %add3A_307 = arith.addi %mul3A_305, %add3A_306 : i32
      %dma_wait3A_308 = arith.constant 1 : i32
      %dma_wait3A_309 = arith.constant 0 : i32
      %dma_wait3A_310 = arith.constant 0 : i32
      %dma_wait3A_311 = arith.constant 0 : i32
      %dma_wait3A_312 = tpu.memref_slice %arg9[%dma_wait3A_308, %dma_wait3A_310, %dma_wait3A_311] : memref<5x128x64xf32, #tpu.memory_space<vmem>> -> memref<1x128x64xf32, #tpu.memory_space<vmem>>
      %dma_wait3A_313 = tpu.memref_squeeze %dma_wait3A_312 : memref<1x128x64xf32, #tpu.memory_space<vmem>> -> memref<128x64xf32, #tpu.memory_space<vmem>>
      %dma_wait3A_314 = arith.constant 0 : i32
      %dma_wait3A_315 = tpu.memref_slice %arg8[%dma_wait3A_309, %dma_wait3A_314] : memref<160x128xi32, #tpu.memory_space<vmem>> -> memref<1x128xi32, #tpu.memory_space<vmem>>
      %dma_wait3A_316 = tpu.memref_squeeze %dma_wait3A_315 : memref<1x128xi32, #tpu.memory_space<vmem>> -> memref<128xi32, #tpu.memory_space<vmem>>
      %dma_wait3A_317 = arith.constant 0 : i32
      %dma_wait3A_318 = arith.constant 0 : i32
      %dma_wait3A_319 = tpu.memref_slice %arg10[%dma_wait3A_317, %dma_wait3A_318] : memref<10240x64xf32, #tpu.memory_space<vmem_shared>> -> memref<10240x64xf32, #tpu.memory_space<vmem_shared>>
      tpu.wait_indirect_dma semaphore(%arg17 : memref<!tpu.dma_semaphore, #tpu.memory_space<semaphore_mem>>) src(%dma_wait3A_313 : memref<128x64xf32, #tpu.memory_space<vmem>>) dst(%dma_wait3A_319 : memref<10240x64xf32, #tpu.memory_space<vmem_shared>>)
      %lt3A_320 = arith.constant 160 : i32
      %lt3A_321 = arith.cmpi slt, %add3A_307, %lt3A_320 : i32
      %convert_element_type3A_322 = arith.extui %lt3A_321 : i1 to i32
      %cond3A_323 = arith.constant 0 : i32
      %cond3A_324 = arith.cmpi ne, %convert_element_type3A_322, %cond3A_323 : i32
      scf.if %cond3A_324 {
        %dma_start3A_394 = arith.constant 1 : i32
        %dma_start3A_395 = arith.constant 0 : i32
        %dma_start3A_396 = arith.constant 0 : i32
        %dma_start3A_397 = tpu.memref_slice %arg9[%dma_start3A_394, %dma_start3A_395, %dma_start3A_396] : memref<5x128x64xf32, #tpu.memory_space<vmem>> -> memref<1x128x64xf32, #tpu.memory_space<vmem>>
        %dma_start3A_398 = tpu.memref_squeeze %dma_start3A_397 : memref<1x128x64xf32, #tpu.memory_space<vmem>> -> memref<128x64xf32, #tpu.memory_space<vmem>>
        %dma_start3A_399 = arith.constant 0 : i32
        %dma_start3A_400 = tpu.memref_slice %arg7[%add3A_307, %dma_start3A_399] : memref<160x128xi32, #tpu.memory_space<vmem>> -> memref<1x128xi32, #tpu.memory_space<vmem>>
        %dma_start3A_401 = tpu.memref_squeeze %dma_start3A_400 : memref<1x128xi32, #tpu.memory_space<vmem>> -> memref<128xi32, #tpu.memory_space<vmem>>
        %dma_start3A_402 = arith.constant 0 : i32
        %dma_start3A_403 = arith.constant 0 : i32
        %dma_start3A_404 = tpu.memref_slice %arg4[%arg0, %dma_start3A_402, %dma_start3A_403] : memref<2x10000x64xf32, #tpu.memory_space<hbm>> -> memref<1x10000x64xf32, #tpu.memory_space<hbm>>
        %dma_start3A_405 = tpu.memref_squeeze %dma_start3A_404 : memref<1x10000x64xf32, #tpu.memory_space<hbm>> -> memref<10000x64xf32, #tpu.memory_space<hbm>>
        %dma_start3A_406 = arith.constant 0 : i32
        %dma_start3A_407 = arith.constant 0 : i32
        %dma_start3A_408 = tpu.memref_slice %dma_start3A_405[%dma_start3A_406, %dma_start3A_407] : memref<10000x64xf32, #tpu.memory_space<hbm>> -> memref<10000x64xf32, #tpu.memory_space<hbm>>
        tpu.enqueue_indirect_dma source(%dma_start3A_408 : memref<10000x64xf32, #tpu.memory_space<hbm>>) target(%dma_start3A_398 : memref<128x64xf32, #tpu.memory_space<vmem>>) offsets(%dma_start3A_401 : memref<128xi32, #tpu.memory_space<vmem>>) semaphore(%arg12 : memref<!tpu.dma_semaphore, #tpu.memory_space<semaphore_mem>>)
      } else {
      }
      %add3A_325 = arith.constant 1 : i32
      %add3A_326 = arith.addi %scan3A_131, %add3A_325 : i32
      %mul3A_327 = arith.constant 5 : i32
      %mul3A_328 = arith.muli %add3A_326, %mul3A_327 : i32
      %add3A_329 = arith.constant 2 : i32
      %add3A_330 = arith.addi %mul3A_328, %add3A_329 : i32
      %dma_wait3A_331 = arith.constant 2 : i32
      %dma_wait3A_332 = arith.constant 0 : i32
      %dma_wait3A_333 = arith.constant 0 : i32
      %dma_wait3A_334 = arith.constant 0 : i32
      %dma_wait3A_335 = tpu.memref_slice %arg9[%dma_wait3A_331, %dma_wait3A_333, %dma_wait3A_334] : memref<5x128x64xf32, #tpu.memory_space<vmem>> -> memref<1x128x64xf32, #tpu.memory_space<vmem>>
      %dma_wait3A_336 = tpu.memref_squeeze %dma_wait3A_335 : memref<1x128x64xf32, #tpu.memory_space<vmem>> -> memref<128x64xf32, #tpu.memory_space<vmem>>
      %dma_wait3A_337 = arith.constant 0 : i32
      %dma_wait3A_338 = tpu.memref_slice %arg8[%dma_wait3A_332, %dma_wait3A_337] : memref<160x128xi32, #tpu.memory_space<vmem>> -> memref<1x128xi32, #tpu.memory_space<vmem>>
      %dma_wait3A_339 = tpu.memref_squeeze %dma_wait3A_338 : memref<1x128xi32, #tpu.memory_space<vmem>> -> memref<128xi32, #tpu.memory_space<vmem>>
      %dma_wait3A_340 = arith.constant 0 : i32
      %dma_wait3A_341 = arith.constant 0 : i32
      %dma_wait3A_342 = tpu.memref_slice %arg10[%dma_wait3A_340, %dma_wait3A_341] : memref<10240x64xf32, #tpu.memory_space<vmem_shared>> -> memref<10240x64xf32, #tpu.memory_space<vmem_shared>>
      tpu.wait_indirect_dma semaphore(%arg18 : memref<!tpu.dma_semaphore, #tpu.memory_space<semaphore_mem>>) src(%dma_wait3A_336 : memref<128x64xf32, #tpu.memory_space<vmem>>) dst(%dma_wait3A_342 : memref<10240x64xf32, #tpu.memory_space<vmem_shared>>)
      %lt3A_343 = arith.constant 160 : i32
      %lt3A_344 = arith.cmpi slt, %add3A_330, %lt3A_343 : i32
      %convert_element_type3A_345 = arith.extui %lt3A_344 : i1 to i32
      %cond3A_346 = arith.constant 0 : i32
      %cond3A_347 = arith.cmpi ne, %convert_element_type3A_345, %cond3A_346 : i32
      scf.if %cond3A_347 {
        %dma_start3A_394 = arith.constant 2 : i32
        %dma_start3A_395 = arith.constant 0 : i32
        %dma_start3A_396 = arith.constant 0 : i32
        %dma_start3A_397 = tpu.memref_slice %arg9[%dma_start3A_394, %dma_start3A_395, %dma_start3A_396] : memref<5x128x64xf32, #tpu.memory_space<vmem>> -> memref<1x128x64xf32, #tpu.memory_space<vmem>>
        %dma_start3A_398 = tpu.memref_squeeze %dma_start3A_397 : memref<1x128x64xf32, #tpu.memory_space<vmem>> -> memref<128x64xf32, #tpu.memory_space<vmem>>
        %dma_start3A_399 = arith.constant 0 : i32
        %dma_start3A_400 = tpu.memref_slice %arg7[%add3A_330, %dma_start3A_399] : memref<160x128xi32, #tpu.memory_space<vmem>> -> memref<1x128xi32, #tpu.memory_space<vmem>>
        %dma_start3A_401 = tpu.memref_squeeze %dma_start3A_400 : memref<1x128xi32, #tpu.memory_space<vmem>> -> memref<128xi32, #tpu.memory_space<vmem>>
        %dma_start3A_402 = arith.constant 0 : i32
        %dma_start3A_403 = arith.constant 0 : i32
        %dma_start3A_404 = tpu.memref_slice %arg4[%arg0, %dma_start3A_402, %dma_start3A_403] : memref<2x10000x64xf32, #tpu.memory_space<hbm>> -> memref<1x10000x64xf32, #tpu.memory_space<hbm>>
        %dma_start3A_405 = tpu.memref_squeeze %dma_start3A_404 : memref<1x10000x64xf32, #tpu.memory_space<hbm>> -> memref<10000x64xf32, #tpu.memory_space<hbm>>
        %dma_start3A_406 = arith.constant 0 : i32
        %dma_start3A_407 = arith.constant 0 : i32
        %dma_start3A_408 = tpu.memref_slice %dma_start3A_405[%dma_start3A_406, %dma_start3A_407] : memref<10000x64xf32, #tpu.memory_space<hbm>> -> memref<10000x64xf32, #tpu.memory_space<hbm>>
        tpu.enqueue_indirect_dma source(%dma_start3A_408 : memref<10000x64xf32, #tpu.memory_space<hbm>>) target(%dma_start3A_398 : memref<128x64xf32, #tpu.memory_space<vmem>>) offsets(%dma_start3A_401 : memref<128xi32, #tpu.memory_space<vmem>>) semaphore(%arg13 : memref<!tpu.dma_semaphore, #tpu.memory_space<semaphore_mem>>)
      } else {
      }
      %add3A_348 = arith.constant 1 : i32
      %add3A_349 = arith.addi %scan3A_131, %add3A_348 : i32
      %mul3A_350 = arith.constant 5 : i32
      %mul3A_351 = arith.muli %add3A_349, %mul3A_350 : i32
      %add3A_352 = arith.constant 3 : i32
      %add3A_353 = arith.addi %mul3A_351, %add3A_352 : i32
      %dma_wait3A_354 = arith.constant 3 : i32
      %dma_wait3A_355 = arith.constant 0 : i32
      %dma_wait3A_356 = arith.constant 0 : i32
      %dma_wait3A_357 = arith.constant 0 : i32
      %dma_wait3A_358 = tpu.memref_slice %arg9[%dma_wait3A_354, %dma_wait3A_356, %dma_wait3A_357] : memref<5x128x64xf32, #tpu.memory_space<vmem>> -> memref<1x128x64xf32, #tpu.memory_space<vmem>>
      %dma_wait3A_359 = tpu.memref_squeeze %dma_wait3A_358 : memref<1x128x64xf32, #tpu.memory_space<vmem>> -> memref<128x64xf32, #tpu.memory_space<vmem>>
      %dma_wait3A_360 = arith.constant 0 : i32
      %dma_wait3A_361 = tpu.memref_slice %arg8[%dma_wait3A_355, %dma_wait3A_360] : memref<160x128xi32, #tpu.memory_space<vmem>> -> memref<1x128xi32, #tpu.memory_space<vmem>>
      %dma_wait3A_362 = tpu.memref_squeeze %dma_wait3A_361 : memref<1x128xi32, #tpu.memory_space<vmem>> -> memref<128xi32, #tpu.memory_space<vmem>>
      %dma_wait3A_363 = arith.constant 0 : i32
      %dma_wait3A_364 = arith.constant 0 : i32
      %dma_wait3A_365 = tpu.memref_slice %arg10[%dma_wait3A_363, %dma_wait3A_364] : memref<10240x64xf32, #tpu.memory_space<vmem_shared>> -> memref<10240x64xf32, #tpu.memory_space<vmem_shared>>
      tpu.wait_indirect_dma semaphore(%arg19 : memref<!tpu.dma_semaphore, #tpu.memory_space<semaphore_mem>>) src(%dma_wait3A_359 : memref<128x64xf32, #tpu.memory_space<vmem>>) dst(%dma_wait3A_365 : memref<10240x64xf32, #tpu.memory_space<vmem_shared>>)
      %lt3A_366 = arith.constant 160 : i32
      %lt3A_367 = arith.cmpi slt, %add3A_353, %lt3A_366 : i32
      %convert_element_type3A_368 = arith.extui %lt3A_367 : i1 to i32
      %cond3A_369 = arith.constant 0 : i32
      %cond3A_370 = arith.cmpi ne, %convert_element_type3A_368, %cond3A_369 : i32
      scf.if %cond3A_370 {
        %dma_start3A_394 = arith.constant 3 : i32
        %dma_start3A_395 = arith.constant 0 : i32
        %dma_start3A_396 = arith.constant 0 : i32
        %dma_start3A_397 = tpu.memref_slice %arg9[%dma_start3A_394, %dma_start3A_395, %dma_start3A_396] : memref<5x128x64xf32, #tpu.memory_space<vmem>> -> memref<1x128x64xf32, #tpu.memory_space<vmem>>
        %dma_start3A_398 = tpu.memref_squeeze %dma_start3A_397 : memref<1x128x64xf32, #tpu.memory_space<vmem>> -> memref<128x64xf32, #tpu.memory_space<vmem>>
        %dma_start3A_399 = arith.constant 0 : i32
        %dma_start3A_400 = tpu.memref_slice %arg7[%add3A_353, %dma_start3A_399] : memref<160x128xi32, #tpu.memory_space<vmem>> -> memref<1x128xi32, #tpu.memory_space<vmem>>
        %dma_start3A_401 = tpu.memref_squeeze %dma_start3A_400 : memref<1x128xi32, #tpu.memory_space<vmem>> -> memref<128xi32, #tpu.memory_space<vmem>>
        %dma_start3A_402 = arith.constant 0 : i32
        %dma_start3A_403 = arith.constant 0 : i32
        %dma_start3A_404 = tpu.memref_slice %arg4[%arg0, %dma_start3A_402, %dma_start3A_403] : memref<2x10000x64xf32, #tpu.memory_space<hbm>> -> memref<1x10000x64xf32, #tpu.memory_space<hbm>>
        %dma_start3A_405 = tpu.memref_squeeze %dma_start3A_404 : memref<1x10000x64xf32, #tpu.memory_space<hbm>> -> memref<10000x64xf32, #tpu.memory_space<hbm>>
        %dma_start3A_406 = arith.constant 0 : i32
        %dma_start3A_407 = arith.constant 0 : i32
        %dma_start3A_408 = tpu.memref_slice %dma_start3A_405[%dma_start3A_406, %dma_start3A_407] : memref<10000x64xf32, #tpu.memory_space<hbm>> -> memref<10000x64xf32, #tpu.memory_space<hbm>>
        tpu.enqueue_indirect_dma source(%dma_start3A_408 : memref<10000x64xf32, #tpu.memory_space<hbm>>) target(%dma_start3A_398 : memref<128x64xf32, #tpu.memory_space<vmem>>) offsets(%dma_start3A_401 : memref<128xi32, #tpu.memory_space<vmem>>) semaphore(%arg14 : memref<!tpu.dma_semaphore, #tpu.memory_space<semaphore_mem>>)
      } else {
      }
      %add3A_371 = arith.constant 1 : i32
      %add3A_372 = arith.addi %scan3A_131, %add3A_371 : i32
      %mul3A_373 = arith.constant 5 : i32
      %mul3A_374 = arith.muli %add3A_372, %mul3A_373 : i32
      %add3A_375 = arith.constant 4 : i32
      %add3A_376 = arith.addi %mul3A_374, %add3A_375 : i32
      %dma_wait3A_377 = arith.constant 4 : i32
      %dma_wait3A_378 = arith.constant 0 : i32
      %dma_wait3A_379 = arith.constant 0 : i32
      %dma_wait3A_380 = arith.constant 0 : i32
      %dma_wait3A_381 = tpu.memref_slice %arg9[%dma_wait3A_377, %dma_wait3A_379, %dma_wait3A_380] : memref<5x128x64xf32, #tpu.memory_space<vmem>> -> memref<1x128x64xf32, #tpu.memory_space<vmem>>
      %dma_wait3A_382 = tpu.memref_squeeze %dma_wait3A_381 : memref<1x128x64xf32, #tpu.memory_space<vmem>> -> memref<128x64xf32, #tpu.memory_space<vmem>>
      %dma_wait3A_383 = arith.constant 0 : i32
      %dma_wait3A_384 = tpu.memref_slice %arg8[%dma_wait3A_378, %dma_wait3A_383] : memref<160x128xi32, #tpu.memory_space<vmem>> -> memref<1x128xi32, #tpu.memory_space<vmem>>
      %dma_wait3A_385 = tpu.memref_squeeze %dma_wait3A_384 : memref<1x128xi32, #tpu.memory_space<vmem>> -> memref<128xi32, #tpu.memory_space<vmem>>
      %dma_wait3A_386 = arith.constant 0 : i32
      %dma_wait3A_387 = arith.constant 0 : i32
      %dma_wait3A_388 = tpu.memref_slice %arg10[%dma_wait3A_386, %dma_wait3A_387] : memref<10240x64xf32, #tpu.memory_space<vmem_shared>> -> memref<10240x64xf32, #tpu.memory_space<vmem_shared>>
      tpu.wait_indirect_dma semaphore(%arg20 : memref<!tpu.dma_semaphore, #tpu.memory_space<semaphore_mem>>) src(%dma_wait3A_382 : memref<128x64xf32, #tpu.memory_space<vmem>>) dst(%dma_wait3A_388 : memref<10240x64xf32, #tpu.memory_space<vmem_shared>>)
      %lt3A_389 = arith.constant 160 : i32
      %lt3A_390 = arith.cmpi slt, %add3A_376, %lt3A_389 : i32
      %convert_element_type3A_391 = arith.extui %lt3A_390 : i1 to i32
      %cond3A_392 = arith.constant 0 : i32
      %cond3A_393 = arith.cmpi ne, %convert_element_type3A_391, %cond3A_392 : i32
      scf.if %cond3A_393 {
        %dma_start3A_394 = arith.constant 4 : i32
        %dma_start3A_395 = arith.constant 0 : i32
        %dma_start3A_396 = arith.constant 0 : i32
        %dma_start3A_397 = tpu.memref_slice %arg9[%dma_start3A_394, %dma_start3A_395, %dma_start3A_396] : memref<5x128x64xf32, #tpu.memory_space<vmem>> -> memref<1x128x64xf32, #tpu.memory_space<vmem>>
        %dma_start3A_398 = tpu.memref_squeeze %dma_start3A_397 : memref<1x128x64xf32, #tpu.memory_space<vmem>> -> memref<128x64xf32, #tpu.memory_space<vmem>>
        %dma_start3A_399 = arith.constant 0 : i32
        %dma_start3A_400 = tpu.memref_slice %arg7[%add3A_376, %dma_start3A_399] : memref<160x128xi32, #tpu.memory_space<vmem>> -> memref<1x128xi32, #tpu.memory_space<vmem>>
        %dma_start3A_401 = tpu.memref_squeeze %dma_start3A_400 : memref<1x128xi32, #tpu.memory_space<vmem>> -> memref<128xi32, #tpu.memory_space<vmem>>
        %dma_start3A_402 = arith.constant 0 : i32
        %dma_start3A_403 = arith.constant 0 : i32
        %dma_start3A_404 = tpu.memref_slice %arg4[%arg0, %dma_start3A_402, %dma_start3A_403] : memref<2x10000x64xf32, #tpu.memory_space<hbm>> -> memref<1x10000x64xf32, #tpu.memory_space<hbm>>
        %dma_start3A_405 = tpu.memref_squeeze %dma_start3A_404 : memref<1x10000x64xf32, #tpu.memory_space<hbm>> -> memref<10000x64xf32, #tpu.memory_space<hbm>>
        %dma_start3A_406 = arith.constant 0 : i32
        %dma_start3A_407 = arith.constant 0 : i32
        %dma_start3A_408 = tpu.memref_slice %dma_start3A_405[%dma_start3A_406, %dma_start3A_407] : memref<10000x64xf32, #tpu.memory_space<hbm>> -> memref<10000x64xf32, #tpu.memory_space<hbm>>
        tpu.enqueue_indirect_dma source(%dma_start3A_408 : memref<10000x64xf32, #tpu.memory_space<hbm>>) target(%dma_start3A_398 : memref<128x64xf32, #tpu.memory_space<vmem>>) offsets(%dma_start3A_401 : memref<128xi32, #tpu.memory_space<vmem>>) semaphore(%arg15 : memref<!tpu.dma_semaphore, #tpu.memory_space<semaphore_mem>>)
      } else {
      }
    }
    %scan3A_129 = arith.constant 32 : i32
    %barrier3A_130 = arith.constant 0 : index
    tpu.barrier barrier_id(%barrier3A_130)
    "tpu.region"() ({
      %run_scoped3A_131 = tpu.sem_alloc : memref<!tpu.dma_semaphore, #tpu.memory_space<semaphore_mem>>
      %dma_start3A_132 = arith.constant 0 : i32
      %dma_start3A_133 = tpu.memref_slice %arg6[%arg0, %mul3A_0, %dma_start3A_132] : memref<2x10240x64xf32, #tpu.memory_space<hbm>> -> memref<1x640x64xf32, #tpu.memory_space<hbm>>
      %dma_start3A_134 = tpu.memref_squeeze %dma_start3A_133 : memref<1x640x64xf32, #tpu.memory_space<hbm>> -> memref<640x64xf32, #tpu.memory_space<hbm>>
      %dma_start3A_135 = arith.constant 0 : i32
      %dma_start3A_136 = tpu.memref_slice %arg10[%mul3A_0, %dma_start3A_135] : memref<10240x64xf32, #tpu.memory_space<vmem_shared>> -> memref<640x64xf32, #tpu.memory_space<vmem_shared>>
      tpu.enqueue_dma source(%dma_start3A_136 : memref<640x64xf32, #tpu.memory_space<vmem_shared>>) target(%dma_start3A_134 : memref<640x64xf32, #tpu.memory_space<hbm>>) target_semaphore(%run_scoped3A_131 : memref<!tpu.dma_semaphore, #tpu.memory_space<semaphore_mem>>)
      %dma_wait3A_137 = arith.constant 0 : i32
      %dma_wait3A_138 = tpu.memref_slice %arg6[%arg0, %mul3A_0, %dma_wait3A_137] : memref<2x10240x64xf32, #tpu.memory_space<hbm>> -> memref<1x640x64xf32, #tpu.memory_space<hbm>>
      %dma_wait3A_139 = tpu.memref_squeeze %dma_wait3A_138 : memref<1x640x64xf32, #tpu.memory_space<hbm>> -> memref<640x64xf32, #tpu.memory_space<hbm>>
      %dma_wait3A_140 = arith.constant 0 : i32
      %dma_wait3A_141 = tpu.memref_slice %arg10[%mul3A_0, %dma_wait3A_140] : memref<10240x64xf32, #tpu.memory_space<vmem_shared>> -> memref<640x64xf32, #tpu.memory_space<vmem_shared>>
      tpu.wait_dma2 semaphore(%run_scoped3A_131 : memref<!tpu.dma_semaphore, #tpu.memory_space<semaphore_mem>>) src(%dma_wait3A_141 : memref<640x64xf32, #tpu.memory_space<vmem_shared>>) dst(%dma_wait3A_139 : memref<640x64xf32, #tpu.memory_space<hbm>>)
      tpu.yield
    }) : () -> ()
    return
  }
}

#map = affine_map<(d0, d1) -> (0, 0, 0)>
#map1 = affine_map<(d0, d1) -> (0)>
#map2 = affine_map<(d0, d1) -> (0, 0)>
module attributes {stable_mosaic.version = 14 : i64} {
  func.func @body(%arg0: i32, %arg1: i32, %arg2: memref<32x160x128xi32, #tpu.memory_space<hbm>>, %arg3: memref<1280xf32, #tpu.memory_space<hbm>>, %arg4: memref<2x20480xf32, #tpu.memory_space<hbm>>, %arg5: memref<160x128xi32, #tpu.memory_space<vmem>>, %arg6: memref<128xf32, #tpu.memory_space<vmem>>, %arg7: memref<1280xf32, #tpu.memory_space<vmem>>, %arg8: memref<20480xf32, #tpu.memory_space<vmem_shared>>, %arg9: memref<!tpu.dma_semaphore, #tpu.memory_space<semaphore_mem>>, %arg10: memref<!tpu.dma_semaphore, #tpu.memory_space<semaphore_mem>>, %arg11: memref<!tpu.dma_semaphore, #tpu.memory_space<semaphore_mem>>, %arg12: memref<!tpu.dma_semaphore, #tpu.memory_space<semaphore_mem>>, %arg13: memref<!tpu.dma_semaphore, #tpu.memory_space<semaphore_mem>>, %arg14: memref<!tpu.dma_semaphore, #tpu.memory_space<semaphore_mem>>, %arg15: memref<!tpu.dma_semaphore, #tpu.memory_space<semaphore_mem>>, %arg16: memref<!tpu.dma_semaphore, #tpu.memory_space<semaphore_mem>>) attributes {dimension_semantics = [#tpu.dimension_semantics<core_parallel>, #tpu.dimension_semantics<subcore_parallel>], iteration_bounds = array<i64: 2, 16>, scalar_prefetch = 0 : i64, scratch_operands = 12 : i64, tpu.core_type = #tpu.core_type<sc_vector_subcore>, window_params = [{transform_indices = #map}, {transform_indices = #map1}, {transform_indices = #map2}]} {
    %mul3A = arith.constant 16 : i32
    %mul3A_0 = arith.muli %arg0, %mul3A : i32
    %add3A = arith.addi %mul3A_0, %arg1 : i32
    %mul3A_1 = arith.constant 1280 : i32
    %mul3A_2 = arith.muli %arg1, %mul3A_1 : i32
    %broadcast_in_dim3A = arith.constant 1.000000e+00 : f32
    %broadcast_in_dim3A_3 = vector.broadcast %broadcast_in_dim3A : f32 to vector<16xf32>
    %swap3A = arith.constant 0 : index
    %swap3A_4 = tpu.vector_load %arg6[%swap3A] {strides = array<i32>} : memref<128xf32, #tpu.memory_space<vmem>>, vector<16xf32>,
    %swap3A_5 = vector.shape_cast %swap3A_4 : vector<16xf32> to vector<16xf32>
    %swap3A_6 = vector.shape_cast %broadcast_in_dim3A_3 : vector<16xf32> to vector<16xf32>
    tpu.vector_store %arg6[%swap3A], %swap3A_6 {strides = array<i32>} : memref<128xf32, #tpu.memory_space<vmem>>, vector<16xf32>,
    %broadcast_in_dim3A_7 = arith.constant 1.000000e+00 : f32
    %broadcast_in_dim3A_8 = vector.broadcast %broadcast_in_dim3A_7 : f32 to vector<16xf32>
    %swap3A_9 = arith.constant 16 : index
    %swap3A_10 = tpu.vector_load %arg6[%swap3A_9] {strides = array<i32>} : memref<128xf32, #tpu.memory_space<vmem>>, vector<16xf32>,
    %swap3A_11 = vector.shape_cast %swap3A_10 : vector<16xf32> to vector<16xf32>
    %swap3A_12 = vector.shape_cast %broadcast_in_dim3A_8 : vector<16xf32> to vector<16xf32>
    tpu.vector_store %arg6[%swap3A_9], %swap3A_12 {strides = array<i32>} : memref<128xf32, #tpu.memory_space<vmem>>, vector<16xf32>,
    %broadcast_in_dim3A_13 = arith.constant 1.000000e+00 : f32
    %broadcast_in_dim3A_14 = vector.broadcast %broadcast_in_dim3A_13 : f32 to vector<16xf32>
    %swap3A_15 = arith.constant 32 : index
    %swap3A_16 = tpu.vector_load %arg6[%swap3A_15] {strides = array<i32>} : memref<128xf32, #tpu.memory_space<vmem>>, vector<16xf32>,
    %swap3A_17 = vector.shape_cast %swap3A_16 : vector<16xf32> to vector<16xf32>
    %swap3A_18 = vector.shape_cast %broadcast_in_dim3A_14 : vector<16xf32> to vector<16xf32>
    tpu.vector_store %arg6[%swap3A_15], %swap3A_18 {strides = array<i32>} : memref<128xf32, #tpu.memory_space<vmem>>, vector<16xf32>,
    %broadcast_in_dim3A_19 = arith.constant 1.000000e+00 : f32
    %broadcast_in_dim3A_20 = vector.broadcast %broadcast_in_dim3A_19 : f32 to vector<16xf32>
    %swap3A_21 = arith.constant 48 : index
    %swap3A_22 = tpu.vector_load %arg6[%swap3A_21] {strides = array<i32>} : memref<128xf32, #tpu.memory_space<vmem>>, vector<16xf32>,
    %swap3A_23 = vector.shape_cast %swap3A_22 : vector<16xf32> to vector<16xf32>
    %swap3A_24 = vector.shape_cast %broadcast_in_dim3A_20 : vector<16xf32> to vector<16xf32>
    tpu.vector_store %arg6[%swap3A_21], %swap3A_24 {strides = array<i32>} : memref<128xf32, #tpu.memory_space<vmem>>, vector<16xf32>,
    %broadcast_in_dim3A_25 = arith.constant 1.000000e+00 : f32
    %broadcast_in_dim3A_26 = vector.broadcast %broadcast_in_dim3A_25 : f32 to vector<16xf32>
    %swap3A_27 = arith.constant 64 : index
    %swap3A_28 = tpu.vector_load %arg6[%swap3A_27] {strides = array<i32>} : memref<128xf32, #tpu.memory_space<vmem>>, vector<16xf32>,
    %swap3A_29 = vector.shape_cast %swap3A_28 : vector<16xf32> to vector<16xf32>
    %swap3A_30 = vector.shape_cast %broadcast_in_dim3A_26 : vector<16xf32> to vector<16xf32>
    tpu.vector_store %arg6[%swap3A_27], %swap3A_30 {strides = array<i32>} : memref<128xf32, #tpu.memory_space<vmem>>, vector<16xf32>,
    %broadcast_in_dim3A_31 = arith.constant 1.000000e+00 : f32
    %broadcast_in_dim3A_32 = vector.broadcast %broadcast_in_dim3A_31 : f32 to vector<16xf32>
    %swap3A_33 = arith.constant 80 : index
    %swap3A_34 = tpu.vector_load %arg6[%swap3A_33] {strides = array<i32>} : memref<128xf32, #tpu.memory_space<vmem>>, vector<16xf32>,
    %swap3A_35 = vector.shape_cast %swap3A_34 : vector<16xf32> to vector<16xf32>
    %swap3A_36 = vector.shape_cast %broadcast_in_dim3A_32 : vector<16xf32> to vector<16xf32>
    tpu.vector_store %arg6[%swap3A_33], %swap3A_36 {strides = array<i32>} : memref<128xf32, #tpu.memory_space<vmem>>, vector<16xf32>,
    %broadcast_in_dim3A_37 = arith.constant 1.000000e+00 : f32
    %broadcast_in_dim3A_38 = vector.broadcast %broadcast_in_dim3A_37 : f32 to vector<16xf32>
    %swap3A_39 = arith.constant 96 : index
    %swap3A_40 = tpu.vector_load %arg6[%swap3A_39] {strides = array<i32>} : memref<128xf32, #tpu.memory_space<vmem>>, vector<16xf32>,
    %swap3A_41 = vector.shape_cast %swap3A_40 : vector<16xf32> to vector<16xf32>
    %swap3A_42 = vector.shape_cast %broadcast_in_dim3A_38 : vector<16xf32> to vector<16xf32>
    tpu.vector_store %arg6[%swap3A_39], %swap3A_42 {strides = array<i32>} : memref<128xf32, #tpu.memory_space<vmem>>, vector<16xf32>,
    %broadcast_in_dim3A_43 = arith.constant 1.000000e+00 : f32
    %broadcast_in_dim3A_44 = vector.broadcast %broadcast_in_dim3A_43 : f32 to vector<16xf32>
    %swap3A_45 = arith.constant 112 : index
    %swap3A_46 = tpu.vector_load %arg6[%swap3A_45] {strides = array<i32>} : memref<128xf32, #tpu.memory_space<vmem>>, vector<16xf32>,
    %swap3A_47 = vector.shape_cast %swap3A_46 : vector<16xf32> to vector<16xf32>
    %swap3A_48 = vector.shape_cast %broadcast_in_dim3A_44 : vector<16xf32> to vector<16xf32>
    tpu.vector_store %arg6[%swap3A_45], %swap3A_48 {strides = array<i32>} : memref<128xf32, #tpu.memory_space<vmem>>, vector<16xf32>,
    "tpu.region"() ({
      %run_scoped3A = tpu.sem_alloc : memref<!tpu.dma_semaphore, #tpu.memory_space<semaphore_mem>>
      tpu.enqueue_dma source(%arg3 : memref<1280xf32, #tpu.memory_space<hbm>>) target(%arg7 : memref<1280xf32, #tpu.memory_space<vmem>>) target_semaphore(%run_scoped3A : memref<!tpu.dma_semaphore, #tpu.memory_space<semaphore_mem>>)
      tpu.wait_dma2 semaphore(%run_scoped3A : memref<!tpu.dma_semaphore, #tpu.memory_space<semaphore_mem>>) src(%arg3 : memref<1280xf32, #tpu.memory_space<hbm>>) dst(%arg7 : memref<1280xf32, #tpu.memory_space<vmem>>)
      tpu.yield
    }) : () -> ()
    "tpu.region"() ({
      %run_scoped3A = tpu.sem_alloc : memref<!tpu.dma_semaphore, #tpu.memory_space<semaphore_mem>>
      %dma_start3A = tpu.memref_slice %arg8[%mul3A_2] : memref<20480xf32, #tpu.memory_space<vmem_shared>> -> memref<1280xf32, #tpu.memory_space<vmem_shared>>
      %dma_start3A_55 = tpu.memref_slice %arg8[%mul3A_2] : memref<20480xf32, #tpu.memory_space<vmem_shared>> -> memref<1280xf32, #tpu.memory_space<vmem_shared>>
      tpu.enqueue_dma source(%arg7 : memref<1280xf32, #tpu.memory_space<vmem>>) target(%dma_start3A_55 : memref<1280xf32, #tpu.memory_space<vmem_shared>>) target_semaphore(%run_scoped3A : memref<!tpu.dma_semaphore, #tpu.memory_space<semaphore_mem>>)
      %dma_wait3A = tpu.memref_slice %arg8[%mul3A_2] : memref<20480xf32, #tpu.memory_space<vmem_shared>> -> memref<1280xf32, #tpu.memory_space<vmem_shared>>
      %dma_wait3A_56 = tpu.memref_slice %arg8[%mul3A_2] : memref<20480xf32, #tpu.memory_space<vmem_shared>> -> memref<1280xf32, #tpu.memory_space<vmem_shared>>
      tpu.wait_dma2 semaphore(%run_scoped3A : memref<!tpu.dma_semaphore, #tpu.memory_space<semaphore_mem>>) src(%arg7 : memref<1280xf32, #tpu.memory_space<vmem>>) dst(%dma_wait3A_56 : memref<1280xf32, #tpu.memory_space<vmem_shared>>)
      tpu.yield
    }) : () -> ()
    "tpu.region"() ({
      %run_scoped3A = tpu.sem_alloc : memref<!tpu.dma_semaphore, #tpu.memory_space<semaphore_mem>>
      %dma_start3A = arith.constant 0 : i32
      %dma_start3A_55 = arith.constant 0 : i32
      %dma_start3A_56 = tpu.memref_slice %arg2[%add3A, %dma_start3A, %dma_start3A_55] : memref<32x160x128xi32, #tpu.memory_space<hbm>> -> memref<1x160x128xi32, #tpu.memory_space<hbm>>
      %dma_start3A_57 = tpu.memref_squeeze %dma_start3A_56 : memref<1x160x128xi32, #tpu.memory_space<hbm>> -> memref<160x128xi32, #tpu.memory_space<hbm>>
      %dma_start3A_58 = arith.constant 0 : i32
      %dma_start3A_59 = arith.constant 0 : i32
      %dma_start3A_60 = tpu.memref_slice %arg2[%add3A, %dma_start3A_58, %dma_start3A_59] : memref<32x160x128xi32, #tpu.memory_space<hbm>> -> memref<1x160x128xi32, #tpu.memory_space<hbm>>
      %dma_start3A_61 = tpu.memref_squeeze %dma_start3A_60 : memref<1x160x128xi32, #tpu.memory_space<hbm>> -> memref<160x128xi32, #tpu.memory_space<hbm>>
      tpu.enqueue_dma source(%dma_start3A_61 : memref<160x128xi32, #tpu.memory_space<hbm>>) target(%arg5 : memref<160x128xi32, #tpu.memory_space<vmem>>) target_semaphore(%run_scoped3A : memref<!tpu.dma_semaphore, #tpu.memory_space<semaphore_mem>>)
      %dma_wait3A = arith.constant 0 : i32
      %dma_wait3A_62 = arith.constant 0 : i32
      %dma_wait3A_63 = tpu.memref_slice %arg2[%add3A, %dma_wait3A, %dma_wait3A_62] : memref<32x160x128xi32, #tpu.memory_space<hbm>> -> memref<1x160x128xi32, #tpu.memory_space<hbm>>
      %dma_wait3A_64 = tpu.memref_squeeze %dma_wait3A_63 : memref<1x160x128xi32, #tpu.memory_space<hbm>> -> memref<160x128xi32, #tpu.memory_space<hbm>>
      %dma_wait3A_65 = arith.constant 0 : i32
      %dma_wait3A_66 = arith.constant 0 : i32
      %dma_wait3A_67 = tpu.memref_slice %arg2[%add3A, %dma_wait3A_65, %dma_wait3A_66] : memref<32x160x128xi32, #tpu.memory_space<hbm>> -> memref<1x160x128xi32, #tpu.memory_space<hbm>>
      %dma_wait3A_68 = tpu.memref_squeeze %dma_wait3A_67 : memref<1x160x128xi32, #tpu.memory_space<hbm>> -> memref<160x128xi32, #tpu.memory_space<hbm>>
      tpu.wait_dma2 semaphore(%run_scoped3A : memref<!tpu.dma_semaphore, #tpu.memory_space<semaphore_mem>>) src(%dma_wait3A_68 : memref<160x128xi32, #tpu.memory_space<hbm>>) dst(%arg5 : memref<160x128xi32, #tpu.memory_space<vmem>>)
      tpu.yield
    }) : () -> ()
    %barrier3A = arith.constant 0 : index
    tpu.barrier barrier_id(%barrier3A)
    %scan3A = arith.constant 0 : i32
    %scan3A_49 = arith.constant 0 : i32
    %scan3A_50 = arith.constant 20 : i32
    %scan3A_51 = arith.addi %scan3A_49, %scan3A_50 : i32
    %scan3A_52 = arith.constant 1 : i32
    scf.for %scan3A_55 = %scan3A_49 to %scan3A_51 step %scan3A_52  : i32 {
      %mul3A_56 = arith.constant 8 : i32
      %mul3A_57 = arith.muli %scan3A_55, %mul3A_56 : i32
      %add3A_58 = arith.constant 0 : i32
      %add3A_59 = arith.addi %mul3A_57, %add3A_58 : i32
      %dma_start3A = arith.constant 0 : i32
      %dma_start3A_60 = tpu.memref_slice %arg5[%add3A_59, %dma_start3A] : memref<160x128xi32, #tpu.memory_space<vmem>> -> memref<1x128xi32, #tpu.memory_space<vmem>>
      %dma_start3A_61 = tpu.memref_squeeze %dma_start3A_60 : memref<1x128xi32, #tpu.memory_space<vmem>> -> memref<128xi32, #tpu.memory_space<vmem>>
      %dma_start3A_62 = arith.constant 0 : i32
      %dma_start3A_63 = tpu.memref_slice %arg8[%dma_start3A_62] : memref<20480xf32, #tpu.memory_space<vmem_shared>> -> memref<20480xf32, #tpu.memory_space<vmem_shared>>
      tpu.enqueue_indirect_dma source(%arg6 : memref<128xf32, #tpu.memory_space<vmem>>) target(%dma_start3A_63 : memref<20480xf32, #tpu.memory_space<vmem_shared>>) offsets(%dma_start3A_61 : memref<128xi32, #tpu.memory_space<vmem>>) semaphore(%arg9 : memref<!tpu.dma_semaphore, #tpu.memory_space<semaphore_mem>>) {add = true}
      %mul3A_64 = arith.constant 8 : i32
      %mul3A_65 = arith.muli %scan3A_55, %mul3A_64 : i32
      %add3A_66 = arith.constant 1 : i32
      %add3A_67 = arith.addi %mul3A_65, %add3A_66 : i32
      %dma_start3A_68 = arith.constant 0 : i32
      %dma_start3A_69 = tpu.memref_slice %arg5[%add3A_67, %dma_start3A_68] : memref<160x128xi32, #tpu.memory_space<vmem>> -> memref<1x128xi32, #tpu.memory_space<vmem>>
      %dma_start3A_70 = tpu.memref_squeeze %dma_start3A_69 : memref<1x128xi32, #tpu.memory_space<vmem>> -> memref<128xi32, #tpu.memory_space<vmem>>
      %dma_start3A_71 = arith.constant 0 : i32
      %dma_start3A_72 = tpu.memref_slice %arg8[%dma_start3A_71] : memref<20480xf32, #tpu.memory_space<vmem_shared>> -> memref<20480xf32, #tpu.memory_space<vmem_shared>>
      tpu.enqueue_indirect_dma source(%arg6 : memref<128xf32, #tpu.memory_space<vmem>>) target(%dma_start3A_72 : memref<20480xf32, #tpu.memory_space<vmem_shared>>) offsets(%dma_start3A_70 : memref<128xi32, #tpu.memory_space<vmem>>) semaphore(%arg10 : memref<!tpu.dma_semaphore, #tpu.memory_space<semaphore_mem>>) {add = true}
      %mul3A_73 = arith.constant 8 : i32
      %mul3A_74 = arith.muli %scan3A_55, %mul3A_73 : i32
      %add3A_75 = arith.constant 2 : i32
      %add3A_76 = arith.addi %mul3A_74, %add3A_75 : i32
      %dma_start3A_77 = arith.constant 0 : i32
      %dma_start3A_78 = tpu.memref_slice %arg5[%add3A_76, %dma_start3A_77] : memref<160x128xi32, #tpu.memory_space<vmem>> -> memref<1x128xi32, #tpu.memory_space<vmem>>
      %dma_start3A_79 = tpu.memref_squeeze %dma_start3A_78 : memref<1x128xi32, #tpu.memory_space<vmem>> -> memref<128xi32, #tpu.memory_space<vmem>>
      %dma_start3A_80 = arith.constant 0 : i32
      %dma_start3A_81 = tpu.memref_slice %arg8[%dma_start3A_80] : memref<20480xf32, #tpu.memory_space<vmem_shared>> -> memref<20480xf32, #tpu.memory_space<vmem_shared>>
      tpu.enqueue_indirect_dma source(%arg6 : memref<128xf32, #tpu.memory_space<vmem>>) target(%dma_start3A_81 : memref<20480xf32, #tpu.memory_space<vmem_shared>>) offsets(%dma_start3A_79 : memref<128xi32, #tpu.memory_space<vmem>>) semaphore(%arg11 : memref<!tpu.dma_semaphore, #tpu.memory_space<semaphore_mem>>) {add = true}
      %mul3A_82 = arith.constant 8 : i32
      %mul3A_83 = arith.muli %scan3A_55, %mul3A_82 : i32
      %add3A_84 = arith.constant 3 : i32
      %add3A_85 = arith.addi %mul3A_83, %add3A_84 : i32
      %dma_start3A_86 = arith.constant 0 : i32
      %dma_start3A_87 = tpu.memref_slice %arg5[%add3A_85, %dma_start3A_86] : memref<160x128xi32, #tpu.memory_space<vmem>> -> memref<1x128xi32, #tpu.memory_space<vmem>>
      %dma_start3A_88 = tpu.memref_squeeze %dma_start3A_87 : memref<1x128xi32, #tpu.memory_space<vmem>> -> memref<128xi32, #tpu.memory_space<vmem>>
      %dma_start3A_89 = arith.constant 0 : i32
      %dma_start3A_90 = tpu.memref_slice %arg8[%dma_start3A_89] : memref<20480xf32, #tpu.memory_space<vmem_shared>> -> memref<20480xf32, #tpu.memory_space<vmem_shared>>
      tpu.enqueue_indirect_dma source(%arg6 : memref<128xf32, #tpu.memory_space<vmem>>) target(%dma_start3A_90 : memref<20480xf32, #tpu.memory_space<vmem_shared>>) offsets(%dma_start3A_88 : memref<128xi32, #tpu.memory_space<vmem>>) semaphore(%arg12 : memref<!tpu.dma_semaphore, #tpu.memory_space<semaphore_mem>>) {add = true}
      %mul3A_91 = arith.constant 8 : i32
      %mul3A_92 = arith.muli %scan3A_55, %mul3A_91 : i32
      %add3A_93 = arith.constant 4 : i32
      %add3A_94 = arith.addi %mul3A_92, %add3A_93 : i32
      %dma_start3A_95 = arith.constant 0 : i32
      %dma_start3A_96 = tpu.memref_slice %arg5[%add3A_94, %dma_start3A_95] : memref<160x128xi32, #tpu.memory_space<vmem>> -> memref<1x128xi32, #tpu.memory_space<vmem>>
      %dma_start3A_97 = tpu.memref_squeeze %dma_start3A_96 : memref<1x128xi32, #tpu.memory_space<vmem>> -> memref<128xi32, #tpu.memory_space<vmem>>
      %dma_start3A_98 = arith.constant 0 : i32
      %dma_start3A_99 = tpu.memref_slice %arg8[%dma_start3A_98] : memref<20480xf32, #tpu.memory_space<vmem_shared>> -> memref<20480xf32, #tpu.memory_space<vmem_shared>>
      tpu.enqueue_indirect_dma source(%arg6 : memref<128xf32, #tpu.memory_space<vmem>>) target(%dma_start3A_99 : memref<20480xf32, #tpu.memory_space<vmem_shared>>) offsets(%dma_start3A_97 : memref<128xi32, #tpu.memory_space<vmem>>) semaphore(%arg13 : memref<!tpu.dma_semaphore, #tpu.memory_space<semaphore_mem>>) {add = true}
      %mul3A_100 = arith.constant 8 : i32
      %mul3A_101 = arith.muli %scan3A_55, %mul3A_100 : i32
      %add3A_102 = arith.constant 5 : i32
      %add3A_103 = arith.addi %mul3A_101, %add3A_102 : i32
      %dma_start3A_104 = arith.constant 0 : i32
      %dma_start3A_105 = tpu.memref_slice %arg5[%add3A_103, %dma_start3A_104] : memref<160x128xi32, #tpu.memory_space<vmem>> -> memref<1x128xi32, #tpu.memory_space<vmem>>
      %dma_start3A_106 = tpu.memref_squeeze %dma_start3A_105 : memref<1x128xi32, #tpu.memory_space<vmem>> -> memref<128xi32, #tpu.memory_space<vmem>>
      %dma_start3A_107 = arith.constant 0 : i32
      %dma_start3A_108 = tpu.memref_slice %arg8[%dma_start3A_107] : memref<20480xf32, #tpu.memory_space<vmem_shared>> -> memref<20480xf32, #tpu.memory_space<vmem_shared>>
      tpu.enqueue_indirect_dma source(%arg6 : memref<128xf32, #tpu.memory_space<vmem>>) target(%dma_start3A_108 : memref<20480xf32, #tpu.memory_space<vmem_shared>>) offsets(%dma_start3A_106 : memref<128xi32, #tpu.memory_space<vmem>>) semaphore(%arg14 : memref<!tpu.dma_semaphore, #tpu.memory_space<semaphore_mem>>) {add = true}
      %mul3A_109 = arith.constant 8 : i32
      %mul3A_110 = arith.muli %scan3A_55, %mul3A_109 : i32
      %add3A_111 = arith.constant 6 : i32
      %add3A_112 = arith.addi %mul3A_110, %add3A_111 : i32
      %dma_start3A_113 = arith.constant 0 : i32
      %dma_start3A_114 = tpu.memref_slice %arg5[%add3A_112, %dma_start3A_113] : memref<160x128xi32, #tpu.memory_space<vmem>> -> memref<1x128xi32, #tpu.memory_space<vmem>>
      %dma_start3A_115 = tpu.memref_squeeze %dma_start3A_114 : memref<1x128xi32, #tpu.memory_space<vmem>> -> memref<128xi32, #tpu.memory_space<vmem>>
      %dma_start3A_116 = arith.constant 0 : i32
      %dma_start3A_117 = tpu.memref_slice %arg8[%dma_start3A_116] : memref<20480xf32, #tpu.memory_space<vmem_shared>> -> memref<20480xf32, #tpu.memory_space<vmem_shared>>
      tpu.enqueue_indirect_dma source(%arg6 : memref<128xf32, #tpu.memory_space<vmem>>) target(%dma_start3A_117 : memref<20480xf32, #tpu.memory_space<vmem_shared>>) offsets(%dma_start3A_115 : memref<128xi32, #tpu.memory_space<vmem>>) semaphore(%arg15 : memref<!tpu.dma_semaphore, #tpu.memory_space<semaphore_mem>>) {add = true}
      %mul3A_118 = arith.constant 8 : i32
      %mul3A_119 = arith.muli %scan3A_55, %mul3A_118 : i32
      %add3A_120 = arith.constant 7 : i32
      %add3A_121 = arith.addi %mul3A_119, %add3A_120 : i32
      %dma_start3A_122 = arith.constant 0 : i32
      %dma_start3A_123 = tpu.memref_slice %arg5[%add3A_121, %dma_start3A_122] : memref<160x128xi32, #tpu.memory_space<vmem>> -> memref<1x128xi32, #tpu.memory_space<vmem>>
      %dma_start3A_124 = tpu.memref_squeeze %dma_start3A_123 : memref<1x128xi32, #tpu.memory_space<vmem>> -> memref<128xi32, #tpu.memory_space<vmem>>
      %dma_start3A_125 = arith.constant 0 : i32
      %dma_start3A_126 = tpu.memref_slice %arg8[%dma_start3A_125] : memref<20480xf32, #tpu.memory_space<vmem_shared>> -> memref<20480xf32, #tpu.memory_space<vmem_shared>>
      tpu.enqueue_indirect_dma source(%arg6 : memref<128xf32, #tpu.memory_space<vmem>>) target(%dma_start3A_126 : memref<20480xf32, #tpu.memory_space<vmem_shared>>) offsets(%dma_start3A_124 : memref<128xi32, #tpu.memory_space<vmem>>) semaphore(%arg16 : memref<!tpu.dma_semaphore, #tpu.memory_space<semaphore_mem>>) {add = true}
      %dma_wait3A = arith.constant 0 : i32
      %dma_wait3A_127 = arith.constant 0 : i32
      %dma_wait3A_128 = tpu.memref_slice %arg5[%dma_wait3A, %dma_wait3A_127] : memref<160x128xi32, #tpu.memory_space<vmem>> -> memref<1x128xi32, #tpu.memory_space<vmem>>
      %dma_wait3A_129 = tpu.memref_squeeze %dma_wait3A_128 : memref<1x128xi32, #tpu.memory_space<vmem>> -> memref<128xi32, #tpu.memory_space<vmem>>
      %dma_wait3A_130 = arith.constant 0 : i32
      %dma_wait3A_131 = tpu.memref_slice %arg8[%dma_wait3A_130] : memref<20480xf32, #tpu.memory_space<vmem_shared>> -> memref<20480xf32, #tpu.memory_space<vmem_shared>>
      tpu.wait_indirect_dma semaphore(%arg9 : memref<!tpu.dma_semaphore, #tpu.memory_space<semaphore_mem>>) src(%arg6 : memref<128xf32, #tpu.memory_space<vmem>>) dst(%dma_wait3A_131 : memref<20480xf32, #tpu.memory_space<vmem_shared>>)
      %dma_wait3A_132 = arith.constant 0 : i32
      %dma_wait3A_133 = arith.constant 0 : i32
      %dma_wait3A_134 = tpu.memref_slice %arg5[%dma_wait3A_132, %dma_wait3A_133] : memref<160x128xi32, #tpu.memory_space<vmem>> -> memref<1x128xi32, #tpu.memory_space<vmem>>
      %dma_wait3A_135 = tpu.memref_squeeze %dma_wait3A_134 : memref<1x128xi32, #tpu.memory_space<vmem>> -> memref<128xi32, #tpu.memory_space<vmem>>
      %dma_wait3A_136 = arith.constant 0 : i32
      %dma_wait3A_137 = tpu.memref_slice %arg8[%dma_wait3A_136] : memref<20480xf32, #tpu.memory_space<vmem_shared>> -> memref<20480xf32, #tpu.memory_space<vmem_shared>>
      tpu.wait_indirect_dma semaphore(%arg10 : memref<!tpu.dma_semaphore, #tpu.memory_space<semaphore_mem>>) src(%arg6 : memref<128xf32, #tpu.memory_space<vmem>>) dst(%dma_wait3A_137 : memref<20480xf32, #tpu.memory_space<vmem_shared>>)
      %dma_wait3A_138 = arith.constant 0 : i32
      %dma_wait3A_139 = arith.constant 0 : i32
      %dma_wait3A_140 = tpu.memref_slice %arg5[%dma_wait3A_138, %dma_wait3A_139] : memref<160x128xi32, #tpu.memory_space<vmem>> -> memref<1x128xi32, #tpu.memory_space<vmem>>
      %dma_wait3A_141 = tpu.memref_squeeze %dma_wait3A_140 : memref<1x128xi32, #tpu.memory_space<vmem>> -> memref<128xi32, #tpu.memory_space<vmem>>
      %dma_wait3A_142 = arith.constant 0 : i32
      %dma_wait3A_143 = tpu.memref_slice %arg8[%dma_wait3A_142] : memref<20480xf32, #tpu.memory_space<vmem_shared>> -> memref<20480xf32, #tpu.memory_space<vmem_shared>>
      tpu.wait_indirect_dma semaphore(%arg11 : memref<!tpu.dma_semaphore, #tpu.memory_space<semaphore_mem>>) src(%arg6 : memref<128xf32, #tpu.memory_space<vmem>>) dst(%dma_wait3A_143 : memref<20480xf32, #tpu.memory_space<vmem_shared>>)
      %dma_wait3A_144 = arith.constant 0 : i32
      %dma_wait3A_145 = arith.constant 0 : i32
      %dma_wait3A_146 = tpu.memref_slice %arg5[%dma_wait3A_144, %dma_wait3A_145] : memref<160x128xi32, #tpu.memory_space<vmem>> -> memref<1x128xi32, #tpu.memory_space<vmem>>
      %dma_wait3A_147 = tpu.memref_squeeze %dma_wait3A_146 : memref<1x128xi32, #tpu.memory_space<vmem>> -> memref<128xi32, #tpu.memory_space<vmem>>
      %dma_wait3A_148 = arith.constant 0 : i32
      %dma_wait3A_149 = tpu.memref_slice %arg8[%dma_wait3A_148] : memref<20480xf32, #tpu.memory_space<vmem_shared>> -> memref<20480xf32, #tpu.memory_space<vmem_shared>>
      tpu.wait_indirect_dma semaphore(%arg12 : memref<!tpu.dma_semaphore, #tpu.memory_space<semaphore_mem>>) src(%arg6 : memref<128xf32, #tpu.memory_space<vmem>>) dst(%dma_wait3A_149 : memref<20480xf32, #tpu.memory_space<vmem_shared>>)
      %dma_wait3A_150 = arith.constant 0 : i32
      %dma_wait3A_151 = arith.constant 0 : i32
      %dma_wait3A_152 = tpu.memref_slice %arg5[%dma_wait3A_150, %dma_wait3A_151] : memref<160x128xi32, #tpu.memory_space<vmem>> -> memref<1x128xi32, #tpu.memory_space<vmem>>
      %dma_wait3A_153 = tpu.memref_squeeze %dma_wait3A_152 : memref<1x128xi32, #tpu.memory_space<vmem>> -> memref<128xi32, #tpu.memory_space<vmem>>
      %dma_wait3A_154 = arith.constant 0 : i32
      %dma_wait3A_155 = tpu.memref_slice %arg8[%dma_wait3A_154] : memref<20480xf32, #tpu.memory_space<vmem_shared>> -> memref<20480xf32, #tpu.memory_space<vmem_shared>>
      tpu.wait_indirect_dma semaphore(%arg13 : memref<!tpu.dma_semaphore, #tpu.memory_space<semaphore_mem>>) src(%arg6 : memref<128xf32, #tpu.memory_space<vmem>>) dst(%dma_wait3A_155 : memref<20480xf32, #tpu.memory_space<vmem_shared>>)
      %dma_wait3A_156 = arith.constant 0 : i32
      %dma_wait3A_157 = arith.constant 0 : i32
      %dma_wait3A_158 = tpu.memref_slice %arg5[%dma_wait3A_156, %dma_wait3A_157] : memref<160x128xi32, #tpu.memory_space<vmem>> -> memref<1x128xi32, #tpu.memory_space<vmem>>
      %dma_wait3A_159 = tpu.memref_squeeze %dma_wait3A_158 : memref<1x128xi32, #tpu.memory_space<vmem>> -> memref<128xi32, #tpu.memory_space<vmem>>
      %dma_wait3A_160 = arith.constant 0 : i32
      %dma_wait3A_161 = tpu.memref_slice %arg8[%dma_wait3A_160] : memref<20480xf32, #tpu.memory_space<vmem_shared>> -> memref<20480xf32, #tpu.memory_space<vmem_shared>>
      tpu.wait_indirect_dma semaphore(%arg14 : memref<!tpu.dma_semaphore, #tpu.memory_space<semaphore_mem>>) src(%arg6 : memref<128xf32, #tpu.memory_space<vmem>>) dst(%dma_wait3A_161 : memref<20480xf32, #tpu.memory_space<vmem_shared>>)
      %dma_wait3A_162 = arith.constant 0 : i32
      %dma_wait3A_163 = arith.constant 0 : i32
      %dma_wait3A_164 = tpu.memref_slice %arg5[%dma_wait3A_162, %dma_wait3A_163] : memref<160x128xi32, #tpu.memory_space<vmem>> -> memref<1x128xi32, #tpu.memory_space<vmem>>
      %dma_wait3A_165 = tpu.memref_squeeze %dma_wait3A_164 : memref<1x128xi32, #tpu.memory_space<vmem>> -> memref<128xi32, #tpu.memory_space<vmem>>
      %dma_wait3A_166 = arith.constant 0 : i32
      %dma_wait3A_167 = tpu.memref_slice %arg8[%dma_wait3A_166] : memref<20480xf32, #tpu.memory_space<vmem_shared>> -> memref<20480xf32, #tpu.memory_space<vmem_shared>>
      tpu.wait_indirect_dma semaphore(%arg15 : memref<!tpu.dma_semaphore, #tpu.memory_space<semaphore_mem>>) src(%arg6 : memref<128xf32, #tpu.memory_space<vmem>>) dst(%dma_wait3A_167 : memref<20480xf32, #tpu.memory_space<vmem_shared>>)
      %dma_wait3A_168 = arith.constant 0 : i32
      %dma_wait3A_169 = arith.constant 0 : i32
      %dma_wait3A_170 = tpu.memref_slice %arg5[%dma_wait3A_168, %dma_wait3A_169] : memref<160x128xi32, #tpu.memory_space<vmem>> -> memref<1x128xi32, #tpu.memory_space<vmem>>
      %dma_wait3A_171 = tpu.memref_squeeze %dma_wait3A_170 : memref<1x128xi32, #tpu.memory_space<vmem>> -> memref<128xi32, #tpu.memory_space<vmem>>
      %dma_wait3A_172 = arith.constant 0 : i32
      %dma_wait3A_173 = tpu.memref_slice %arg8[%dma_wait3A_172] : memref<20480xf32, #tpu.memory_space<vmem_shared>> -> memref<20480xf32, #tpu.memory_space<vmem_shared>>
      tpu.wait_indirect_dma semaphore(%arg16 : memref<!tpu.dma_semaphore, #tpu.memory_space<semaphore_mem>>) src(%arg6 : memref<128xf32, #tpu.memory_space<vmem>>) dst(%dma_wait3A_173 : memref<20480xf32, #tpu.memory_space<vmem_shared>>)
    }
    %scan3A_53 = arith.constant 20 : i32
    %barrier3A_54 = arith.constant 0 : index
    tpu.barrier barrier_id(%barrier3A_54)
    "tpu.region"() ({
      %run_scoped3A = tpu.sem_alloc : memref<!tpu.dma_semaphore, #tpu.memory_space<semaphore_mem>>
      %dma_start3A = tpu.memref_slice %arg4[%arg0, %mul3A_2] : memref<2x20480xf32, #tpu.memory_space<hbm>> -> memref<1x1280xf32, #tpu.memory_space<hbm>>
      %dma_start3A_55 = tpu.memref_squeeze %dma_start3A : memref<1x1280xf32, #tpu.memory_space<hbm>> -> memref<1280xf32, #tpu.memory_space<hbm>>
      %dma_start3A_56 = tpu.memref_slice %arg8[%mul3A_2] : memref<20480xf32, #tpu.memory_space<vmem_shared>> -> memref<1280xf32, #tpu.memory_space<vmem_shared>>
      tpu.enqueue_dma source(%dma_start3A_56 : memref<1280xf32, #tpu.memory_space<vmem_shared>>) target(%dma_start3A_55 : memref<1280xf32, #tpu.memory_space<hbm>>) target_semaphore(%run_scoped3A : memref<!tpu.dma_semaphore, #tpu.memory_space<semaphore_mem>>)
      %dma_wait3A = tpu.memref_slice %arg4[%arg0, %mul3A_2] : memref<2x20480xf32, #tpu.memory_space<hbm>> -> memref<1x1280xf32, #tpu.memory_space<hbm>>
      %dma_wait3A_57 = tpu.memref_squeeze %dma_wait3A : memref<1x1280xf32, #tpu.memory_space<hbm>> -> memref<1280xf32, #tpu.memory_space<hbm>>
      %dma_wait3A_58 = tpu.memref_slice %arg8[%mul3A_2] : memref<20480xf32, #tpu.memory_space<vmem_shared>> -> memref<1280xf32, #tpu.memory_space<vmem_shared>>
      tpu.wait_dma2 semaphore(%run_scoped3A : memref<!tpu.dma_semaphore, #tpu.memory_space<semaphore_mem>>) src(%dma_wait3A_58 : memref<1280xf32, #tpu.memory_space<vmem_shared>>) dst(%dma_wait3A_57 : memref<1280xf32, #tpu.memory_space<hbm>>)
      tpu.yield
    }) : () -> ()
    return
  }
}

#map = affine_map<(d0, d1) -> (0, 0, 0)>
#map1 = affine_map<(d0, d1) -> (0, 0)>
module attributes {stable_mosaic.version = 14 : i64} {
  func.func @body(%arg0: i32, %arg1: i32, %arg2: memref<16x160x128xi32, #tpu.memory_space<hbm>>, %arg3: memref<16x160x128xi32, #tpu.memory_space<hbm>>, %arg4: memref<2x10000x64xf32, #tpu.memory_space<hbm>>, %arg5: memref<128x64xf32, #tpu.memory_space<hbm>>, %arg6: memref<2x10240x64xf32, #tpu.memory_space<hbm>>, %arg7: memref<160x128xi32, #tpu.memory_space<vmem>>, %arg8: memref<160x128xi32, #tpu.memory_space<vmem>>, %arg9: memref<5x128x64xf32, #tpu.memory_space<vmem>>, %arg10: memref<10240x64xf32, #tpu.memory_space<vmem_shared>>, %arg11: memref<!tpu.dma_semaphore, #tpu.memory_space<semaphore_mem>>, %arg12: memref<!tpu.dma_semaphore, #tpu.memory_space<semaphore_mem>>, %arg13: memref<!tpu.dma_semaphore, #tpu.memory_space<semaphore_mem>>, %arg14: memref<!tpu.dma_semaphore, #tpu.memory_space<semaphore_mem>>, %arg15: memref<!tpu.dma_semaphore, #tpu.memory_space<semaphore_mem>>, %arg16: memref<!tpu.dma_semaphore, #tpu.memory_space<semaphore_mem>>, %arg17: memref<!tpu.dma_semaphore, #tpu.memory_space<semaphore_mem>>, %arg18: memref<!tpu.dma_semaphore, #tpu.memory_space<semaphore_mem>>, %arg19: memref<!tpu.dma_semaphore, #tpu.memory_space<semaphore_mem>>, %arg20: memref<!tpu.dma_semaphore, #tpu.memory_space<semaphore_mem>>) attributes {dimension_semantics = [#tpu.dimension_semantics<core_parallel>, #tpu.dimension_semantics<subcore_parallel>], iteration_bounds = array<i64: 2, 16>, scalar_prefetch = 0 : i64, scratch_operands = 14 : i64, tpu.core_type = #tpu.core_type<sc_vector_subcore>, window_params = [{transform_indices = #map}, {transform_indices = #map}, {transform_indices = #map}, {transform_indices = #map1}, {transform_indices = #map}]} {
    %mul3A = arith.constant 640 : i32
    %mul3A_0 = arith.muli %arg1, %mul3A : i32
    %dma_start3A = arith.constant 0 : i32
    %dma_start3A_1 = arith.constant 0 : i32
    %dma_start3A_2 = tpu.memref_slice %arg2[%arg1, %dma_start3A, %dma_start3A_1] : memref<16x160x128xi32, #tpu.memory_space<hbm>> -> memref<1x160x128xi32, #tpu.memory_space<hbm>>
    %dma_start3A_3 = tpu.memref_squeeze %dma_start3A_2 : memref<1x160x128xi32, #tpu.memory_space<hbm>> -> memref<160x128xi32, #tpu.memory_space<hbm>>
    %dma_start3A_4 = arith.constant 0 : i32
    %dma_start3A_5 = arith.constant 0 : i32
    %dma_start3A_6 = tpu.memref_slice %arg2[%arg1, %dma_start3A_4, %dma_start3A_5] : memref<16x160x128xi32, #tpu.memory_space<hbm>> -> memref<1x160x128xi32, #tpu.memory_space<hbm>>
    %dma_start3A_7 = tpu.memref_squeeze %dma_start3A_6 : memref<1x160x128xi32, #tpu.memory_space<hbm>> -> memref<160x128xi32, #tpu.memory_space<hbm>>
    tpu.enqueue_dma source(%dma_start3A_7 : memref<160x128xi32, #tpu.memory_space<hbm>>) target(%arg7 : memref<160x128xi32, #tpu.memory_space<vmem>>) target_semaphore(%arg11 : memref<!tpu.dma_semaphore, #tpu.memory_space<semaphore_mem>>)
    %dma_start3A_8 = arith.constant 0 : i32
    %dma_start3A_9 = arith.constant 0 : i32
    %dma_start3A_10 = tpu.memref_slice %arg3[%arg1, %dma_start3A_8, %dma_start3A_9] : memref<16x160x128xi32, #tpu.memory_space<hbm>> -> memref<1x160x128xi32, #tpu.memory_space<hbm>>
    %dma_start3A_11 = tpu.memref_squeeze %dma_start3A_10 : memref<1x160x128xi32, #tpu.memory_space<hbm>> -> memref<160x128xi32, #tpu.memory_space<hbm>>
    %dma_start3A_12 = arith.constant 0 : i32
    %dma_start3A_13 = arith.constant 0 : i32
    %dma_start3A_14 = tpu.memref_slice %arg3[%arg1, %dma_start3A_12, %dma_start3A_13] : memref<16x160x128xi32, #tpu.memory_space<hbm>> -> memref<1x160x128xi32, #tpu.memory_space<hbm>>
    %dma_start3A_15 = tpu.memref_squeeze %dma_start3A_14 : memref<1x160x128xi32, #tpu.memory_space<hbm>> -> memref<160x128xi32, #tpu.memory_space<hbm>>
    tpu.enqueue_dma source(%dma_start3A_15 : memref<160x128xi32, #tpu.memory_space<hbm>>) target(%arg8 : memref<160x128xi32, #tpu.memory_space<vmem>>) target_semaphore(%arg12 : memref<!tpu.dma_semaphore, #tpu.memory_space<semaphore_mem>>)
    %run_scoped3A = arith.constant 0 : i32
    "tpu.region"() ({
      %run_scoped3A_131 = tpu.sem_alloc : memref<!tpu.dma_semaphore, #tpu.memory_space<semaphore_mem>>
      %dma_start3A_132 = arith.constant 0 : i32
      %dma_start3A_133 = arith.constant 0 : i32
      %dma_start3A_134 = tpu.memref_slice %arg9[%run_scoped3A, %dma_start3A_132, %dma_start3A_133] : memref<5x128x64xf32, #tpu.memory_space<vmem>> -> memref<1x128x64xf32, #tpu.memory_space<vmem>>
      %dma_start3A_135 = tpu.memref_squeeze %dma_start3A_134 : memref<1x128x64xf32, #tpu.memory_space<vmem>> -> memref<128x64xf32, #tpu.memory_space<vmem>>
      %dma_start3A_136 = arith.constant 0 : i32
      %dma_start3A_137 = arith.constant 0 : i32
      %dma_start3A_138 = tpu.memref_slice %arg9[%run_scoped3A, %dma_start3A_136, %dma_start3A_137] : memref<5x128x64xf32, #tpu.memory_space<vmem>> -> memref<1x128x64xf32, #tpu.memory_space<vmem>>
      %dma_start3A_139 = tpu.memref_squeeze %dma_start3A_138 : memref<1x128x64xf32, #tpu.memory_space<vmem>> -> memref<128x64xf32, #tpu.memory_space<vmem>>
      tpu.enqueue_dma source(%arg5 : memref<128x64xf32, #tpu.memory_space<hbm>>) target(%dma_start3A_139 : memref<128x64xf32, #tpu.memory_space<vmem>>) target_semaphore(%run_scoped3A_131 : memref<!tpu.dma_semaphore, #tpu.memory_space<semaphore_mem>>)
      %dma_wait3A_140 = arith.constant 0 : i32
      %dma_wait3A_141 = arith.constant 0 : i32
      %dma_wait3A_142 = tpu.memref_slice %arg9[%run_scoped3A, %dma_wait3A_140, %dma_wait3A_141] : memref<5x128x64xf32, #tpu.memory_space<vmem>> -> memref<1x128x64xf32, #tpu.memory_space<vmem>>
      %dma_wait3A_143 = tpu.memref_squeeze %dma_wait3A_142 : memref<1x128x64xf32, #tpu.memory_space<vmem>> -> memref<128x64xf32, #tpu.memory_space<vmem>>
      %dma_wait3A_144 = arith.constant 0 : i32
      %dma_wait3A_145 = arith.constant 0 : i32
      %dma_wait3A_146 = tpu.memref_slice %arg9[%run_scoped3A, %dma_wait3A_144, %dma_wait3A_145] : memref<5x128x64xf32, #tpu.memory_space<vmem>> -> memref<1x128x64xf32, #tpu.memory_space<vmem>>
      %dma_wait3A_147 = tpu.memref_squeeze %dma_wait3A_146 : memref<1x128x64xf32, #tpu.memory_space<vmem>> -> memref<128x64xf32, #tpu.memory_space<vmem>>
      tpu.wait_dma2 semaphore(%run_scoped3A_131 : memref<!tpu.dma_semaphore, #tpu.memory_space<semaphore_mem>>) src(%arg5 : memref<128x64xf32, #tpu.memory_space<hbm>>) dst(%dma_wait3A_147 : memref<128x64xf32, #tpu.memory_space<vmem>>)
      tpu.yield
    }) : () -> ()
    %add3A = arith.constant 0 : i32
    %add3A_16 = arith.addi %mul3A_0, %add3A : i32
    %run_scoped3A_17 = arith.constant 0 : i32
    "tpu.region"() ({
      %run_scoped3A_131 = tpu.sem_alloc : memref<!tpu.dma_semaphore, #tpu.memory_space<semaphore_mem>>
      %dma_start3A_132 = arith.constant 0 : i32
      %dma_start3A_133 = arith.constant 0 : i32
      %dma_start3A_134 = tpu.memref_slice %arg9[%run_scoped3A_17, %dma_start3A_132, %dma_start3A_133] : memref<5x128x64xf32, #tpu.memory_space<vmem>> -> memref<1x128x64xf32, #tpu.memory_space<vmem>>
      %dma_start3A_135 = tpu.memref_squeeze %dma_start3A_134 : memref<1x128x64xf32, #tpu.memory_space<vmem>> -> memref<128x64xf32, #tpu.memory_space<vmem>>
      %dma_start3A_136 = arith.constant 0 : i32
      %dma_start3A_137 = tpu.memref_slice %arg10[%add3A_16, %dma_start3A_136] : memref<10240x64xf32, #tpu.memory_space<vmem_shared>> -> memref<128x64xf32, #tpu.memory_space<vmem_shared>>
      %dma_start3A_138 = arith.constant 0 : i32
      %dma_start3A_139 = tpu.memref_slice %arg10[%add3A_16, %dma_start3A_138] : memref<10240x64xf32, #tpu.memory_space<vmem_shared>> -> memref<128x64xf32, #tpu.memory_space<vmem_shared>>
      %dma_start3A_140 = arith.constant 0 : i32
      %dma_start3A_141 = arith.constant 0 : i32
      %dma_start3A_142 = tpu.memref_slice %arg9[%run_scoped3A_17, %dma_start3A_140, %dma_start3A_141] : memref<5x128x64xf32, #tpu.memory_space<vmem>> -> memref<1x128x64xf32, #tpu.memory_space<vmem>>
      %dma_start3A_143 = tpu.memref_squeeze %dma_start3A_142 : memref<1x128x64xf32, #tpu.memory_space<vmem>> -> memref<128x64xf32, #tpu.memory_space<vmem>>
      tpu.enqueue_dma source(%dma_start3A_143 : memref<128x64xf32, #tpu.memory_space<vmem>>) target(%dma_start3A_139 : memref<128x64xf32, #tpu.memory_space<vmem_shared>>) target_semaphore(%run_scoped3A_131 : memref<!tpu.dma_semaphore, #tpu.memory_space<semaphore_mem>>)
      %dma_wait3A_144 = arith.constant 0 : i32
      %dma_wait3A_145 = arith.constant 0 : i32
      %dma_wait3A_146 = tpu.memref_slice %arg9[%run_scoped3A_17, %dma_wait3A_144, %dma_wait3A_145] : memref<5x128x64xf32, #tpu.memory_space<vmem>> -> memref<1x128x64xf32, #tpu.memory_space<vmem>>
      %dma_wait3A_147 = tpu.memref_squeeze %dma_wait3A_146 : memref<1x128x64xf32, #tpu.memory_space<vmem>> -> memref<128x64xf32, #tpu.memory_space<vmem>>
      %dma_wait3A_148 = arith.constant 0 : i32
      %dma_wait3A_149 = tpu.memref_slice %arg10[%add3A_16, %dma_wait3A_148] : memref<10240x64xf32, #tpu.memory_space<vmem_shared>> -> memref<128x64xf32, #tpu.memory_space<vmem_shared>>
      %dma_wait3A_150 = arith.constant 0 : i32
      %dma_wait3A_151 = tpu.memref_slice %arg10[%add3A_16, %dma_wait3A_150] : memref<10240x64xf32, #tpu.memory_space<vmem_shared>> -> memref<128x64xf32, #tpu.memory_space<vmem_shared>>
      %dma_wait3A_152 = arith.constant 0 : i32
      %dma_wait3A_153 = arith.constant 0 : i32
      %dma_wait3A_154 = tpu.memref_slice %arg9[%run_scoped3A_17, %dma_wait3A_152, %dma_wait3A_153] : memref<5x128x64xf32, #tpu.memory_space<vmem>> -> memref<1x128x64xf32, #tpu.memory_space<vmem>>
      %dma_wait3A_155 = tpu.memref_squeeze %dma_wait3A_154 : memref<1x128x64xf32, #tpu.memory_space<vmem>> -> memref<128x64xf32, #tpu.memory_space<vmem>>
      tpu.wait_dma2 semaphore(%run_scoped3A_131 : memref<!tpu.dma_semaphore, #tpu.memory_space<semaphore_mem>>) src(%dma_wait3A_155 : memref<128x64xf32, #tpu.memory_space<vmem>>) dst(%dma_wait3A_151 : memref<128x64xf32, #tpu.memory_space<vmem_shared>>)
      tpu.yield
    }) : () -> ()
    %add3A_18 = arith.constant 128 : i32
    %add3A_19 = arith.addi %mul3A_0, %add3A_18 : i32
    %run_scoped3A_20 = arith.constant 0 : i32
    "tpu.region"() ({
      %run_scoped3A_131 = tpu.sem_alloc : memref<!tpu.dma_semaphore, #tpu.memory_space<semaphore_mem>>
      %dma_start3A_132 = arith.constant 0 : i32
      %dma_start3A_133 = arith.constant 0 : i32
      %dma_start3A_134 = tpu.memref_slice %arg9[%run_scoped3A_20, %dma_start3A_132, %dma_start3A_133] : memref<5x128x64xf32, #tpu.memory_space<vmem>> -> memref<1x128x64xf32, #tpu.memory_space<vmem>>
      %dma_start3A_135 = tpu.memref_squeeze %dma_start3A_134 : memref<1x128x64xf32, #tpu.memory_space<vmem>> -> memref<128x64xf32, #tpu.memory_space<vmem>>
      %dma_start3A_136 = arith.constant 0 : i32
      %dma_start3A_137 = tpu.memref_slice %arg10[%add3A_19, %dma_start3A_136] : memref<10240x64xf32, #tpu.memory_space<vmem_shared>> -> memref<128x64xf32, #tpu.memory_space<vmem_shared>>
      %dma_start3A_138 = arith.constant 0 : i32
      %dma_start3A_139 = tpu.memref_slice %arg10[%add3A_19, %dma_start3A_138] : memref<10240x64xf32, #tpu.memory_space<vmem_shared>> -> memref<128x64xf32, #tpu.memory_space<vmem_shared>>
      %dma_start3A_140 = arith.constant 0 : i32
      %dma_start3A_141 = arith.constant 0 : i32
      %dma_start3A_142 = tpu.memref_slice %arg9[%run_scoped3A_20, %dma_start3A_140, %dma_start3A_141] : memref<5x128x64xf32, #tpu.memory_space<vmem>> -> memref<1x128x64xf32, #tpu.memory_space<vmem>>
      %dma_start3A_143 = tpu.memref_squeeze %dma_start3A_142 : memref<1x128x64xf32, #tpu.memory_space<vmem>> -> memref<128x64xf32, #tpu.memory_space<vmem>>
      tpu.enqueue_dma source(%dma_start3A_143 : memref<128x64xf32, #tpu.memory_space<vmem>>) target(%dma_start3A_139 : memref<128x64xf32, #tpu.memory_space<vmem_shared>>) target_semaphore(%run_scoped3A_131 : memref<!tpu.dma_semaphore, #tpu.memory_space<semaphore_mem>>)
      %dma_wait3A_144 = arith.constant 0 : i32
      %dma_wait3A_145 = arith.constant 0 : i32
      %dma_wait3A_146 = tpu.memref_slice %arg9[%run_scoped3A_20, %dma_wait3A_144, %dma_wait3A_145] : memref<5x128x64xf32, #tpu.memory_space<vmem>> -> memref<1x128x64xf32, #tpu.memory_space<vmem>>
      %dma_wait3A_147 = tpu.memref_squeeze %dma_wait3A_146 : memref<1x128x64xf32, #tpu.memory_space<vmem>> -> memref<128x64xf32, #tpu.memory_space<vmem>>
      %dma_wait3A_148 = arith.constant 0 : i32
      %dma_wait3A_149 = tpu.memref_slice %arg10[%add3A_19, %dma_wait3A_148] : memref<10240x64xf32, #tpu.memory_space<vmem_shared>> -> memref<128x64xf32, #tpu.memory_space<vmem_shared>>
      %dma_wait3A_150 = arith.constant 0 : i32
      %dma_wait3A_151 = tpu.memref_slice %arg10[%add3A_19, %dma_wait3A_150] : memref<10240x64xf32, #tpu.memory_space<vmem_shared>> -> memref<128x64xf32, #tpu.memory_space<vmem_shared>>
      %dma_wait3A_152 = arith.constant 0 : i32
      %dma_wait3A_153 = arith.constant 0 : i32
      %dma_wait3A_154 = tpu.memref_slice %arg9[%run_scoped3A_20, %dma_wait3A_152, %dma_wait3A_153] : memref<5x128x64xf32, #tpu.memory_space<vmem>> -> memref<1x128x64xf32, #tpu.memory_space<vmem>>
      %dma_wait3A_155 = tpu.memref_squeeze %dma_wait3A_154 : memref<1x128x64xf32, #tpu.memory_space<vmem>> -> memref<128x64xf32, #tpu.memory_space<vmem>>
      tpu.wait_dma2 semaphore(%run_scoped3A_131 : memref<!tpu.dma_semaphore, #tpu.memory_space<semaphore_mem>>) src(%dma_wait3A_155 : memref<128x64xf32, #tpu.memory_space<vmem>>) dst(%dma_wait3A_151 : memref<128x64xf32, #tpu.memory_space<vmem_shared>>)
      tpu.yield
    }) : () -> ()
    %add3A_21 = arith.constant 256 : i32
    %add3A_22 = arith.addi %mul3A_0, %add3A_21 : i32
    %run_scoped3A_23 = arith.constant 0 : i32
    "tpu.region"() ({
      %run_scoped3A_131 = tpu.sem_alloc : memref<!tpu.dma_semaphore, #tpu.memory_space<semaphore_mem>>
      %dma_start3A_132 = arith.constant 0 : i32
      %dma_start3A_133 = arith.constant 0 : i32
      %dma_start3A_134 = tpu.memref_slice %arg9[%run_scoped3A_23, %dma_start3A_132, %dma_start3A_133] : memref<5x128x64xf32, #tpu.memory_space<vmem>> -> memref<1x128x64xf32, #tpu.memory_space<vmem>>
      %dma_start3A_135 = tpu.memref_squeeze %dma_start3A_134 : memref<1x128x64xf32, #tpu.memory_space<vmem>> -> memref<128x64xf32, #tpu.memory_space<vmem>>
      %dma_start3A_136 = arith.constant 0 : i32
      %dma_start3A_137 = tpu.memref_slice %arg10[%add3A_22, %dma_start3A_136] : memref<10240x64xf32, #tpu.memory_space<vmem_shared>> -> memref<128x64xf32, #tpu.memory_space<vmem_shared>>
      %dma_start3A_138 = arith.constant 0 : i32
      %dma_start3A_139 = tpu.memref_slice %arg10[%add3A_22, %dma_start3A_138] : memref<10240x64xf32, #tpu.memory_space<vmem_shared>> -> memref<128x64xf32, #tpu.memory_space<vmem_shared>>
      %dma_start3A_140 = arith.constant 0 : i32
      %dma_start3A_141 = arith.constant 0 : i32
      %dma_start3A_142 = tpu.memref_slice %arg9[%run_scoped3A_23, %dma_start3A_140, %dma_start3A_141] : memref<5x128x64xf32, #tpu.memory_space<vmem>> -> memref<1x128x64xf32, #tpu.memory_space<vmem>>
      %dma_start3A_143 = tpu.memref_squeeze %dma_start3A_142 : memref<1x128x64xf32, #tpu.memory_space<vmem>> -> memref<128x64xf32, #tpu.memory_space<vmem>>
      tpu.enqueue_dma source(%dma_start3A_143 : memref<128x64xf32, #tpu.memory_space<vmem>>) target(%dma_start3A_139 : memref<128x64xf32, #tpu.memory_space<vmem_shared>>) target_semaphore(%run_scoped3A_131 : memref<!tpu.dma_semaphore, #tpu.memory_space<semaphore_mem>>)
      %dma_wait3A_144 = arith.constant 0 : i32
      %dma_wait3A_145 = arith.constant 0 : i32
      %dma_wait3A_146 = tpu.memref_slice %arg9[%run_scoped3A_23, %dma_wait3A_144, %dma_wait3A_145] : memref<5x128x64xf32, #tpu.memory_space<vmem>> -> memref<1x128x64xf32, #tpu.memory_space<vmem>>
      %dma_wait3A_147 = tpu.memref_squeeze %dma_wait3A_146 : memref<1x128x64xf32, #tpu.memory_space<vmem>> -> memref<128x64xf32, #tpu.memory_space<vmem>>
      %dma_wait3A_148 = arith.constant 0 : i32
      %dma_wait3A_149 = tpu.memref_slice %arg10[%add3A_22, %dma_wait3A_148] : memref<10240x64xf32, #tpu.memory_space<vmem_shared>> -> memref<128x64xf32, #tpu.memory_space<vmem_shared>>
      %dma_wait3A_150 = arith.constant 0 : i32
      %dma_wait3A_151 = tpu.memref_slice %arg10[%add3A_22, %dma_wait3A_150] : memref<10240x64xf32, #tpu.memory_space<vmem_shared>> -> memref<128x64xf32, #tpu.memory_space<vmem_shared>>
      %dma_wait3A_152 = arith.constant 0 : i32
      %dma_wait3A_153 = arith.constant 0 : i32
      %dma_wait3A_154 = tpu.memref_slice %arg9[%run_scoped3A_23, %dma_wait3A_152, %dma_wait3A_153] : memref<5x128x64xf32, #tpu.memory_space<vmem>> -> memref<1x128x64xf32, #tpu.memory_space<vmem>>
      %dma_wait3A_155 = tpu.memref_squeeze %dma_wait3A_154 : memref<1x128x64xf32, #tpu.memory_space<vmem>> -> memref<128x64xf32, #tpu.memory_space<vmem>>
      tpu.wait_dma2 semaphore(%run_scoped3A_131 : memref<!tpu.dma_semaphore, #tpu.memory_space<semaphore_mem>>) src(%dma_wait3A_155 : memref<128x64xf32, #tpu.memory_space<vmem>>) dst(%dma_wait3A_151 : memref<128x64xf32, #tpu.memory_space<vmem_shared>>)
      tpu.yield
    }) : () -> ()
    %add3A_24 = arith.constant 384 : i32
    %add3A_25 = arith.addi %mul3A_0, %add3A_24 : i32
    %run_scoped3A_26 = arith.constant 0 : i32
    "tpu.region"() ({
      %run_scoped3A_131 = tpu.sem_alloc : memref<!tpu.dma_semaphore, #tpu.memory_space<semaphore_mem>>
      %dma_start3A_132 = arith.constant 0 : i32
      %dma_start3A_133 = arith.constant 0 : i32
      %dma_start3A_134 = tpu.memref_slice %arg9[%run_scoped3A_26, %dma_start3A_132, %dma_start3A_133] : memref<5x128x64xf32, #tpu.memory_space<vmem>> -> memref<1x128x64xf32, #tpu.memory_space<vmem>>
      %dma_start3A_135 = tpu.memref_squeeze %dma_start3A_134 : memref<1x128x64xf32, #tpu.memory_space<vmem>> -> memref<128x64xf32, #tpu.memory_space<vmem>>
      %dma_start3A_136 = arith.constant 0 : i32
      %dma_start3A_137 = tpu.memref_slice %arg10[%add3A_25, %dma_start3A_136] : memref<10240x64xf32, #tpu.memory_space<vmem_shared>> -> memref<128x64xf32, #tpu.memory_space<vmem_shared>>
      %dma_start3A_138 = arith.constant 0 : i32
      %dma_start3A_139 = tpu.memref_slice %arg10[%add3A_25, %dma_start3A_138] : memref<10240x64xf32, #tpu.memory_space<vmem_shared>> -> memref<128x64xf32, #tpu.memory_space<vmem_shared>>
      %dma_start3A_140 = arith.constant 0 : i32
      %dma_start3A_141 = arith.constant 0 : i32
      %dma_start3A_142 = tpu.memref_slice %arg9[%run_scoped3A_26, %dma_start3A_140, %dma_start3A_141] : memref<5x128x64xf32, #tpu.memory_space<vmem>> -> memref<1x128x64xf32, #tpu.memory_space<vmem>>
      %dma_start3A_143 = tpu.memref_squeeze %dma_start3A_142 : memref<1x128x64xf32, #tpu.memory_space<vmem>> -> memref<128x64xf32, #tpu.memory_space<vmem>>
      tpu.enqueue_dma source(%dma_start3A_143 : memref<128x64xf32, #tpu.memory_space<vmem>>) target(%dma_start3A_139 : memref<128x64xf32, #tpu.memory_space<vmem_shared>>) target_semaphore(%run_scoped3A_131 : memref<!tpu.dma_semaphore, #tpu.memory_space<semaphore_mem>>)
      %dma_wait3A_144 = arith.constant 0 : i32
      %dma_wait3A_145 = arith.constant 0 : i32
      %dma_wait3A_146 = tpu.memref_slice %arg9[%run_scoped3A_26, %dma_wait3A_144, %dma_wait3A_145] : memref<5x128x64xf32, #tpu.memory_space<vmem>> -> memref<1x128x64xf32, #tpu.memory_space<vmem>>
      %dma_wait3A_147 = tpu.memref_squeeze %dma_wait3A_146 : memref<1x128x64xf32, #tpu.memory_space<vmem>> -> memref<128x64xf32, #tpu.memory_space<vmem>>
      %dma_wait3A_148 = arith.constant 0 : i32
      %dma_wait3A_149 = tpu.memref_slice %arg10[%add3A_25, %dma_wait3A_148] : memref<10240x64xf32, #tpu.memory_space<vmem_shared>> -> memref<128x64xf32, #tpu.memory_space<vmem_shared>>
      %dma_wait3A_150 = arith.constant 0 : i32
      %dma_wait3A_151 = tpu.memref_slice %arg10[%add3A_25, %dma_wait3A_150] : memref<10240x64xf32, #tpu.memory_space<vmem_shared>> -> memref<128x64xf32, #tpu.memory_space<vmem_shared>>
      %dma_wait3A_152 = arith.constant 0 : i32
      %dma_wait3A_153 = arith.constant 0 : i32
      %dma_wait3A_154 = tpu.memref_slice %arg9[%run_scoped3A_26, %dma_wait3A_152, %dma_wait3A_153] : memref<5x128x64xf32, #tpu.memory_space<vmem>> -> memref<1x128x64xf32, #tpu.memory_space<vmem>>
      %dma_wait3A_155 = tpu.memref_squeeze %dma_wait3A_154 : memref<1x128x64xf32, #tpu.memory_space<vmem>> -> memref<128x64xf32, #tpu.memory_space<vmem>>
      tpu.wait_dma2 semaphore(%run_scoped3A_131 : memref<!tpu.dma_semaphore, #tpu.memory_space<semaphore_mem>>) src(%dma_wait3A_155 : memref<128x64xf32, #tpu.memory_space<vmem>>) dst(%dma_wait3A_151 : memref<128x64xf32, #tpu.memory_space<vmem_shared>>)
      tpu.yield
    }) : () -> ()
    %add3A_27 = arith.constant 512 : i32
    %add3A_28 = arith.addi %mul3A_0, %add3A_27 : i32
    %run_scoped3A_29 = arith.constant 0 : i32
    "tpu.region"() ({
      %run_scoped3A_131 = tpu.sem_alloc : memref<!tpu.dma_semaphore, #tpu.memory_space<semaphore_mem>>
      %dma_start3A_132 = arith.constant 0 : i32
      %dma_start3A_133 = arith.constant 0 : i32
      %dma_start3A_134 = tpu.memref_slice %arg9[%run_scoped3A_29, %dma_start3A_132, %dma_start3A_133] : memref<5x128x64xf32, #tpu.memory_space<vmem>> -> memref<1x128x64xf32, #tpu.memory_space<vmem>>
      %dma_start3A_135 = tpu.memref_squeeze %dma_start3A_134 : memref<1x128x64xf32, #tpu.memory_space<vmem>> -> memref<128x64xf32, #tpu.memory_space<vmem>>
      %dma_start3A_136 = arith.constant 0 : i32
      %dma_start3A_137 = tpu.memref_slice %arg10[%add3A_28, %dma_start3A_136] : memref<10240x64xf32, #tpu.memory_space<vmem_shared>> -> memref<128x64xf32, #tpu.memory_space<vmem_shared>>
      %dma_start3A_138 = arith.constant 0 : i32
      %dma_start3A_139 = tpu.memref_slice %arg10[%add3A_28, %dma_start3A_138] : memref<10240x64xf32, #tpu.memory_space<vmem_shared>> -> memref<128x64xf32, #tpu.memory_space<vmem_shared>>
      %dma_start3A_140 = arith.constant 0 : i32
      %dma_start3A_141 = arith.constant 0 : i32
      %dma_start3A_142 = tpu.memref_slice %arg9[%run_scoped3A_29, %dma_start3A_140, %dma_start3A_141] : memref<5x128x64xf32, #tpu.memory_space<vmem>> -> memref<1x128x64xf32, #tpu.memory_space<vmem>>
      %dma_start3A_143 = tpu.memref_squeeze %dma_start3A_142 : memref<1x128x64xf32, #tpu.memory_space<vmem>> -> memref<128x64xf32, #tpu.memory_space<vmem>>
      tpu.enqueue_dma source(%dma_start3A_143 : memref<128x64xf32, #tpu.memory_space<vmem>>) target(%dma_start3A_139 : memref<128x64xf32, #tpu.memory_space<vmem_shared>>) target_semaphore(%run_scoped3A_131 : memref<!tpu.dma_semaphore, #tpu.memory_space<semaphore_mem>>)
      %dma_wait3A_144 = arith.constant 0 : i32
      %dma_wait3A_145 = arith.constant 0 : i32
      %dma_wait3A_146 = tpu.memref_slice %arg9[%run_scoped3A_29, %dma_wait3A_144, %dma_wait3A_145] : memref<5x128x64xf32, #tpu.memory_space<vmem>> -> memref<1x128x64xf32, #tpu.memory_space<vmem>>
      %dma_wait3A_147 = tpu.memref_squeeze %dma_wait3A_146 : memref<1x128x64xf32, #tpu.memory_space<vmem>> -> memref<128x64xf32, #tpu.memory_space<vmem>>
      %dma_wait3A_148 = arith.constant 0 : i32
      %dma_wait3A_149 = tpu.memref_slice %arg10[%add3A_28, %dma_wait3A_148] : memref<10240x64xf32, #tpu.memory_space<vmem_shared>> -> memref<128x64xf32, #tpu.memory_space<vmem_shared>>
      %dma_wait3A_150 = arith.constant 0 : i32
      %dma_wait3A_151 = tpu.memref_slice %arg10[%add3A_28, %dma_wait3A_150] : memref<10240x64xf32, #tpu.memory_space<vmem_shared>> -> memref<128x64xf32, #tpu.memory_space<vmem_shared>>
      %dma_wait3A_152 = arith.constant 0 : i32
      %dma_wait3A_153 = arith.constant 0 : i32
      %dma_wait3A_154 = tpu.memref_slice %arg9[%run_scoped3A_29, %dma_wait3A_152, %dma_wait3A_153] : memref<5x128x64xf32, #tpu.memory_space<vmem>> -> memref<1x128x64xf32, #tpu.memory_space<vmem>>
      %dma_wait3A_155 = tpu.memref_squeeze %dma_wait3A_154 : memref<1x128x64xf32, #tpu.memory_space<vmem>> -> memref<128x64xf32, #tpu.memory_space<vmem>>
      tpu.wait_dma2 semaphore(%run_scoped3A_131 : memref<!tpu.dma_semaphore, #tpu.memory_space<semaphore_mem>>) src(%dma_wait3A_155 : memref<128x64xf32, #tpu.memory_space<vmem>>) dst(%dma_wait3A_151 : memref<128x64xf32, #tpu.memory_space<vmem_shared>>)
      tpu.yield
    }) : () -> ()
    %dma_wait3A = arith.constant 0 : i32
    %dma_wait3A_30 = arith.constant 0 : i32
    %dma_wait3A_31 = tpu.memref_slice %arg2[%arg1, %dma_wait3A, %dma_wait3A_30] : memref<16x160x128xi32, #tpu.memory_space<hbm>> -> memref<1x160x128xi32, #tpu.memory_space<hbm>>
    %dma_wait3A_32 = tpu.memref_squeeze %dma_wait3A_31 : memref<1x160x128xi32, #tpu.memory_space<hbm>> -> memref<160x128xi32, #tpu.memory_space<hbm>>
    %dma_wait3A_33 = arith.constant 0 : i32
    %dma_wait3A_34 = arith.constant 0 : i32
    %dma_wait3A_35 = tpu.memref_slice %arg2[%arg1, %dma_wait3A_33, %dma_wait3A_34] : memref<16x160x128xi32, #tpu.memory_space<hbm>> -> memref<1x160x128xi32, #tpu.memory_space<hbm>>
    %dma_wait3A_36 = tpu.memref_squeeze %dma_wait3A_35 : memref<1x160x128xi32, #tpu.memory_space<hbm>> -> memref<160x128xi32, #tpu.memory_space<hbm>>
    tpu.wait_dma2 semaphore(%arg11 : memref<!tpu.dma_semaphore, #tpu.memory_space<semaphore_mem>>) src(%dma_wait3A_36 : memref<160x128xi32, #tpu.memory_space<hbm>>) dst(%arg7 : memref<160x128xi32, #tpu.memory_space<vmem>>)
    %dma_wait3A_37 = arith.constant 0 : i32
    %dma_wait3A_38 = arith.constant 0 : i32
    %dma_wait3A_39 = tpu.memref_slice %arg3[%arg1, %dma_wait3A_37, %dma_wait3A_38] : memref<16x160x128xi32, #tpu.memory_space<hbm>> -> memref<1x160x128xi32, #tpu.memory_space<hbm>>
    %dma_wait3A_40 = tpu.memref_squeeze %dma_wait3A_39 : memref<1x160x128xi32, #tpu.memory_space<hbm>> -> memref<160x128xi32, #tpu.memory_space<hbm>>
    %dma_wait3A_41 = arith.constant 0 : i32
    %dma_wait3A_42 = arith.constant 0 : i32
    %dma_wait3A_43 = tpu.memref_slice %arg3[%arg1, %dma_wait3A_41, %dma_wait3A_42] : memref<16x160x128xi32, #tpu.memory_space<hbm>> -> memref<1x160x128xi32, #tpu.memory_space<hbm>>
    %dma_wait3A_44 = tpu.memref_squeeze %dma_wait3A_43 : memref<1x160x128xi32, #tpu.memory_space<hbm>> -> memref<160x128xi32, #tpu.memory_space<hbm>>
    tpu.wait_dma2 semaphore(%arg12 : memref<!tpu.dma_semaphore, #tpu.memory_space<semaphore_mem>>) src(%dma_wait3A_44 : memref<160x128xi32, #tpu.memory_space<hbm>>) dst(%arg8 : memref<160x128xi32, #tpu.memory_space<vmem>>)
    %barrier3A = arith.constant 0 : index
    tpu.barrier barrier_id(%barrier3A)
    %dma_start3A_45 = arith.constant 0 : i32
    %dma_start3A_46 = arith.constant 0 : i32
    %dma_start3A_47 = arith.constant 0 : i32
    %dma_start3A_48 = arith.constant 0 : i32
    %dma_start3A_49 = tpu.memref_slice %arg9[%dma_start3A_46, %dma_start3A_47, %dma_start3A_48] : memref<5x128x64xf32, #tpu.memory_space<vmem>> -> memref<1x128x64xf32, #tpu.memory_space<vmem>>
    %dma_start3A_50 = tpu.memref_squeeze %dma_start3A_49 : memref<1x128x64xf32, #tpu.memory_space<vmem>> -> memref<128x64xf32, #tpu.memory_space<vmem>>
    %dma_start3A_51 = arith.constant 0 : i32
    %dma_start3A_52 = tpu.memref_slice %arg7[%dma_start3A_45, %dma_start3A_51] : memref<160x128xi32, #tpu.memory_space<vmem>> -> memref<1x128xi32, #tpu.memory_space<vmem>>
    %dma_start3A_53 = tpu.memref_squeeze %dma_start3A_52 : memref<1x128xi32, #tpu.memory_space<vmem>> -> memref<128xi32, #tpu.memory_space<vmem>>
    %dma_start3A_54 = arith.constant 0 : i32
    %dma_start3A_55 = arith.constant 0 : i32
    %dma_start3A_56 = tpu.memref_slice %arg4[%arg0, %dma_start3A_54, %dma_start3A_55] : memref<2x10000x64xf32, #tpu.memory_space<hbm>> -> memref<1x10000x64xf32, #tpu.memory_space<hbm>>
    %dma_start3A_57 = tpu.memref_squeeze %dma_start3A_56 : memref<1x10000x64xf32, #tpu.memory_space<hbm>> -> memref<10000x64xf32, #tpu.memory_space<hbm>>
    %dma_start3A_58 = arith.constant 0 : i32
    %dma_start3A_59 = arith.constant 0 : i32
    %dma_start3A_60 = tpu.memref_slice %dma_start3A_57[%dma_start3A_58, %dma_start3A_59] : memref<10000x64xf32, #tpu.memory_space<hbm>> -> memref<10000x64xf32, #tpu.memory_space<hbm>>
    tpu.enqueue_indirect_dma source(%dma_start3A_60 : memref<10000x64xf32, #tpu.memory_space<hbm>>) target(%dma_start3A_50 : memref<128x64xf32, #tpu.memory_space<vmem>>) offsets(%dma_start3A_53 : memref<128xi32, #tpu.memory_space<vmem>>) semaphore(%arg11 : memref<!tpu.dma_semaphore, #tpu.memory_space<semaphore_mem>>)
    %dma_start3A_61 = arith.constant 1 : i32
    %dma_start3A_62 = arith.constant 1 : i32
    %dma_start3A_63 = arith.constant 0 : i32
    %dma_start3A_64 = arith.constant 0 : i32
    %dma_start3A_65 = tpu.memref_slice %arg9[%dma_start3A_62, %dma_start3A_63, %dma_start3A_64] : memref<5x128x64xf32, #tpu.memory_space<vmem>> -> memref<1x128x64xf32, #tpu.memory_space<vmem>>
    %dma_start3A_66 = tpu.memref_squeeze %dma_start3A_65 : memref<1x128x64xf32, #tpu.memory_space<vmem>> -> memref<128x64xf32, #tpu.memory_space<vmem>>
    %dma_start3A_67 = arith.constant 0 : i32
    %dma_start3A_68 = tpu.memref_slice %arg7[%dma_start3A_61, %dma_start3A_67] : memref<160x128xi32, #tpu.memory_space<vmem>> -> memref<1x128xi32, #tpu.memory_space<vmem>>
    %dma_start3A_69 = tpu.memref_squeeze %dma_start3A_68 : memref<1x128xi32, #tpu.memory_space<vmem>> -> memref<128xi32, #tpu.memory_space<vmem>>
    %dma_start3A_70 = arith.constant 0 : i32
    %dma_start3A_71 = arith.constant 0 : i32
    %dma_start3A_72 = tpu.memref_slice %arg4[%arg0, %dma_start3A_70, %dma_start3A_71] : memref<2x10000x64xf32, #tpu.memory_space<hbm>> -> memref<1x10000x64xf32, #tpu.memory_space<hbm>>
    %dma_start3A_73 = tpu.memref_squeeze %dma_start3A_72 : memref<1x10000x64xf32, #tpu.memory_space<hbm>> -> memref<10000x64xf32, #tpu.memory_space<hbm>>
    %dma_start3A_74 = arith.constant 0 : i32
    %dma_start3A_75 = arith.constant 0 : i32
    %dma_start3A_76 = tpu.memref_slice %dma_start3A_73[%dma_start3A_74, %dma_start3A_75] : memref<10000x64xf32, #tpu.memory_space<hbm>> -> memref<10000x64xf32, #tpu.memory_space<hbm>>
    tpu.enqueue_indirect_dma source(%dma_start3A_76 : memref<10000x64xf32, #tpu.memory_space<hbm>>) target(%dma_start3A_66 : memref<128x64xf32, #tpu.memory_space<vmem>>) offsets(%dma_start3A_69 : memref<128xi32, #tpu.memory_space<vmem>>) semaphore(%arg12 : memref<!tpu.dma_semaphore, #tpu.memory_space<semaphore_mem>>)
    %dma_start3A_77 = arith.constant 2 : i32
    %dma_start3A_78 = arith.constant 2 : i32
    %dma_start3A_79 = arith.constant 0 : i32
    %dma_start3A_80 = arith.constant 0 : i32
    %dma_start3A_81 = tpu.memref_slice %arg9[%dma_start3A_78, %dma_start3A_79, %dma_start3A_80] : memref<5x128x64xf32, #tpu.memory_space<vmem>> -> memref<1x128x64xf32, #tpu.memory_space<vmem>>
    %dma_start3A_82 = tpu.memref_squeeze %dma_start3A_81 : memref<1x128x64xf32, #tpu.memory_space<vmem>> -> memref<128x64xf32, #tpu.memory_space<vmem>>
    %dma_start3A_83 = arith.constant 0 : i32
    %dma_start3A_84 = tpu.memref_slice %arg7[%dma_start3A_77, %dma_start3A_83] : memref<160x128xi32, #tpu.memory_space<vmem>> -> memref<1x128xi32, #tpu.memory_space<vmem>>
    %dma_start3A_85 = tpu.memref_squeeze %dma_start3A_84 : memref<1x128xi32, #tpu.memory_space<vmem>> -> memref<128xi32, #tpu.memory_space<vmem>>
    %dma_start3A_86 = arith.constant 0 : i32
    %dma_start3A_87 = arith.constant 0 : i32
    %dma_start3A_88 = tpu.memref_slice %arg4[%arg0, %dma_start3A_86, %dma_start3A_87] : memref<2x10000x64xf32, #tpu.memory_space<hbm>> -> memref<1x10000x64xf32, #tpu.memory_space<hbm>>
    %dma_start3A_89 = tpu.memref_squeeze %dma_start3A_88 : memref<1x10000x64xf32, #tpu.memory_space<hbm>> -> memref<10000x64xf32, #tpu.memory_space<hbm>>
    %dma_start3A_90 = arith.constant 0 : i32
    %dma_start3A_91 = arith.constant 0 : i32
    %dma_start3A_92 = tpu.memref_slice %dma_start3A_89[%dma_start3A_90, %dma_start3A_91] : memref<10000x64xf32, #tpu.memory_space<hbm>> -> memref<10000x64xf32, #tpu.memory_space<hbm>>
    tpu.enqueue_indirect_dma source(%dma_start3A_92 : memref<10000x64xf32, #tpu.memory_space<hbm>>) target(%dma_start3A_82 : memref<128x64xf32, #tpu.memory_space<vmem>>) offsets(%dma_start3A_85 : memref<128xi32, #tpu.memory_space<vmem>>) semaphore(%arg13 : memref<!tpu.dma_semaphore, #tpu.memory_space<semaphore_mem>>)
    %dma_start3A_93 = arith.constant 3 : i32
    %dma_start3A_94 = arith.constant 3 : i32
    %dma_start3A_95 = arith.constant 0 : i32
    %dma_start3A_96 = arith.constant 0 : i32
    %dma_start3A_97 = tpu.memref_slice %arg9[%dma_start3A_94, %dma_start3A_95, %dma_start3A_96] : memref<5x128x64xf32, #tpu.memory_space<vmem>> -> memref<1x128x64xf32, #tpu.memory_space<vmem>>
    %dma_start3A_98 = tpu.memref_squeeze %dma_start3A_97 : memref<1x128x64xf32, #tpu.memory_space<vmem>> -> memref<128x64xf32, #tpu.memory_space<vmem>>
    %dma_start3A_99 = arith.constant 0 : i32
    %dma_start3A_100 = tpu.memref_slice %arg7[%dma_start3A_93, %dma_start3A_99] : memref<160x128xi32, #tpu.memory_space<vmem>> -> memref<1x128xi32, #tpu.memory_space<vmem>>
    %dma_start3A_101 = tpu.memref_squeeze %dma_start3A_100 : memref<1x128xi32, #tpu.memory_space<vmem>> -> memref<128xi32, #tpu.memory_space<vmem>>
    %dma_start3A_102 = arith.constant 0 : i32
    %dma_start3A_103 = arith.constant 0 : i32
    %dma_start3A_104 = tpu.memref_slice %arg4[%arg0, %dma_start3A_102, %dma_start3A_103] : memref<2x10000x64xf32, #tpu.memory_space<hbm>> -> memref<1x10000x64xf32, #tpu.memory_space<hbm>>
    %dma_start3A_105 = tpu.memref_squeeze %dma_start3A_104 : memref<1x10000x64xf32, #tpu.memory_space<hbm>> -> memref<10000x64xf32, #tpu.memory_space<hbm>>
    %dma_start3A_106 = arith.constant 0 : i32
    %dma_start3A_107 = arith.constant 0 : i32
    %dma_start3A_108 = tpu.memref_slice %dma_start3A_105[%dma_start3A_106, %dma_start3A_107] : memref<10000x64xf32, #tpu.memory_space<hbm>> -> memref<10000x64xf32, #tpu.memory_space<hbm>>
    tpu.enqueue_indirect_dma source(%dma_start3A_108 : memref<10000x64xf32, #tpu.memory_space<hbm>>) target(%dma_start3A_98 : memref<128x64xf32, #tpu.memory_space<vmem>>) offsets(%dma_start3A_101 : memref<128xi32, #tpu.memory_space<vmem>>) semaphore(%arg14 : memref<!tpu.dma_semaphore, #tpu.memory_space<semaphore_mem>>)
    %dma_start3A_109 = arith.constant 4 : i32
    %dma_start3A_110 = arith.constant 4 : i32
    %dma_start3A_111 = arith.constant 0 : i32
    %dma_start3A_112 = arith.constant 0 : i32
    %dma_start3A_113 = tpu.memref_slice %arg9[%dma_start3A_110, %dma_start3A_111, %dma_start3A_112] : memref<5x128x64xf32, #tpu.memory_space<vmem>> -> memref<1x128x64xf32, #tpu.memory_space<vmem>>
    %dma_start3A_114 = tpu.memref_squeeze %dma_start3A_113 : memref<1x128x64xf32, #tpu.memory_space<vmem>> -> memref<128x64xf32, #tpu.memory_space<vmem>>
    %dma_start3A_115 = arith.constant 0 : i32
    %dma_start3A_116 = tpu.memref_slice %arg7[%dma_start3A_109, %dma_start3A_115] : memref<160x128xi32, #tpu.memory_space<vmem>> -> memref<1x128xi32, #tpu.memory_space<vmem>>
    %dma_start3A_117 = tpu.memref_squeeze %dma_start3A_116 : memref<1x128xi32, #tpu.memory_space<vmem>> -> memref<128xi32, #tpu.memory_space<vmem>>
    %dma_start3A_118 = arith.constant 0 : i32
    %dma_start3A_119 = arith.constant 0 : i32
    %dma_start3A_120 = tpu.memref_slice %arg4[%arg0, %dma_start3A_118, %dma_start3A_119] : memref<2x10000x64xf32, #tpu.memory_space<hbm>> -> memref<1x10000x64xf32, #tpu.memory_space<hbm>>
    %dma_start3A_121 = tpu.memref_squeeze %dma_start3A_120 : memref<1x10000x64xf32, #tpu.memory_space<hbm>> -> memref<10000x64xf32, #tpu.memory_space<hbm>>
    %dma_start3A_122 = arith.constant 0 : i32
    %dma_start3A_123 = arith.constant 0 : i32
    %dma_start3A_124 = tpu.memref_slice %dma_start3A_121[%dma_start3A_122, %dma_start3A_123] : memref<10000x64xf32, #tpu.memory_space<hbm>> -> memref<10000x64xf32, #tpu.memory_space<hbm>>
    tpu.enqueue_indirect_dma source(%dma_start3A_124 : memref<10000x64xf32, #tpu.memory_space<hbm>>) target(%dma_start3A_114 : memref<128x64xf32, #tpu.memory_space<vmem>>) offsets(%dma_start3A_117 : memref<128xi32, #tpu.memory_space<vmem>>) semaphore(%arg15 : memref<!tpu.dma_semaphore, #tpu.memory_space<semaphore_mem>>)
    %scan3A = arith.constant 0 : i32
    %scan3A_125 = arith.constant 0 : i32
    %scan3A_126 = arith.constant 32 : i32
    %scan3A_127 = arith.addi %scan3A_125, %scan3A_126 : i32
    %scan3A_128 = arith.constant 1 : i32
    scf.for %scan3A_131 = %scan3A_125 to %scan3A_127 step %scan3A_128  : i32 {
      %mul3A_132 = arith.constant 5 : i32
      %mul3A_133 = arith.muli %scan3A_131, %mul3A_132 : i32
      %add3A_134 = arith.constant 0 : i32
      %add3A_135 = arith.addi %mul3A_133, %add3A_134 : i32
      %dma_wait3A_136 = arith.constant 0 : i32
      %dma_wait3A_137 = arith.constant 0 : i32
      %dma_wait3A_138 = arith.constant 0 : i32
      %dma_wait3A_139 = tpu.memref_slice %arg9[%dma_wait3A_136, %dma_wait3A_137, %dma_wait3A_138] : memref<5x128x64xf32, #tpu.memory_space<vmem>> -> memref<1x128x64xf32, #tpu.memory_space<vmem>>
      %dma_wait3A_140 = tpu.memref_squeeze %dma_wait3A_139 : memref<1x128x64xf32, #tpu.memory_space<vmem>> -> memref<128x64xf32, #tpu.memory_space<vmem>>
      %dma_wait3A_141 = arith.constant 0 : i32
      %dma_wait3A_142 = tpu.memref_slice %arg7[%add3A_135, %dma_wait3A_141] : memref<160x128xi32, #tpu.memory_space<vmem>> -> memref<1x128xi32, #tpu.memory_space<vmem>>
      %dma_wait3A_143 = tpu.memref_squeeze %dma_wait3A_142 : memref<1x128xi32, #tpu.memory_space<vmem>> -> memref<128xi32, #tpu.memory_space<vmem>>
      %dma_wait3A_144 = arith.constant 0 : i32
      %dma_wait3A_145 = arith.constant 0 : i32
      %dma_wait3A_146 = tpu.memref_slice %arg4[%arg0, %dma_wait3A_144, %dma_wait3A_145] : memref<2x10000x64xf32, #tpu.memory_space<hbm>> -> memref<1x10000x64xf32, #tpu.memory_space<hbm>>
      %dma_wait3A_147 = tpu.memref_squeeze %dma_wait3A_146 : memref<1x10000x64xf32, #tpu.memory_space<hbm>> -> memref<10000x64xf32, #tpu.memory_space<hbm>>
      %dma_wait3A_148 = arith.constant 0 : i32
      %dma_wait3A_149 = arith.constant 0 : i32
      %dma_wait3A_150 = tpu.memref_slice %dma_wait3A_147[%dma_wait3A_148, %dma_wait3A_149] : memref<10000x64xf32, #tpu.memory_space<hbm>> -> memref<10000x64xf32, #tpu.memory_space<hbm>>
      tpu.wait_indirect_dma semaphore(%arg11 : memref<!tpu.dma_semaphore, #tpu.memory_space<semaphore_mem>>) src(%dma_wait3A_150 : memref<10000x64xf32, #tpu.memory_space<hbm>>) dst(%dma_wait3A_140 : memref<128x64xf32, #tpu.memory_space<vmem>>)
      %dma_start3A_151 = arith.constant 0 : i32
      %dma_start3A_152 = arith.constant 0 : i32
      %dma_start3A_153 = arith.constant 0 : i32
      %dma_start3A_154 = tpu.memref_slice %arg9[%dma_start3A_151, %dma_start3A_152, %dma_start3A_153] : memref<5x128x64xf32, #tpu.memory_space<vmem>> -> memref<1x128x64xf32, #tpu.memory_space<vmem>>
      %dma_start3A_155 = tpu.memref_squeeze %dma_start3A_154 : memref<1x128x64xf32, #tpu.memory_space<vmem>> -> memref<128x64xf32, #tpu.memory_space<vmem>>
      %dma_start3A_156 = arith.constant 0 : i32
      %dma_start3A_157 = tpu.memref_slice %arg8[%add3A_135, %dma_start3A_156] : memref<160x128xi32, #tpu.memory_space<vmem>> -> memref<1x128xi32, #tpu.memory_space<vmem>>
      %dma_start3A_158 = tpu.memref_squeeze %dma_start3A_157 : memref<1x128xi32, #tpu.memory_space<vmem>> -> memref<128xi32, #tpu.memory_space<vmem>>
      %dma_start3A_159 = arith.constant 0 : i32
      %dma_start3A_160 = arith.constant 0 : i32
      %dma_start3A_161 = tpu.memref_slice %arg10[%dma_start3A_159, %dma_start3A_160] : memref<10240x64xf32, #tpu.memory_space<vmem_shared>> -> memref<10240x64xf32, #tpu.memory_space<vmem_shared>>
      tpu.enqueue_indirect_dma source(%dma_start3A_155 : memref<128x64xf32, #tpu.memory_space<vmem>>) target(%dma_start3A_161 : memref<10240x64xf32, #tpu.memory_space<vmem_shared>>) offsets(%dma_start3A_158 : memref<128xi32, #tpu.memory_space<vmem>>) semaphore(%arg16 : memref<!tpu.dma_semaphore, #tpu.memory_space<semaphore_mem>>) {add = true}
      %mul3A_162 = arith.constant 5 : i32
      %mul3A_163 = arith.muli %scan3A_131, %mul3A_162 : i32
      %add3A_164 = arith.constant 1 : i32
      %add3A_165 = arith.addi %mul3A_163, %add3A_164 : i32
      %dma_wait3A_166 = arith.constant 1 : i32
      %dma_wait3A_167 = arith.constant 0 : i32
      %dma_wait3A_168 = arith.constant 0 : i32
      %dma_wait3A_169 = tpu.memref_slice %arg9[%dma_wait3A_166, %dma_wait3A_167, %dma_wait3A_168] : memref<5x128x64xf32, #tpu.memory_space<vmem>> -> memref<1x128x64xf32, #tpu.memory_space<vmem>>
      %dma_wait3A_170 = tpu.memref_squeeze %dma_wait3A_169 : memref<1x128x64xf32, #tpu.memory_space<vmem>> -> memref<128x64xf32, #tpu.memory_space<vmem>>
      %dma_wait3A_171 = arith.constant 0 : i32
      %dma_wait3A_172 = tpu.memref_slice %arg7[%add3A_165, %dma_wait3A_171] : memref<160x128xi32, #tpu.memory_space<vmem>> -> memref<1x128xi32, #tpu.memory_space<vmem>>
      %dma_wait3A_173 = tpu.memref_squeeze %dma_wait3A_172 : memref<1x128xi32, #tpu.memory_space<vmem>> -> memref<128xi32, #tpu.memory_space<vmem>>
      %dma_wait3A_174 = arith.constant 0 : i32
      %dma_wait3A_175 = arith.constant 0 : i32
      %dma_wait3A_176 = tpu.memref_slice %arg4[%arg0, %dma_wait3A_174, %dma_wait3A_175] : memref<2x10000x64xf32, #tpu.memory_space<hbm>> -> memref<1x10000x64xf32, #tpu.memory_space<hbm>>
      %dma_wait3A_177 = tpu.memref_squeeze %dma_wait3A_176 : memref<1x10000x64xf32, #tpu.memory_space<hbm>> -> memref<10000x64xf32, #tpu.memory_space<hbm>>
      %dma_wait3A_178 = arith.constant 0 : i32
      %dma_wait3A_179 = arith.constant 0 : i32
      %dma_wait3A_180 = tpu.memref_slice %dma_wait3A_177[%dma_wait3A_178, %dma_wait3A_179] : memref<10000x64xf32, #tpu.memory_space<hbm>> -> memref<10000x64xf32, #tpu.memory_space<hbm>>
      tpu.wait_indirect_dma semaphore(%arg12 : memref<!tpu.dma_semaphore, #tpu.memory_space<semaphore_mem>>) src(%dma_wait3A_180 : memref<10000x64xf32, #tpu.memory_space<hbm>>) dst(%dma_wait3A_170 : memref<128x64xf32, #tpu.memory_space<vmem>>)
      %dma_start3A_181 = arith.constant 1 : i32
      %dma_start3A_182 = arith.constant 0 : i32
      %dma_start3A_183 = arith.constant 0 : i32
      %dma_start3A_184 = tpu.memref_slice %arg9[%dma_start3A_181, %dma_start3A_182, %dma_start3A_183] : memref<5x128x64xf32, #tpu.memory_space<vmem>> -> memref<1x128x64xf32, #tpu.memory_space<vmem>>
      %dma_start3A_185 = tpu.memref_squeeze %dma_start3A_184 : memref<1x128x64xf32, #tpu.memory_space<vmem>> -> memref<128x64xf32, #tpu.memory_space<vmem>>
      %dma_start3A_186 = arith.constant 0 : i32
      %dma_start3A_187 = tpu.memref_slice %arg8[%add3A_165, %dma_start3A_186] : memref<160x128xi32, #tpu.memory_space<vmem>> -> memref<1x128xi32, #tpu.memory_space<vmem>>
      %dma_start3A_188 = tpu.memref_squeeze %dma_start3A_187 : memref<1x128xi32, #tpu.memory_space<vmem>> -> memref<128xi32, #tpu.memory_space<vmem>>
      %dma_start3A_189 = arith.constant 0 : i32
      %dma_start3A_190 = arith.constant 0 : i32
      %dma_start3A_191 = tpu.memref_slice %arg10[%dma_start3A_189, %dma_start3A_190] : memref<10240x64xf32, #tpu.memory_space<vmem_shared>> -> memref<10240x64xf32, #tpu.memory_space<vmem_shared>>
      tpu.enqueue_indirect_dma source(%dma_start3A_185 : memref<128x64xf32, #tpu.memory_space<vmem>>) target(%dma_start3A_191 : memref<10240x64xf32, #tpu.memory_space<vmem_shared>>) offsets(%dma_start3A_188 : memref<128xi32, #tpu.memory_space<vmem>>) semaphore(%arg17 : memref<!tpu.dma_semaphore, #tpu.memory_space<semaphore_mem>>) {add = true}
      %mul3A_192 = arith.constant 5 : i32
      %mul3A_193 = arith.muli %scan3A_131, %mul3A_192 : i32
      %add3A_194 = arith.constant 2 : i32
      %add3A_195 = arith.addi %mul3A_193, %add3A_194 : i32
      %dma_wait3A_196 = arith.constant 2 : i32
      %dma_wait3A_197 = arith.constant 0 : i32
      %dma_wait3A_198 = arith.constant 0 : i32
      %dma_wait3A_199 = tpu.memref_slice %arg9[%dma_wait3A_196, %dma_wait3A_197, %dma_wait3A_198] : memref<5x128x64xf32, #tpu.memory_space<vmem>> -> memref<1x128x64xf32, #tpu.memory_space<vmem>>
      %dma_wait3A_200 = tpu.memref_squeeze %dma_wait3A_199 : memref<1x128x64xf32, #tpu.memory_space<vmem>> -> memref<128x64xf32, #tpu.memory_space<vmem>>
      %dma_wait3A_201 = arith.constant 0 : i32
      %dma_wait3A_202 = tpu.memref_slice %arg7[%add3A_195, %dma_wait3A_201] : memref<160x128xi32, #tpu.memory_space<vmem>> -> memref<1x128xi32, #tpu.memory_space<vmem>>
      %dma_wait3A_203 = tpu.memref_squeeze %dma_wait3A_202 : memref<1x128xi32, #tpu.memory_space<vmem>> -> memref<128xi32, #tpu.memory_space<vmem>>
      %dma_wait3A_204 = arith.constant 0 : i32
      %dma_wait3A_205 = arith.constant 0 : i32
      %dma_wait3A_206 = tpu.memref_slice %arg4[%arg0, %dma_wait3A_204, %dma_wait3A_205] : memref<2x10000x64xf32, #tpu.memory_space<hbm>> -> memref<1x10000x64xf32, #tpu.memory_space<hbm>>
      %dma_wait3A_207 = tpu.memref_squeeze %dma_wait3A_206 : memref<1x10000x64xf32, #tpu.memory_space<hbm>> -> memref<10000x64xf32, #tpu.memory_space<hbm>>
      %dma_wait3A_208 = arith.constant 0 : i32
      %dma_wait3A_209 = arith.constant 0 : i32
      %dma_wait3A_210 = tpu.memref_slice %dma_wait3A_207[%dma_wait3A_208, %dma_wait3A_209] : memref<10000x64xf32, #tpu.memory_space<hbm>> -> memref<10000x64xf32, #tpu.memory_space<hbm>>
      tpu.wait_indirect_dma semaphore(%arg13 : memref<!tpu.dma_semaphore, #tpu.memory_space<semaphore_mem>>) src(%dma_wait3A_210 : memref<10000x64xf32, #tpu.memory_space<hbm>>) dst(%dma_wait3A_200 : memref<128x64xf32, #tpu.memory_space<vmem>>)
      %dma_start3A_211 = arith.constant 2 : i32
      %dma_start3A_212 = arith.constant 0 : i32
      %dma_start3A_213 = arith.constant 0 : i32
      %dma_start3A_214 = tpu.memref_slice %arg9[%dma_start3A_211, %dma_start3A_212, %dma_start3A_213] : memref<5x128x64xf32, #tpu.memory_space<vmem>> -> memref<1x128x64xf32, #tpu.memory_space<vmem>>
      %dma_start3A_215 = tpu.memref_squeeze %dma_start3A_214 : memref<1x128x64xf32, #tpu.memory_space<vmem>> -> memref<128x64xf32, #tpu.memory_space<vmem>>
      %dma_start3A_216 = arith.constant 0 : i32
      %dma_start3A_217 = tpu.memref_slice %arg8[%add3A_195, %dma_start3A_216] : memref<160x128xi32, #tpu.memory_space<vmem>> -> memref<1x128xi32, #tpu.memory_space<vmem>>
      %dma_start3A_218 = tpu.memref_squeeze %dma_start3A_217 : memref<1x128xi32, #tpu.memory_space<vmem>> -> memref<128xi32, #tpu.memory_space<vmem>>
      %dma_start3A_219 = arith.constant 0 : i32
      %dma_start3A_220 = arith.constant 0 : i32
      %dma_start3A_221 = tpu.memref_slice %arg10[%dma_start3A_219, %dma_start3A_220] : memref<10240x64xf32, #tpu.memory_space<vmem_shared>> -> memref<10240x64xf32, #tpu.memory_space<vmem_shared>>
      tpu.enqueue_indirect_dma source(%dma_start3A_215 : memref<128x64xf32, #tpu.memory_space<vmem>>) target(%dma_start3A_221 : memref<10240x64xf32, #tpu.memory_space<vmem_shared>>) offsets(%dma_start3A_218 : memref<128xi32, #tpu.memory_space<vmem>>) semaphore(%arg18 : memref<!tpu.dma_semaphore, #tpu.memory_space<semaphore_mem>>) {add = true}
      %mul3A_222 = arith.constant 5 : i32
      %mul3A_223 = arith.muli %scan3A_131, %mul3A_222 : i32
      %add3A_224 = arith.constant 3 : i32
      %add3A_225 = arith.addi %mul3A_223, %add3A_224 : i32
      %dma_wait3A_226 = arith.constant 3 : i32
      %dma_wait3A_227 = arith.constant 0 : i32
      %dma_wait3A_228 = arith.constant 0 : i32
      %dma_wait3A_229 = tpu.memref_slice %arg9[%dma_wait3A_226, %dma_wait3A_227, %dma_wait3A_228] : memref<5x128x64xf32, #tpu.memory_space<vmem>> -> memref<1x128x64xf32, #tpu.memory_space<vmem>>
      %dma_wait3A_230 = tpu.memref_squeeze %dma_wait3A_229 : memref<1x128x64xf32, #tpu.memory_space<vmem>> -> memref<128x64xf32, #tpu.memory_space<vmem>>
      %dma_wait3A_231 = arith.constant 0 : i32
      %dma_wait3A_232 = tpu.memref_slice %arg7[%add3A_225, %dma_wait3A_231] : memref<160x128xi32, #tpu.memory_space<vmem>> -> memref<1x128xi32, #tpu.memory_space<vmem>>
      %dma_wait3A_233 = tpu.memref_squeeze %dma_wait3A_232 : memref<1x128xi32, #tpu.memory_space<vmem>> -> memref<128xi32, #tpu.memory_space<vmem>>
      %dma_wait3A_234 = arith.constant 0 : i32
      %dma_wait3A_235 = arith.constant 0 : i32
      %dma_wait3A_236 = tpu.memref_slice %arg4[%arg0, %dma_wait3A_234, %dma_wait3A_235] : memref<2x10000x64xf32, #tpu.memory_space<hbm>> -> memref<1x10000x64xf32, #tpu.memory_space<hbm>>
      %dma_wait3A_237 = tpu.memref_squeeze %dma_wait3A_236 : memref<1x10000x64xf32, #tpu.memory_space<hbm>> -> memref<10000x64xf32, #tpu.memory_space<hbm>>
      %dma_wait3A_238 = arith.constant 0 : i32
      %dma_wait3A_239 = arith.constant 0 : i32
      %dma_wait3A_240 = tpu.memref_slice %dma_wait3A_237[%dma_wait3A_238, %dma_wait3A_239] : memref<10000x64xf32, #tpu.memory_space<hbm>> -> memref<10000x64xf32, #tpu.memory_space<hbm>>
      tpu.wait_indirect_dma semaphore(%arg14 : memref<!tpu.dma_semaphore, #tpu.memory_space<semaphore_mem>>) src(%dma_wait3A_240 : memref<10000x64xf32, #tpu.memory_space<hbm>>) dst(%dma_wait3A_230 : memref<128x64xf32, #tpu.memory_space<vmem>>)
      %dma_start3A_241 = arith.constant 3 : i32
      %dma_start3A_242 = arith.constant 0 : i32
      %dma_start3A_243 = arith.constant 0 : i32
      %dma_start3A_244 = tpu.memref_slice %arg9[%dma_start3A_241, %dma_start3A_242, %dma_start3A_243] : memref<5x128x64xf32, #tpu.memory_space<vmem>> -> memref<1x128x64xf32, #tpu.memory_space<vmem>>
      %dma_start3A_245 = tpu.memref_squeeze %dma_start3A_244 : memref<1x128x64xf32, #tpu.memory_space<vmem>> -> memref<128x64xf32, #tpu.memory_space<vmem>>
      %dma_start3A_246 = arith.constant 0 : i32
      %dma_start3A_247 = tpu.memref_slice %arg8[%add3A_225, %dma_start3A_246] : memref<160x128xi32, #tpu.memory_space<vmem>> -> memref<1x128xi32, #tpu.memory_space<vmem>>
      %dma_start3A_248 = tpu.memref_squeeze %dma_start3A_247 : memref<1x128xi32, #tpu.memory_space<vmem>> -> memref<128xi32, #tpu.memory_space<vmem>>
      %dma_start3A_249 = arith.constant 0 : i32
      %dma_start3A_250 = arith.constant 0 : i32
      %dma_start3A_251 = tpu.memref_slice %arg10[%dma_start3A_249, %dma_start3A_250] : memref<10240x64xf32, #tpu.memory_space<vmem_shared>> -> memref<10240x64xf32, #tpu.memory_space<vmem_shared>>
      tpu.enqueue_indirect_dma source(%dma_start3A_245 : memref<128x64xf32, #tpu.memory_space<vmem>>) target(%dma_start3A_251 : memref<10240x64xf32, #tpu.memory_space<vmem_shared>>) offsets(%dma_start3A_248 : memref<128xi32, #tpu.memory_space<vmem>>) semaphore(%arg19 : memref<!tpu.dma_semaphore, #tpu.memory_space<semaphore_mem>>) {add = true}
      %mul3A_252 = arith.constant 5 : i32
      %mul3A_253 = arith.muli %scan3A_131, %mul3A_252 : i32
      %add3A_254 = arith.constant 4 : i32
      %add3A_255 = arith.addi %mul3A_253, %add3A_254 : i32
      %dma_wait3A_256 = arith.constant 4 : i32
      %dma_wait3A_257 = arith.constant 0 : i32
      %dma_wait3A_258 = arith.constant 0 : i32
      %dma_wait3A_259 = tpu.memref_slice %arg9[%dma_wait3A_256, %dma_wait3A_257, %dma_wait3A_258] : memref<5x128x64xf32, #tpu.memory_space<vmem>> -> memref<1x128x64xf32, #tpu.memory_space<vmem>>
      %dma_wait3A_260 = tpu.memref_squeeze %dma_wait3A_259 : memref<1x128x64xf32, #tpu.memory_space<vmem>> -> memref<128x64xf32, #tpu.memory_space<vmem>>
      %dma_wait3A_261 = arith.constant 0 : i32
      %dma_wait3A_262 = tpu.memref_slice %arg7[%add3A_255, %dma_wait3A_261] : memref<160x128xi32, #tpu.memory_space<vmem>> -> memref<1x128xi32, #tpu.memory_space<vmem>>
      %dma_wait3A_263 = tpu.memref_squeeze %dma_wait3A_262 : memref<1x128xi32, #tpu.memory_space<vmem>> -> memref<128xi32, #tpu.memory_space<vmem>>
      %dma_wait3A_264 = arith.constant 0 : i32
      %dma_wait3A_265 = arith.constant 0 : i32
      %dma_wait3A_266 = tpu.memref_slice %arg4[%arg0, %dma_wait3A_264, %dma_wait3A_265] : memref<2x10000x64xf32, #tpu.memory_space<hbm>> -> memref<1x10000x64xf32, #tpu.memory_space<hbm>>
      %dma_wait3A_267 = tpu.memref_squeeze %dma_wait3A_266 : memref<1x10000x64xf32, #tpu.memory_space<hbm>> -> memref<10000x64xf32, #tpu.memory_space<hbm>>
      %dma_wait3A_268 = arith.constant 0 : i32
      %dma_wait3A_269 = arith.constant 0 : i32
      %dma_wait3A_270 = tpu.memref_slice %dma_wait3A_267[%dma_wait3A_268, %dma_wait3A_269] : memref<10000x64xf32, #tpu.memory_space<hbm>> -> memref<10000x64xf32, #tpu.memory_space<hbm>>
      tpu.wait_indirect_dma semaphore(%arg15 : memref<!tpu.dma_semaphore, #tpu.memory_space<semaphore_mem>>) src(%dma_wait3A_270 : memref<10000x64xf32, #tpu.memory_space<hbm>>) dst(%dma_wait3A_260 : memref<128x64xf32, #tpu.memory_space<vmem>>)
      %dma_start3A_271 = arith.constant 4 : i32
      %dma_start3A_272 = arith.constant 0 : i32
      %dma_start3A_273 = arith.constant 0 : i32
      %dma_start3A_274 = tpu.memref_slice %arg9[%dma_start3A_271, %dma_start3A_272, %dma_start3A_273] : memref<5x128x64xf32, #tpu.memory_space<vmem>> -> memref<1x128x64xf32, #tpu.memory_space<vmem>>
      %dma_start3A_275 = tpu.memref_squeeze %dma_start3A_274 : memref<1x128x64xf32, #tpu.memory_space<vmem>> -> memref<128x64xf32, #tpu.memory_space<vmem>>
      %dma_start3A_276 = arith.constant 0 : i32
      %dma_start3A_277 = tpu.memref_slice %arg8[%add3A_255, %dma_start3A_276] : memref<160x128xi32, #tpu.memory_space<vmem>> -> memref<1x128xi32, #tpu.memory_space<vmem>>
      %dma_start3A_278 = tpu.memref_squeeze %dma_start3A_277 : memref<1x128xi32, #tpu.memory_space<vmem>> -> memref<128xi32, #tpu.memory_space<vmem>>
      %dma_start3A_279 = arith.constant 0 : i32
      %dma_start3A_280 = arith.constant 0 : i32
      %dma_start3A_281 = tpu.memref_slice %arg10[%dma_start3A_279, %dma_start3A_280] : memref<10240x64xf32, #tpu.memory_space<vmem_shared>> -> memref<10240x64xf32, #tpu.memory_space<vmem_shared>>
      tpu.enqueue_indirect_dma source(%dma_start3A_275 : memref<128x64xf32, #tpu.memory_space<vmem>>) target(%dma_start3A_281 : memref<10240x64xf32, #tpu.memory_space<vmem_shared>>) offsets(%dma_start3A_278 : memref<128xi32, #tpu.memory_space<vmem>>) semaphore(%arg20 : memref<!tpu.dma_semaphore, #tpu.memory_space<semaphore_mem>>) {add = true}
      %add3A_282 = arith.constant 1 : i32
      %add3A_283 = arith.addi %scan3A_131, %add3A_282 : i32
      %mul3A_284 = arith.constant 5 : i32
      %mul3A_285 = arith.muli %add3A_283, %mul3A_284 : i32
      %add3A_286 = arith.constant 0 : i32
      %add3A_287 = arith.addi %mul3A_285, %add3A_286 : i32
      %dma_wait3A_288 = arith.constant 0 : i32
      %dma_wait3A_289 = arith.constant 0 : i32
      %dma_wait3A_290 = arith.constant 0 : i32
      %dma_wait3A_291 = arith.constant 0 : i32
      %dma_wait3A_292 = tpu.memref_slice %arg9[%dma_wait3A_288, %dma_wait3A_290, %dma_wait3A_291] : memref<5x128x64xf32, #tpu.memory_space<vmem>> -> memref<1x128x64xf32, #tpu.memory_space<vmem>>
      %dma_wait3A_293 = tpu.memref_squeeze %dma_wait3A_292 : memref<1x128x64xf32, #tpu.memory_space<vmem>> -> memref<128x64xf32, #tpu.memory_space<vmem>>
      %dma_wait3A_294 = arith.constant 0 : i32
      %dma_wait3A_295 = tpu.memref_slice %arg8[%dma_wait3A_289, %dma_wait3A_294] : memref<160x128xi32, #tpu.memory_space<vmem>> -> memref<1x128xi32, #tpu.memory_space<vmem>>
      %dma_wait3A_296 = tpu.memref_squeeze %dma_wait3A_295 : memref<1x128xi32, #tpu.memory_space<vmem>> -> memref<128xi32, #tpu.memory_space<vmem>>
      %dma_wait3A_297 = arith.constant 0 : i32
      %dma_wait3A_298 = arith.constant 0 : i32
      %dma_wait3A_299 = tpu.memref_slice %arg10[%dma_wait3A_297, %dma_wait3A_298] : memref<10240x64xf32, #tpu.memory_space<vmem_shared>> -> memref<10240x64xf32, #tpu.memory_space<vmem_shared>>
      tpu.wait_indirect_dma semaphore(%arg16 : memref<!tpu.dma_semaphore, #tpu.memory_space<semaphore_mem>>) src(%dma_wait3A_293 : memref<128x64xf32, #tpu.memory_space<vmem>>) dst(%dma_wait3A_299 : memref<10240x64xf32, #tpu.memory_space<vmem_shared>>)
      %lt3A = arith.constant 160 : i32
      %lt3A_300 = arith.cmpi slt, %add3A_287, %lt3A : i32
      %convert_element_type3A = arith.extui %lt3A_300 : i1 to i32
      %cond3A = arith.constant 0 : i32
      %cond3A_301 = arith.cmpi ne, %convert_element_type3A, %cond3A : i32
      scf.if %cond3A_301 {
        %dma_start3A_394 = arith.constant 0 : i32
        %dma_start3A_395 = arith.constant 0 : i32
        %dma_start3A_396 = arith.constant 0 : i32
        %dma_start3A_397 = tpu.memref_slice %arg9[%dma_start3A_394, %dma_start3A_395, %dma_start3A_396] : memref<5x128x64xf32, #tpu.memory_space<vmem>> -> memref<1x128x64xf32, #tpu.memory_space<vmem>>
        %dma_start3A_398 = tpu.memref_squeeze %dma_start3A_397 : memref<1x128x64xf32, #tpu.memory_space<vmem>> -> memref<128x64xf32, #tpu.memory_space<vmem>>
        %dma_start3A_399 = arith.constant 0 : i32
        %dma_start3A_400 = tpu.memref_slice %arg7[%add3A_287, %dma_start3A_399] : memref<160x128xi32, #tpu.memory_space<vmem>> -> memref<1x128xi32, #tpu.memory_space<vmem>>
        %dma_start3A_401 = tpu.memref_squeeze %dma_start3A_400 : memref<1x128xi32, #tpu.memory_space<vmem>> -> memref<128xi32, #tpu.memory_space<vmem>>
        %dma_start3A_402 = arith.constant 0 : i32
        %dma_start3A_403 = arith.constant 0 : i32
        %dma_start3A_404 = tpu.memref_slice %arg4[%arg0, %dma_start3A_402, %dma_start3A_403] : memref<2x10000x64xf32, #tpu.memory_space<hbm>> -> memref<1x10000x64xf32, #tpu.memory_space<hbm>>
        %dma_start3A_405 = tpu.memref_squeeze %dma_start3A_404 : memref<1x10000x64xf32, #tpu.memory_space<hbm>> -> memref<10000x64xf32, #tpu.memory_space<hbm>>
        %dma_start3A_406 = arith.constant 0 : i32
        %dma_start3A_407 = arith.constant 0 : i32
        %dma_start3A_408 = tpu.memref_slice %dma_start3A_405[%dma_start3A_406, %dma_start3A_407] : memref<10000x64xf32, #tpu.memory_space<hbm>> -> memref<10000x64xf32, #tpu.memory_space<hbm>>
        tpu.enqueue_indirect_dma source(%dma_start3A_408 : memref<10000x64xf32, #tpu.memory_space<hbm>>) target(%dma_start3A_398 : memref<128x64xf32, #tpu.memory_space<vmem>>) offsets(%dma_start3A_401 : memref<128xi32, #tpu.memory_space<vmem>>) semaphore(%arg11 : memref<!tpu.dma_semaphore, #tpu.memory_space<semaphore_mem>>)
      } else {
      }
      %add3A_302 = arith.constant 1 : i32
      %add3A_303 = arith.addi %scan3A_131, %add3A_302 : i32
      %mul3A_304 = arith.constant 5 : i32
      %mul3A_305 = arith.muli %add3A_303, %mul3A_304 : i32
      %add3A_306 = arith.constant 1 : i32
      %add3A_307 = arith.addi %mul3A_305, %add3A_306 : i32
      %dma_wait3A_308 = arith.constant 1 : i32
      %dma_wait3A_309 = arith.constant 0 : i32
      %dma_wait3A_310 = arith.constant 0 : i32
      %dma_wait3A_311 = arith.constant 0 : i32
      %dma_wait3A_312 = tpu.memref_slice %arg9[%dma_wait3A_308, %dma_wait3A_310, %dma_wait3A_311] : memref<5x128x64xf32, #tpu.memory_space<vmem>> -> memref<1x128x64xf32, #tpu.memory_space<vmem>>
      %dma_wait3A_313 = tpu.memref_squeeze %dma_wait3A_312 : memref<1x128x64xf32, #tpu.memory_space<vmem>> -> memref<128x64xf32, #tpu.memory_space<vmem>>
      %dma_wait3A_314 = arith.constant 0 : i32
      %dma_wait3A_315 = tpu.memref_slice %arg8[%dma_wait3A_309, %dma_wait3A_314] : memref<160x128xi32, #tpu.memory_space<vmem>> -> memref<1x128xi32, #tpu.memory_space<vmem>>
      %dma_wait3A_316 = tpu.memref_squeeze %dma_wait3A_315 : memref<1x128xi32, #tpu.memory_space<vmem>> -> memref<128xi32, #tpu.memory_space<vmem>>
      %dma_wait3A_317 = arith.constant 0 : i32
      %dma_wait3A_318 = arith.constant 0 : i32
      %dma_wait3A_319 = tpu.memref_slice %arg10[%dma_wait3A_317, %dma_wait3A_318] : memref<10240x64xf32, #tpu.memory_space<vmem_shared>> -> memref<10240x64xf32, #tpu.memory_space<vmem_shared>>
      tpu.wait_indirect_dma semaphore(%arg17 : memref<!tpu.dma_semaphore, #tpu.memory_space<semaphore_mem>>) src(%dma_wait3A_313 : memref<128x64xf32, #tpu.memory_space<vmem>>) dst(%dma_wait3A_319 : memref<10240x64xf32, #tpu.memory_space<vmem_shared>>)
      %lt3A_320 = arith.constant 160 : i32
      %lt3A_321 = arith.cmpi slt, %add3A_307, %lt3A_320 : i32
      %convert_element_type3A_322 = arith.extui %lt3A_321 : i1 to i32
      %cond3A_323 = arith.constant 0 : i32
      %cond3A_324 = arith.cmpi ne, %convert_element_type3A_322, %cond3A_323 : i32
      scf.if %cond3A_324 {
        %dma_start3A_394 = arith.constant 1 : i32
        %dma_start3A_395 = arith.constant 0 : i32
        %dma_start3A_396 = arith.constant 0 : i32
        %dma_start3A_397 = tpu.memref_slice %arg9[%dma_start3A_394, %dma_start3A_395, %dma_start3A_396] : memref<5x128x64xf32, #tpu.memory_space<vmem>> -> memref<1x128x64xf32, #tpu.memory_space<vmem>>
        %dma_start3A_398 = tpu.memref_squeeze %dma_start3A_397 : memref<1x128x64xf32, #tpu.memory_space<vmem>> -> memref<128x64xf32, #tpu.memory_space<vmem>>
        %dma_start3A_399 = arith.constant 0 : i32
        %dma_start3A_400 = tpu.memref_slice %arg7[%add3A_307, %dma_start3A_399] : memref<160x128xi32, #tpu.memory_space<vmem>> -> memref<1x128xi32, #tpu.memory_space<vmem>>
        %dma_start3A_401 = tpu.memref_squeeze %dma_start3A_400 : memref<1x128xi32, #tpu.memory_space<vmem>> -> memref<128xi32, #tpu.memory_space<vmem>>
        %dma_start3A_402 = arith.constant 0 : i32
        %dma_start3A_403 = arith.constant 0 : i32
        %dma_start3A_404 = tpu.memref_slice %arg4[%arg0, %dma_start3A_402, %dma_start3A_403] : memref<2x10000x64xf32, #tpu.memory_space<hbm>> -> memref<1x10000x64xf32, #tpu.memory_space<hbm>>
        %dma_start3A_405 = tpu.memref_squeeze %dma_start3A_404 : memref<1x10000x64xf32, #tpu.memory_space<hbm>> -> memref<10000x64xf32, #tpu.memory_space<hbm>>
        %dma_start3A_406 = arith.constant 0 : i32
        %dma_start3A_407 = arith.constant 0 : i32
        %dma_start3A_408 = tpu.memref_slice %dma_start3A_405[%dma_start3A_406, %dma_start3A_407] : memref<10000x64xf32, #tpu.memory_space<hbm>> -> memref<10000x64xf32, #tpu.memory_space<hbm>>
        tpu.enqueue_indirect_dma source(%dma_start3A_408 : memref<10000x64xf32, #tpu.memory_space<hbm>>) target(%dma_start3A_398 : memref<128x64xf32, #tpu.memory_space<vmem>>) offsets(%dma_start3A_401 : memref<128xi32, #tpu.memory_space<vmem>>) semaphore(%arg12 : memref<!tpu.dma_semaphore, #tpu.memory_space<semaphore_mem>>)
      } else {
      }
      %add3A_325 = arith.constant 1 : i32
      %add3A_326 = arith.addi %scan3A_131, %add3A_325 : i32
      %mul3A_327 = arith.constant 5 : i32
      %mul3A_328 = arith.muli %add3A_326, %mul3A_327 : i32
      %add3A_329 = arith.constant 2 : i32
      %add3A_330 = arith.addi %mul3A_328, %add3A_329 : i32
      %dma_wait3A_331 = arith.constant 2 : i32
      %dma_wait3A_332 = arith.constant 0 : i32
      %dma_wait3A_333 = arith.constant 0 : i32
      %dma_wait3A_334 = arith.constant 0 : i32
      %dma_wait3A_335 = tpu.memref_slice %arg9[%dma_wait3A_331, %dma_wait3A_333, %dma_wait3A_334] : memref<5x128x64xf32, #tpu.memory_space<vmem>> -> memref<1x128x64xf32, #tpu.memory_space<vmem>>
      %dma_wait3A_336 = tpu.memref_squeeze %dma_wait3A_335 : memref<1x128x64xf32, #tpu.memory_space<vmem>> -> memref<128x64xf32, #tpu.memory_space<vmem>>
      %dma_wait3A_337 = arith.constant 0 : i32
      %dma_wait3A_338 = tpu.memref_slice %arg8[%dma_wait3A_332, %dma_wait3A_337] : memref<160x128xi32, #tpu.memory_space<vmem>> -> memref<1x128xi32, #tpu.memory_space<vmem>>
      %dma_wait3A_339 = tpu.memref_squeeze %dma_wait3A_338 : memref<1x128xi32, #tpu.memory_space<vmem>> -> memref<128xi32, #tpu.memory_space<vmem>>
      %dma_wait3A_340 = arith.constant 0 : i32
      %dma_wait3A_341 = arith.constant 0 : i32
      %dma_wait3A_342 = tpu.memref_slice %arg10[%dma_wait3A_340, %dma_wait3A_341] : memref<10240x64xf32, #tpu.memory_space<vmem_shared>> -> memref<10240x64xf32, #tpu.memory_space<vmem_shared>>
      tpu.wait_indirect_dma semaphore(%arg18 : memref<!tpu.dma_semaphore, #tpu.memory_space<semaphore_mem>>) src(%dma_wait3A_336 : memref<128x64xf32, #tpu.memory_space<vmem>>) dst(%dma_wait3A_342 : memref<10240x64xf32, #tpu.memory_space<vmem_shared>>)
      %lt3A_343 = arith.constant 160 : i32
      %lt3A_344 = arith.cmpi slt, %add3A_330, %lt3A_343 : i32
      %convert_element_type3A_345 = arith.extui %lt3A_344 : i1 to i32
      %cond3A_346 = arith.constant 0 : i32
      %cond3A_347 = arith.cmpi ne, %convert_element_type3A_345, %cond3A_346 : i32
      scf.if %cond3A_347 {
        %dma_start3A_394 = arith.constant 2 : i32
        %dma_start3A_395 = arith.constant 0 : i32
        %dma_start3A_396 = arith.constant 0 : i32
        %dma_start3A_397 = tpu.memref_slice %arg9[%dma_start3A_394, %dma_start3A_395, %dma_start3A_396] : memref<5x128x64xf32, #tpu.memory_space<vmem>> -> memref<1x128x64xf32, #tpu.memory_space<vmem>>
        %dma_start3A_398 = tpu.memref_squeeze %dma_start3A_397 : memref<1x128x64xf32, #tpu.memory_space<vmem>> -> memref<128x64xf32, #tpu.memory_space<vmem>>
        %dma_start3A_399 = arith.constant 0 : i32
        %dma_start3A_400 = tpu.memref_slice %arg7[%add3A_330, %dma_start3A_399] : memref<160x128xi32, #tpu.memory_space<vmem>> -> memref<1x128xi32, #tpu.memory_space<vmem>>
        %dma_start3A_401 = tpu.memref_squeeze %dma_start3A_400 : memref<1x128xi32, #tpu.memory_space<vmem>> -> memref<128xi32, #tpu.memory_space<vmem>>
        %dma_start3A_402 = arith.constant 0 : i32
        %dma_start3A_403 = arith.constant 0 : i32
        %dma_start3A_404 = tpu.memref_slice %arg4[%arg0, %dma_start3A_402, %dma_start3A_403] : memref<2x10000x64xf32, #tpu.memory_space<hbm>> -> memref<1x10000x64xf32, #tpu.memory_space<hbm>>
        %dma_start3A_405 = tpu.memref_squeeze %dma_start3A_404 : memref<1x10000x64xf32, #tpu.memory_space<hbm>> -> memref<10000x64xf32, #tpu.memory_space<hbm>>
        %dma_start3A_406 = arith.constant 0 : i32
        %dma_start3A_407 = arith.constant 0 : i32
        %dma_start3A_408 = tpu.memref_slice %dma_start3A_405[%dma_start3A_406, %dma_start3A_407] : memref<10000x64xf32, #tpu.memory_space<hbm>> -> memref<10000x64xf32, #tpu.memory_space<hbm>>
        tpu.enqueue_indirect_dma source(%dma_start3A_408 : memref<10000x64xf32, #tpu.memory_space<hbm>>) target(%dma_start3A_398 : memref<128x64xf32, #tpu.memory_space<vmem>>) offsets(%dma_start3A_401 : memref<128xi32, #tpu.memory_space<vmem>>) semaphore(%arg13 : memref<!tpu.dma_semaphore, #tpu.memory_space<semaphore_mem>>)
      } else {
      }
      %add3A_348 = arith.constant 1 : i32
      %add3A_349 = arith.addi %scan3A_131, %add3A_348 : i32
      %mul3A_350 = arith.constant 5 : i32
      %mul3A_351 = arith.muli %add3A_349, %mul3A_350 : i32
      %add3A_352 = arith.constant 3 : i32
      %add3A_353 = arith.addi %mul3A_351, %add3A_352 : i32
      %dma_wait3A_354 = arith.constant 3 : i32
      %dma_wait3A_355 = arith.constant 0 : i32
      %dma_wait3A_356 = arith.constant 0 : i32
      %dma_wait3A_357 = arith.constant 0 : i32
      %dma_wait3A_358 = tpu.memref_slice %arg9[%dma_wait3A_354, %dma_wait3A_356, %dma_wait3A_357] : memref<5x128x64xf32, #tpu.memory_space<vmem>> -> memref<1x128x64xf32, #tpu.memory_space<vmem>>
      %dma_wait3A_359 = tpu.memref_squeeze %dma_wait3A_358 : memref<1x128x64xf32, #tpu.memory_space<vmem>> -> memref<128x64xf32, #tpu.memory_space<vmem>>
      %dma_wait3A_360 = arith.constant 0 : i32
      %dma_wait3A_361 = tpu.memref_slice %arg8[%dma_wait3A_355, %dma_wait3A_360] : memref<160x128xi32, #tpu.memory_space<vmem>> -> memref<1x128xi32, #tpu.memory_space<vmem>>
      %dma_wait3A_362 = tpu.memref_squeeze %dma_wait3A_361 : memref<1x128xi32, #tpu.memory_space<vmem>> -> memref<128xi32, #tpu.memory_space<vmem>>
      %dma_wait3A_363 = arith.constant 0 : i32
      %dma_wait3A_364 = arith.constant 0 : i32
      %dma_wait3A_365 = tpu.memref_slice %arg10[%dma_wait3A_363, %dma_wait3A_364] : memref<10240x64xf32, #tpu.memory_space<vmem_shared>> -> memref<10240x64xf32, #tpu.memory_space<vmem_shared>>
      tpu.wait_indirect_dma semaphore(%arg19 : memref<!tpu.dma_semaphore, #tpu.memory_space<semaphore_mem>>) src(%dma_wait3A_359 : memref<128x64xf32, #tpu.memory_space<vmem>>) dst(%dma_wait3A_365 : memref<10240x64xf32, #tpu.memory_space<vmem_shared>>)
      %lt3A_366 = arith.constant 160 : i32
      %lt3A_367 = arith.cmpi slt, %add3A_353, %lt3A_366 : i32
      %convert_element_type3A_368 = arith.extui %lt3A_367 : i1 to i32
      %cond3A_369 = arith.constant 0 : i32
      %cond3A_370 = arith.cmpi ne, %convert_element_type3A_368, %cond3A_369 : i32
      scf.if %cond3A_370 {
        %dma_start3A_394 = arith.constant 3 : i32
        %dma_start3A_395 = arith.constant 0 : i32
        %dma_start3A_396 = arith.constant 0 : i32
        %dma_start3A_397 = tpu.memref_slice %arg9[%dma_start3A_394, %dma_start3A_395, %dma_start3A_396] : memref<5x128x64xf32, #tpu.memory_space<vmem>> -> memref<1x128x64xf32, #tpu.memory_space<vmem>>
        %dma_start3A_398 = tpu.memref_squeeze %dma_start3A_397 : memref<1x128x64xf32, #tpu.memory_space<vmem>> -> memref<128x64xf32, #tpu.memory_space<vmem>>
        %dma_start3A_399 = arith.constant 0 : i32
        %dma_start3A_400 = tpu.memref_slice %arg7[%add3A_353, %dma_start3A_399] : memref<160x128xi32, #tpu.memory_space<vmem>> -> memref<1x128xi32, #tpu.memory_space<vmem>>
        %dma_start3A_401 = tpu.memref_squeeze %dma_start3A_400 : memref<1x128xi32, #tpu.memory_space<vmem>> -> memref<128xi32, #tpu.memory_space<vmem>>
        %dma_start3A_402 = arith.constant 0 : i32
        %dma_start3A_403 = arith.constant 0 : i32
        %dma_start3A_404 = tpu.memref_slice %arg4[%arg0, %dma_start3A_402, %dma_start3A_403] : memref<2x10000x64xf32, #tpu.memory_space<hbm>> -> memref<1x10000x64xf32, #tpu.memory_space<hbm>>
        %dma_start3A_405 = tpu.memref_squeeze %dma_start3A_404 : memref<1x10000x64xf32, #tpu.memory_space<hbm>> -> memref<10000x64xf32, #tpu.memory_space<hbm>>
        %dma_start3A_406 = arith.constant 0 : i32
        %dma_start3A_407 = arith.constant 0 : i32
        %dma_start3A_408 = tpu.memref_slice %dma_start3A_405[%dma_start3A_406, %dma_start3A_407] : memref<10000x64xf32, #tpu.memory_space<hbm>> -> memref<10000x64xf32, #tpu.memory_space<hbm>>
        tpu.enqueue_indirect_dma source(%dma_start3A_408 : memref<10000x64xf32, #tpu.memory_space<hbm>>) target(%dma_start3A_398 : memref<128x64xf32, #tpu.memory_space<vmem>>) offsets(%dma_start3A_401 : memref<128xi32, #tpu.memory_space<vmem>>) semaphore(%arg14 : memref<!tpu.dma_semaphore, #tpu.memory_space<semaphore_mem>>)
      } else {
      }
      %add3A_371 = arith.constant 1 : i32
      %add3A_372 = arith.addi %scan3A_131, %add3A_371 : i32
      %mul3A_373 = arith.constant 5 : i32
      %mul3A_374 = arith.muli %add3A_372, %mul3A_373 : i32
      %add3A_375 = arith.constant 4 : i32
      %add3A_376 = arith.addi %mul3A_374, %add3A_375 : i32
      %dma_wait3A_377 = arith.constant 4 : i32
      %dma_wait3A_378 = arith.constant 0 : i32
      %dma_wait3A_379 = arith.constant 0 : i32
      %dma_wait3A_380 = arith.constant 0 : i32
      %dma_wait3A_381 = tpu.memref_slice %arg9[%dma_wait3A_377, %dma_wait3A_379, %dma_wait3A_380] : memref<5x128x64xf32, #tpu.memory_space<vmem>> -> memref<1x128x64xf32, #tpu.memory_space<vmem>>
      %dma_wait3A_382 = tpu.memref_squeeze %dma_wait3A_381 : memref<1x128x64xf32, #tpu.memory_space<vmem>> -> memref<128x64xf32, #tpu.memory_space<vmem>>
      %dma_wait3A_383 = arith.constant 0 : i32
      %dma_wait3A_384 = tpu.memref_slice %arg8[%dma_wait3A_378, %dma_wait3A_383] : memref<160x128xi32, #tpu.memory_space<vmem>> -> memref<1x128xi32, #tpu.memory_space<vmem>>
      %dma_wait3A_385 = tpu.memref_squeeze %dma_wait3A_384 : memref<1x128xi32, #tpu.memory_space<vmem>> -> memref<128xi32, #tpu.memory_space<vmem>>
      %dma_wait3A_386 = arith.constant 0 : i32
      %dma_wait3A_387 = arith.constant 0 : i32
      %dma_wait3A_388 = tpu.memref_slice %arg10[%dma_wait3A_386, %dma_wait3A_387] : memref<10240x64xf32, #tpu.memory_space<vmem_shared>> -> memref<10240x64xf32, #tpu.memory_space<vmem_shared>>
      tpu.wait_indirect_dma semaphore(%arg20 : memref<!tpu.dma_semaphore, #tpu.memory_space<semaphore_mem>>) src(%dma_wait3A_382 : memref<128x64xf32, #tpu.memory_space<vmem>>) dst(%dma_wait3A_388 : memref<10240x64xf32, #tpu.memory_space<vmem_shared>>)
      %lt3A_389 = arith.constant 160 : i32
      %lt3A_390 = arith.cmpi slt, %add3A_376, %lt3A_389 : i32
      %convert_element_type3A_391 = arith.extui %lt3A_390 : i1 to i32
      %cond3A_392 = arith.constant 0 : i32
      %cond3A_393 = arith.cmpi ne, %convert_element_type3A_391, %cond3A_392 : i32
      scf.if %cond3A_393 {
        %dma_start3A_394 = arith.constant 4 : i32
        %dma_start3A_395 = arith.constant 0 : i32
        %dma_start3A_396 = arith.constant 0 : i32
        %dma_start3A_397 = tpu.memref_slice %arg9[%dma_start3A_394, %dma_start3A_395, %dma_start3A_396] : memref<5x128x64xf32, #tpu.memory_space<vmem>> -> memref<1x128x64xf32, #tpu.memory_space<vmem>>
        %dma_start3A_398 = tpu.memref_squeeze %dma_start3A_397 : memref<1x128x64xf32, #tpu.memory_space<vmem>> -> memref<128x64xf32, #tpu.memory_space<vmem>>
        %dma_start3A_399 = arith.constant 0 : i32
        %dma_start3A_400 = tpu.memref_slice %arg7[%add3A_376, %dma_start3A_399] : memref<160x128xi32, #tpu.memory_space<vmem>> -> memref<1x128xi32, #tpu.memory_space<vmem>>
        %dma_start3A_401 = tpu.memref_squeeze %dma_start3A_400 : memref<1x128xi32, #tpu.memory_space<vmem>> -> memref<128xi32, #tpu.memory_space<vmem>>
        %dma_start3A_402 = arith.constant 0 : i32
        %dma_start3A_403 = arith.constant 0 : i32
        %dma_start3A_404 = tpu.memref_slice %arg4[%arg0, %dma_start3A_402, %dma_start3A_403] : memref<2x10000x64xf32, #tpu.memory_space<hbm>> -> memref<1x10000x64xf32, #tpu.memory_space<hbm>>
        %dma_start3A_405 = tpu.memref_squeeze %dma_start3A_404 : memref<1x10000x64xf32, #tpu.memory_space<hbm>> -> memref<10000x64xf32, #tpu.memory_space<hbm>>
        %dma_start3A_406 = arith.constant 0 : i32
        %dma_start3A_407 = arith.constant 0 : i32
        %dma_start3A_408 = tpu.memref_slice %dma_start3A_405[%dma_start3A_406, %dma_start3A_407] : memref<10000x64xf32, #tpu.memory_space<hbm>> -> memref<10000x64xf32, #tpu.memory_space<hbm>>
        tpu.enqueue_indirect_dma source(%dma_start3A_408 : memref<10000x64xf32, #tpu.memory_space<hbm>>) target(%dma_start3A_398 : memref<128x64xf32, #tpu.memory_space<vmem>>) offsets(%dma_start3A_401 : memref<128xi32, #tpu.memory_space<vmem>>) semaphore(%arg15 : memref<!tpu.dma_semaphore, #tpu.memory_space<semaphore_mem>>)
      } else {
      }
    }
    %scan3A_129 = arith.constant 32 : i32
    %barrier3A_130 = arith.constant 0 : index
    tpu.barrier barrier_id(%barrier3A_130)
    "tpu.region"() ({
      %run_scoped3A_131 = tpu.sem_alloc : memref<!tpu.dma_semaphore, #tpu.memory_space<semaphore_mem>>
      %dma_start3A_132 = arith.constant 0 : i32
      %dma_start3A_133 = tpu.memref_slice %arg6[%arg0, %mul3A_0, %dma_start3A_132] : memref<2x10240x64xf32, #tpu.memory_space<hbm>> -> memref<1x640x64xf32, #tpu.memory_space<hbm>>
      %dma_start3A_134 = tpu.memref_squeeze %dma_start3A_133 : memref<1x640x64xf32, #tpu.memory_space<hbm>> -> memref<640x64xf32, #tpu.memory_space<hbm>>
      %dma_start3A_135 = arith.constant 0 : i32
      %dma_start3A_136 = tpu.memref_slice %arg10[%mul3A_0, %dma_start3A_135] : memref<10240x64xf32, #tpu.memory_space<vmem_shared>> -> memref<640x64xf32, #tpu.memory_space<vmem_shared>>
      tpu.enqueue_dma source(%dma_start3A_136 : memref<640x64xf32, #tpu.memory_space<vmem_shared>>) target(%dma_start3A_134 : memref<640x64xf32, #tpu.memory_space<hbm>>) target_semaphore(%run_scoped3A_131 : memref<!tpu.dma_semaphore, #tpu.memory_space<semaphore_mem>>)
      %dma_wait3A_137 = arith.constant 0 : i32
      %dma_wait3A_138 = tpu.memref_slice %arg6[%arg0, %mul3A_0, %dma_wait3A_137] : memref<2x10240x64xf32, #tpu.memory_space<hbm>> -> memref<1x640x64xf32, #tpu.memory_space<hbm>>
      %dma_wait3A_139 = tpu.memref_squeeze %dma_wait3A_138 : memref<1x640x64xf32, #tpu.memory_space<hbm>> -> memref<640x64xf32, #tpu.memory_space<hbm>>
      %dma_wait3A_140 = arith.constant 0 : i32
      %dma_wait3A_141 = tpu.memref_slice %arg10[%mul3A_0, %dma_wait3A_140] : memref<10240x64xf32, #tpu.memory_space<vmem_shared>> -> memref<640x64xf32, #tpu.memory_space<vmem_shared>>
      tpu.wait_dma2 semaphore(%run_scoped3A_131 : memref<!tpu.dma_semaphore, #tpu.memory_space<semaphore_mem>>) src(%dma_wait3A_141 : memref<640x64xf32, #tpu.memory_space<vmem_shared>>) dst(%dma_wait3A_139 : memref<640x64xf32, #tpu.memory_space<hbm>>)
      tpu.yield
    }) : () -> ()
    return
  }
}

module attributes {stable_mosaic.version = 14 : i64} {
  func.func @body(%arg0: i32, %arg1: memref<1024x128xf32, #tpu.memory_space<vmem>>, %arg2: memref<128x128xf32, #tpu.memory_space<vmem>>, %arg3: memref<2x1024x1xf32, #tpu.memory_space<vmem>>, %arg4: memref<2x1024x64xf32, #tpu.memory_space<vmem>>) attributes {dimension_semantics = [#tpu.dimension_semantics<arbitrary>], iteration_bounds = array<i64: 10>, scalar_prefetch = 0 : i64, scratch_operands = 0 : i64, tpu.core_type = #tpu.core_type<tc>, window_params = [{transform_indices = @transform_0, window_bounds = array<i64: 1024, 128>}, {pipeline_mode = #tpu.pipeline_mode<synchronous>, transform_indices = @transform_1, window_bounds = array<i64: 128, 128>}, {transform_indices = @transform_2, window_bounds = array<i64: 2, 1024, 1>}, {transform_indices = @transform_3, window_bounds = array<i64: 2, 1024, 64>}]} {
    %get3A = arith.constant 0 : index
    %get3A_0 = arith.constant 0 : index
    %get3A_1 = arith.constant 0 : index
    %get3A_2 = vector.load %arg3[%get3A, %get3A_0, %get3A_1] : memref<2x1024x1xf32, #tpu.memory_space<vmem>>, vector<1x1024x1xf32>
    %get3A_3 = vector.shape_cast %get3A_2 : vector<1x1024x1xf32> to vector<1024x1xf32>
    %get3A_4 = arith.constant 1 : index
    %get3A_5 = arith.constant 0 : index
    %get3A_6 = arith.constant 0 : index
    %get3A_7 = vector.load %arg3[%get3A_4, %get3A_5, %get3A_6] : memref<2x1024x1xf32, #tpu.memory_space<vmem>>, vector<1x1024x1xf32>
    %get3A_8 = vector.shape_cast %get3A_7 : vector<1x1024x1xf32> to vector<1024x1xf32>
    %add3A = arith.addf %get3A_3, %get3A_8 : vector<1024x1xf32>
    %max3A = arith.constant 1.000000e+00 : f32
    %max3A_9 = vector.broadcast %max3A : f32 to vector<1024x1xf32>
    %max3A_10 = arith.maximumf %add3A, %max3A_9 : vector<1024x1xf32>
    %rsqrt3A = math.rsqrt %max3A_10 : vector<1024x1xf32>
    %get3A_11 = arith.constant 0 : index
    %get3A_12 = arith.constant 0 : index
    %get3A_13 = vector.load %arg1[%get3A_11, %get3A_12] : memref<1024x128xf32, #tpu.memory_space<vmem>>, vector<1024x128xf32>
    %get3A_14 = arith.constant 0 : index
    %get3A_15 = arith.constant 0 : index
    %get3A_16 = vector.load %arg2[%get3A_14, %get3A_15] : memref<128x128xf32, #tpu.memory_space<vmem>>, vector<128x128xf32>
    %dot_general3A = arith.constant dense<0.000000e+00> : vector<1024x128xf32>
    %dot_general3A_17 = tpu.matmul %get3A_13, %get3A_16, %dot_general3A {dimension_numbers = #tpu.dot_dimension_numbers<[1], [0], [0], [1], [0, 0, 1, 1], [], []>, transpose_lhs_hint = false} : vector<1024x128xf32>, vector<128x128xf32>, vector<1024x128xf32> -> vector<1024x128xf32>
    %mul3A = vector.broadcast %rsqrt3A : vector<1024x1xf32> to vector<1024x128xf32>
    %mul3A_18 = arith.mulf %dot_general3A_17, %mul3A : vector<1024x128xf32>
    %slice3A = vector.extract_strided_slice %mul3A_18 {offsets = [0, 0], sizes = [1024, 64], strides = [1, 1]} : vector<1024x128xf32> to vector<1024x64xf32>
    %swap3A = arith.constant 0 : index
    %swap3A_19 = arith.constant 0 : index
    %swap3A_20 = arith.constant 0 : index
    %swap3A_21 = vector.load %arg4[%swap3A, %swap3A_19, %swap3A_20] : memref<2x1024x64xf32, #tpu.memory_space<vmem>>, vector<1x1024x64xf32>
    %swap3A_22 = vector.shape_cast %swap3A_21 : vector<1x1024x64xf32> to vector<1024x64xf32>
    %swap3A_23 = vector.shape_cast %slice3A : vector<1024x64xf32> to vector<1x1024x64xf32>
    tpu.vector_store %arg4[%swap3A, %swap3A_19, %swap3A_20], %swap3A_23 {strides = array<i32>} : memref<2x1024x64xf32, #tpu.memory_space<vmem>>, vector<1x1024x64xf32>,
    %slice3A_24 = vector.extract_strided_slice %mul3A_18 {offsets = [0, 64], sizes = [1024, 64], strides = [1, 1]} : vector<1024x128xf32> to vector<1024x64xf32>
    %swap3A_25 = arith.constant 1 : index
    %swap3A_26 = arith.constant 0 : index
    %swap3A_27 = arith.constant 0 : index
    %swap3A_28 = vector.load %arg4[%swap3A_25, %swap3A_26, %swap3A_27] : memref<2x1024x64xf32, #tpu.memory_space<vmem>>, vector<1x1024x64xf32>
    %swap3A_29 = vector.shape_cast %swap3A_28 : vector<1x1024x64xf32> to vector<1024x64xf32>
    %swap3A_30 = vector.shape_cast %slice3A_24 : vector<1024x64xf32> to vector<1x1024x64xf32>
    tpu.vector_store %arg4[%swap3A_25, %swap3A_26, %swap3A_27], %swap3A_30 {strides = array<i32>} : memref<2x1024x64xf32, #tpu.memory_space<vmem>>, vector<1x1024x64xf32>,
    return
  }
  func.func @transform_0(%arg0: i32) -> (i32, i32) {
    %c0_i32 = arith.constant 0 : i32
    %c0_i32_0 = arith.constant 0 : i32
    return %arg0, %c0_i32 : i32, i32
  }
  func.func @transform_1(%arg0: i32) -> (i32, i32) {
    %c0_i32 = arith.constant 0 : i32
    %c0_i32_0 = arith.constant 0 : i32
    %c0_i32_1 = arith.constant 0 : i32
    return %c0_i32, %c0_i32_0 : i32, i32
  }
  func.func @transform_2(%arg0: i32) -> (i32, i32, i32) {
    %c0_i32 = arith.constant 0 : i32
    %c0_i32_0 = arith.constant 0 : i32
    %c0_i32_1 = arith.constant 0 : i32
    return %c0_i32, %arg0, %c0_i32_0 : i32, i32, i32
  }
  func.func @transform_3(%arg0: i32) -> (i32, i32, i32) {
    %c0_i32 = arith.constant 0 : i32
    %c0_i32_0 = arith.constant 0 : i32
    %c0_i32_1 = arith.constant 0 : i32
    return %c0_i32, %arg0, %c0_i32_0 : i32, i32, i32
  }
}

module attributes {stable_mosaic.version = 14 : i64} {
  func.func @body(%arg0: i32, %arg1: memref<2x1024x64xf32, #tpu.memory_space<vmem>>, %arg2: memref<2x1024x1xf32, #tpu.memory_space<vmem>>, %arg3: memref<2x1024x1xf32, #tpu.memory_space<vmem>>, %arg4: memref<1024x128xf32, #tpu.memory_space<vmem>>, %arg5: memref<128x128xf32, #tpu.memory_space<vmem>>, %arg6: memref<1x128xf32, #tpu.memory_space<vmem>>, %arg7: memref<1x128xf32, #tpu.memory_space<vmem>>, %arg8: memref<128x128xf32, #tpu.memory_space<vmem>>, %arg9: memref<1024x128xf32, #tpu.memory_space<vmem>>, %arg10: memref<2x1024x64xf32, #tpu.memory_space<vmem>>) attributes {dimension_semantics = [#tpu.dimension_semantics<arbitrary>], iteration_bounds = array<i64: 10>, scalar_prefetch = 0 : i64, scratch_operands = 0 : i64, tpu.core_type = #tpu.core_type<tc>, window_params = [{transform_indices = @transform_0, window_bounds = array<i64: 2, 1024, 64>}, {transform_indices = @transform_1, window_bounds = array<i64: 2, 1024, 1>}, {transform_indices = @transform_2, window_bounds = array<i64: 2, 1024, 1>}, {transform_indices = @transform_3, window_bounds = array<i64: 1024, 128>}, {pipeline_mode = #tpu.pipeline_mode<synchronous>, transform_indices = @transform_4, window_bounds = array<i64: 128, 128>}, {pipeline_mode = #tpu.pipeline_mode<synchronous>, transform_indices = @transform_5, window_bounds = array<i64: 1, 128>}, {pipeline_mode = #tpu.pipeline_mode<synchronous>, transform_indices = @transform_6, window_bounds = array<i64: 1, 128>}, {pipeline_mode = #tpu.pipeline_mode<synchronous>, transform_indices = @transform_7, window_bounds = array<i64: 128, 128>}, {transform_indices = @transform_8, window_bounds = array<i64: 1024, 128>}, {transform_indices = @transform_9, window_bounds = array<i64: 2, 1024, 64>}]} {
    %get3A = arith.constant 0 : index
    %get3A_0 = arith.constant 0 : index
    %get3A_1 = arith.constant 0 : index
    %get3A_2 = vector.load %arg2[%get3A, %get3A_0, %get3A_1] : memref<2x1024x1xf32, #tpu.memory_space<vmem>>, vector<1x1024x1xf32>
    %get3A_3 = vector.shape_cast %get3A_2 : vector<1x1024x1xf32> to vector<1024x1xf32>
    %get3A_4 = arith.constant 1 : index
    %get3A_5 = arith.constant 0 : index
    %get3A_6 = arith.constant 0 : index
    %get3A_7 = vector.load %arg2[%get3A_4, %get3A_5, %get3A_6] : memref<2x1024x1xf32, #tpu.memory_space<vmem>>, vector<1x1024x1xf32>
    %get3A_8 = vector.shape_cast %get3A_7 : vector<1x1024x1xf32> to vector<1024x1xf32>
    %add3A = arith.addf %get3A_3, %get3A_8 : vector<1024x1xf32>
    %max3A = arith.constant 1.000000e+00 : f32
    %max3A_9 = vector.broadcast %max3A : f32 to vector<1024x1xf32>
    %max3A_10 = arith.maximumf %add3A, %max3A_9 : vector<1024x1xf32>
    %rsqrt3A = math.rsqrt %max3A_10 : vector<1024x1xf32>
    %div3A = arith.constant 1.000000e+00 : f32
    %div3A_11 = vector.broadcast %div3A : f32 to vector<1024x1xf32>
    %div3A_12 = arith.divf %div3A_11, %max3A_10 : vector<1024x1xf32>
    %get3A_13 = arith.constant 0 : index
    %get3A_14 = arith.constant 0 : index
    %get3A_15 = arith.constant 0 : index
    %get3A_16 = vector.load %arg3[%get3A_13, %get3A_14, %get3A_15] : memref<2x1024x1xf32, #tpu.memory_space<vmem>>, vector<1x1024x1xf32>
    %get3A_17 = vector.shape_cast %get3A_16 : vector<1x1024x1xf32> to vector<1024x1xf32>
    %get3A_18 = arith.constant 1 : index
    %get3A_19 = arith.constant 0 : index
    %get3A_20 = arith.constant 0 : index
    %get3A_21 = vector.load %arg3[%get3A_18, %get3A_19, %get3A_20] : memref<2x1024x1xf32, #tpu.memory_space<vmem>>, vector<1x1024x1xf32>
    %get3A_22 = vector.shape_cast %get3A_21 : vector<1x1024x1xf32> to vector<1024x1xf32>
    %add3A_23 = arith.addf %get3A_17, %get3A_22 : vector<1024x1xf32>
    %max3A_24 = arith.constant 1.000000e+00 : f32
    %max3A_25 = vector.broadcast %max3A_24 : f32 to vector<1024x1xf32>
    %max3A_26 = arith.maximumf %add3A_23, %max3A_25 : vector<1024x1xf32>
    %rsqrt3A_27 = math.rsqrt %max3A_26 : vector<1024x1xf32>
    %get3A_28 = arith.constant 0 : index
    %get3A_29 = arith.constant 0 : index
    %get3A_30 = arith.constant 0 : index
    %get3A_31 = vector.load %arg1[%get3A_28, %get3A_29, %get3A_30] : memref<2x1024x64xf32, #tpu.memory_space<vmem>>, vector<1x1024x64xf32>
    %get3A_32 = vector.shape_cast %get3A_31 : vector<1x1024x64xf32> to vector<1024x64xf32>
    %get3A_33 = arith.constant 1 : index
    %get3A_34 = arith.constant 0 : index
    %get3A_35 = arith.constant 0 : index
    %get3A_36 = vector.load %arg1[%get3A_33, %get3A_34, %get3A_35] : memref<2x1024x64xf32, #tpu.memory_space<vmem>>, vector<1x1024x64xf32>
    %get3A_37 = vector.shape_cast %get3A_36 : vector<1x1024x64xf32> to vector<1024x64xf32>
    %concatenate3A = tpu.concatenate %get3A_32, %get3A_37 in 1 : vector<1024x64xf32>, vector<1024x64xf32> -> vector<1024x128xf32>
    %mul3A = vector.broadcast %rsqrt3A : vector<1024x1xf32> to vector<1024x128xf32>
    %mul3A_38 = arith.mulf %concatenate3A, %mul3A : vector<1024x128xf32>
    %get3A_39 = arith.constant 0 : index
    %get3A_40 = arith.constant 0 : index
    %get3A_41 = vector.load %arg6[%get3A_39, %get3A_40] : memref<1x128xf32, #tpu.memory_space<vmem>>, vector<1x128xf32>
    %add3A_42 = vector.broadcast %get3A_41 : vector<1x128xf32> to vector<1024x128xf32>
    %add3A_43 = arith.addf %mul3A_38, %add3A_42 : vector<1024x128xf32>
    %get3A_44 = arith.constant 0 : index
    %get3A_45 = arith.constant 0 : index
    %get3A_46 = vector.load %arg4[%get3A_44, %get3A_45] : memref<1024x128xf32, #tpu.memory_space<vmem>>, vector<1024x128xf32>
    %get3A_47 = arith.constant 0 : index
    %get3A_48 = arith.constant 0 : index
    %get3A_49 = vector.load %arg5[%get3A_47, %get3A_48] : memref<128x128xf32, #tpu.memory_space<vmem>>, vector<128x128xf32>
    %dot_general3A = arith.constant dense<0.000000e+00> : vector<1024x128xf32>
    %dot_general3A_50 = tpu.matmul %get3A_46, %get3A_49, %dot_general3A {dimension_numbers = #tpu.dot_dimension_numbers<[1], [0], [0], [1], [0, 0, 1, 1], [], []>, transpose_lhs_hint = false} : vector<1024x128xf32>, vector<128x128xf32>, vector<1024x128xf32> -> vector<1024x128xf32>
    %get3A_51 = arith.constant 0 : index
    %get3A_52 = arith.constant 0 : index
    %get3A_53 = vector.load %arg7[%get3A_51, %get3A_52] : memref<1x128xf32, #tpu.memory_space<vmem>>, vector<1x128xf32>
    %add3A_54 = vector.broadcast %get3A_53 : vector<1x128xf32> to vector<1024x128xf32>
    %add3A_55 = arith.addf %dot_general3A_50, %add3A_54 : vector<1024x128xf32>
    %mul3A_56 = vector.broadcast %div3A_12 : vector<1024x1xf32> to vector<1024x128xf32>
    %mul3A_57 = arith.mulf %mul3A_56, %add3A_55 : vector<1024x128xf32>
    %add3A_58 = arith.addf %add3A_43, %mul3A_57 : vector<1024x128xf32>
    %max3A_59 = arith.constant 0.000000e+00 : f32
    %max3A_60 = vector.broadcast %max3A_59 : f32 to vector<1024x128xf32>
    %max3A_61 = arith.maximumf %add3A_58, %max3A_60 : vector<1024x128xf32>
    %swap3A = arith.constant 0 : index
    %swap3A_62 = arith.constant 0 : index
    %swap3A_63 = vector.load %arg9[%swap3A, %swap3A_62] : memref<1024x128xf32, #tpu.memory_space<vmem>>, vector<1024x128xf32>
    tpu.vector_store %arg9[%swap3A, %swap3A_62], %max3A_61 {strides = array<i32>} : memref<1024x128xf32, #tpu.memory_space<vmem>>, vector<1024x128xf32>,
    %get3A_64 = arith.constant 0 : index
    %get3A_65 = arith.constant 0 : index
    %get3A_66 = vector.load %arg8[%get3A_64, %get3A_65] : memref<128x128xf32, #tpu.memory_space<vmem>>, vector<128x128xf32>
    %dot_general3A_67 = arith.constant dense<0.000000e+00> : vector<1024x128xf32>
    %dot_general3A_68 = tpu.matmul %max3A_61, %get3A_66, %dot_general3A_67 {dimension_numbers = #tpu.dot_dimension_numbers<[1], [0], [0], [1], [0, 0, 1, 1], [], []>, transpose_lhs_hint = false} : vector<1024x128xf32>, vector<128x128xf32>, vector<1024x128xf32> -> vector<1024x128xf32>
    %mul3A_69 = vector.broadcast %rsqrt3A_27 : vector<1024x1xf32> to vector<1024x128xf32>
    %mul3A_70 = arith.mulf %dot_general3A_68, %mul3A_69 : vector<1024x128xf32>
    %slice3A = vector.extract_strided_slice %mul3A_70 {offsets = [0, 0], sizes = [1024, 64], strides = [1, 1]} : vector<1024x128xf32> to vector<1024x64xf32>
    %swap3A_71 = arith.constant 0 : index
    %swap3A_72 = arith.constant 0 : index
    %swap3A_73 = arith.constant 0 : index
    %swap3A_74 = vector.load %arg10[%swap3A_71, %swap3A_72, %swap3A_73] : memref<2x1024x64xf32, #tpu.memory_space<vmem>>, vector<1x1024x64xf32>
    %swap3A_75 = vector.shape_cast %swap3A_74 : vector<1x1024x64xf32> to vector<1024x64xf32>
    %swap3A_76 = vector.shape_cast %slice3A : vector<1024x64xf32> to vector<1x1024x64xf32>
    tpu.vector_store %arg10[%swap3A_71, %swap3A_72, %swap3A_73], %swap3A_76 {strides = array<i32>} : memref<2x1024x64xf32, #tpu.memory_space<vmem>>, vector<1x1024x64xf32>,
    %slice3A_77 = vector.extract_strided_slice %mul3A_70 {offsets = [0, 64], sizes = [1024, 64], strides = [1, 1]} : vector<1024x128xf32> to vector<1024x64xf32>
    %swap3A_78 = arith.constant 1 : index
    %swap3A_79 = arith.constant 0 : index
    %swap3A_80 = arith.constant 0 : index
    %swap3A_81 = vector.load %arg10[%swap3A_78, %swap3A_79, %swap3A_80] : memref<2x1024x64xf32, #tpu.memory_space<vmem>>, vector<1x1024x64xf32>
    %swap3A_82 = vector.shape_cast %swap3A_81 : vector<1x1024x64xf32> to vector<1024x64xf32>
    %swap3A_83 = vector.shape_cast %slice3A_77 : vector<1024x64xf32> to vector<1x1024x64xf32>
    tpu.vector_store %arg10[%swap3A_78, %swap3A_79, %swap3A_80], %swap3A_83 {strides = array<i32>} : memref<2x1024x64xf32, #tpu.memory_space<vmem>>, vector<1x1024x64xf32>,
    return
  }
  func.func @transform_0(%arg0: i32) -> (i32, i32, i32) {
    %c0_i32 = arith.constant 0 : i32
    %c0_i32_0 = arith.constant 0 : i32
    %c0_i32_1 = arith.constant 0 : i32
    return %c0_i32, %arg0, %c0_i32_0 : i32, i32, i32
  }
  func.func @transform_1(%arg0: i32) -> (i32, i32, i32) {
    %c0_i32 = arith.constant 0 : i32
    %c0_i32_0 = arith.constant 0 : i32
    %c0_i32_1 = arith.constant 0 : i32
    return %c0_i32, %arg0, %c0_i32_0 : i32, i32, i32
  }
  func.func @transform_2(%arg0: i32) -> (i32, i32, i32) {
    %c0_i32 = arith.constant 0 : i32
    %c0_i32_0 = arith.constant 0 : i32
    %c0_i32_1 = arith.constant 0 : i32
    return %c0_i32, %arg0, %c0_i32_0 : i32, i32, i32
  }
  func.func @transform_3(%arg0: i32) -> (i32, i32) {
    %c0_i32 = arith.constant 0 : i32
    %c0_i32_0 = arith.constant 0 : i32
    return %arg0, %c0_i32 : i32, i32
  }
  func.func @transform_4(%arg0: i32) -> (i32, i32) {
    %c0_i32 = arith.constant 0 : i32
    %c0_i32_0 = arith.constant 0 : i32
    %c0_i32_1 = arith.constant 0 : i32
    return %c0_i32, %c0_i32_0 : i32, i32
  }
  func.func @transform_5(%arg0: i32) -> (i32, i32) {
    %c0_i32 = arith.constant 0 : i32
    %c0_i32_0 = arith.constant 0 : i32
    %c0_i32_1 = arith.constant 0 : i32
    return %c0_i32, %c0_i32_0 : i32, i32
  }
  func.func @transform_6(%arg0: i32) -> (i32, i32) {
    %c0_i32 = arith.constant 0 : i32
    %c0_i32_0 = arith.constant 0 : i32
    %c0_i32_1 = arith.constant 0 : i32
    return %c0_i32, %c0_i32_0 : i32, i32
  }
  func.func @transform_7(%arg0: i32) -> (i32, i32) {
    %c0_i32 = arith.constant 0 : i32
    %c0_i32_0 = arith.constant 0 : i32
    %c0_i32_1 = arith.constant 0 : i32
    return %c0_i32, %c0_i32_0 : i32, i32
  }
  func.func @transform_8(%arg0: i32) -> (i32, i32) {
    %c0_i32 = arith.constant 0 : i32
    %c0_i32_0 = arith.constant 0 : i32
    return %arg0, %c0_i32 : i32, i32
  }
  func.func @transform_9(%arg0: i32) -> (i32, i32, i32) {
    %c0_i32 = arith.constant 0 : i32
    %c0_i32_0 = arith.constant 0 : i32
    %c0_i32_1 = arith.constant 0 : i32
    return %c0_i32, %arg0, %c0_i32_0 : i32, i32, i32
  }
}

module attributes {stable_mosaic.version = 14 : i64} {
  func.func @body(%arg0: i32, %arg1: memref<2x1024x64xf32, #tpu.memory_space<vmem>>, %arg2: memref<2x1024x1xf32, #tpu.memory_space<vmem>>, %arg3: memref<1024x128xf32, #tpu.memory_space<vmem>>, %arg4: memref<1024x128xf32, #tpu.memory_space<vmem>>, %arg5: memref<128x128xf32, #tpu.memory_space<vmem>>, %arg6: memref<128x128xf32, #tpu.memory_space<vmem>>, %arg7: memref<1x128xf32, #tpu.memory_space<vmem>>, %arg8: memref<1x128xf32, #tpu.memory_space<vmem>>, %arg9: memref<1024x128xf32, #tpu.memory_space<vmem>>) attributes {dimension_semantics = [#tpu.dimension_semantics<arbitrary>], iteration_bounds = array<i64: 10>, scalar_prefetch = 0 : i64, scratch_operands = 0 : i64, tpu.core_type = #tpu.core_type<tc>, window_params = [{transform_indices = @transform_0, window_bounds = array<i64: 2, 1024, 64>}, {transform_indices = @transform_1, window_bounds = array<i64: 2, 1024, 1>}, {transform_indices = @transform_2, window_bounds = array<i64: 1024, 128>}, {transform_indices = @transform_3, window_bounds = array<i64: 1024, 128>}, {pipeline_mode = #tpu.pipeline_mode<synchronous>, transform_indices = @transform_4, window_bounds = array<i64: 128, 128>}, {pipeline_mode = #tpu.pipeline_mode<synchronous>, transform_indices = @transform_5, window_bounds = array<i64: 128, 128>}, {pipeline_mode = #tpu.pipeline_mode<synchronous>, transform_indices = @transform_6, window_bounds = array<i64: 1, 128>}, {pipeline_mode = #tpu.pipeline_mode<synchronous>, transform_indices = @transform_7, window_bounds = array<i64: 1, 128>}, {transform_indices = @transform_8, window_bounds = array<i64: 1024, 128>}]} {
    %get3A = arith.constant 0 : index
    %get3A_0 = arith.constant 0 : index
    %get3A_1 = arith.constant 0 : index
    %get3A_2 = vector.load %arg2[%get3A, %get3A_0, %get3A_1] : memref<2x1024x1xf32, #tpu.memory_space<vmem>>, vector<1x1024x1xf32>
    %get3A_3 = vector.shape_cast %get3A_2 : vector<1x1024x1xf32> to vector<1024x1xf32>
    %get3A_4 = arith.constant 1 : index
    %get3A_5 = arith.constant 0 : index
    %get3A_6 = arith.constant 0 : index
    %get3A_7 = vector.load %arg2[%get3A_4, %get3A_5, %get3A_6] : memref<2x1024x1xf32, #tpu.memory_space<vmem>>, vector<1x1024x1xf32>
    %get3A_8 = vector.shape_cast %get3A_7 : vector<1x1024x1xf32> to vector<1024x1xf32>
    %add3A = arith.addf %get3A_3, %get3A_8 : vector<1024x1xf32>
    %max3A = arith.constant 1.000000e+00 : f32
    %max3A_9 = vector.broadcast %max3A : f32 to vector<1024x1xf32>
    %max3A_10 = arith.maximumf %add3A, %max3A_9 : vector<1024x1xf32>
    %rsqrt3A = math.rsqrt %max3A_10 : vector<1024x1xf32>
    %div3A = arith.constant 1.000000e+00 : f32
    %div3A_11 = vector.broadcast %div3A : f32 to vector<1024x1xf32>
    %div3A_12 = arith.divf %div3A_11, %max3A_10 : vector<1024x1xf32>
    %get3A_13 = arith.constant 0 : index
    %get3A_14 = arith.constant 0 : index
    %get3A_15 = arith.constant 0 : index
    %get3A_16 = vector.load %arg1[%get3A_13, %get3A_14, %get3A_15] : memref<2x1024x64xf32, #tpu.memory_space<vmem>>, vector<1x1024x64xf32>
    %get3A_17 = vector.shape_cast %get3A_16 : vector<1x1024x64xf32> to vector<1024x64xf32>
    %get3A_18 = arith.constant 1 : index
    %get3A_19 = arith.constant 0 : index
    %get3A_20 = arith.constant 0 : index
    %get3A_21 = vector.load %arg1[%get3A_18, %get3A_19, %get3A_20] : memref<2x1024x64xf32, #tpu.memory_space<vmem>>, vector<1x1024x64xf32>
    %get3A_22 = vector.shape_cast %get3A_21 : vector<1x1024x64xf32> to vector<1024x64xf32>
    %concatenate3A = tpu.concatenate %get3A_17, %get3A_22 in 1 : vector<1024x64xf32>, vector<1024x64xf32> -> vector<1024x128xf32>
    %mul3A = vector.broadcast %rsqrt3A : vector<1024x1xf32> to vector<1024x128xf32>
    %mul3A_23 = arith.mulf %concatenate3A, %mul3A : vector<1024x128xf32>
    %get3A_24 = arith.constant 0 : index
    %get3A_25 = arith.constant 0 : index
    %get3A_26 = vector.load %arg7[%get3A_24, %get3A_25] : memref<1x128xf32, #tpu.memory_space<vmem>>, vector<1x128xf32>
    %add3A_27 = vector.broadcast %get3A_26 : vector<1x128xf32> to vector<1024x128xf32>
    %add3A_28 = arith.addf %mul3A_23, %add3A_27 : vector<1024x128xf32>
    %get3A_29 = arith.constant 0 : index
    %get3A_30 = arith.constant 0 : index
    %get3A_31 = vector.load %arg3[%get3A_29, %get3A_30] : memref<1024x128xf32, #tpu.memory_space<vmem>>, vector<1024x128xf32>
    %get3A_32 = arith.constant 0 : index
    %get3A_33 = arith.constant 0 : index
    %get3A_34 = vector.load %arg5[%get3A_32, %get3A_33] : memref<128x128xf32, #tpu.memory_space<vmem>>, vector<128x128xf32>
    %dot_general3A = arith.constant dense<0.000000e+00> : vector<1024x128xf32>
    %dot_general3A_35 = tpu.matmul %get3A_31, %get3A_34, %dot_general3A {dimension_numbers = #tpu.dot_dimension_numbers<[1], [0], [0], [1], [0, 0, 1, 1], [], []>, transpose_lhs_hint = false} : vector<1024x128xf32>, vector<128x128xf32>, vector<1024x128xf32> -> vector<1024x128xf32>
    %get3A_36 = arith.constant 0 : index
    %get3A_37 = arith.constant 0 : index
    %get3A_38 = vector.load %arg4[%get3A_36, %get3A_37] : memref<1024x128xf32, #tpu.memory_space<vmem>>, vector<1024x128xf32>
    %get3A_39 = arith.constant 0 : index
    %get3A_40 = arith.constant 0 : index
    %get3A_41 = vector.load %arg6[%get3A_39, %get3A_40] : memref<128x128xf32, #tpu.memory_space<vmem>>, vector<128x128xf32>
    %dot_general3A_42 = arith.constant dense<0.000000e+00> : vector<1024x128xf32>
    %dot_general3A_43 = tpu.matmul %get3A_38, %get3A_41, %dot_general3A_42 {dimension_numbers = #tpu.dot_dimension_numbers<[1], [0], [0], [1], [0, 0, 1, 1], [], []>, transpose_lhs_hint = false} : vector<1024x128xf32>, vector<128x128xf32>, vector<1024x128xf32> -> vector<1024x128xf32>
    %add3A_44 = arith.addf %dot_general3A_35, %dot_general3A_43 : vector<1024x128xf32>
    %get3A_45 = arith.constant 0 : index
    %get3A_46 = arith.constant 0 : index
    %get3A_47 = vector.load %arg8[%get3A_45, %get3A_46] : memref<1x128xf32, #tpu.memory_space<vmem>>, vector<1x128xf32>
    %add3A_48 = vector.broadcast %get3A_47 : vector<1x128xf32> to vector<1024x128xf32>
    %add3A_49 = arith.addf %add3A_44, %add3A_48 : vector<1024x128xf32>
    %mul3A_50 = vector.broadcast %div3A_12 : vector<1024x1xf32> to vector<1024x128xf32>
    %mul3A_51 = arith.mulf %mul3A_50, %add3A_49 : vector<1024x128xf32>
    %add3A_52 = arith.addf %add3A_28, %mul3A_51 : vector<1024x128xf32>
    %swap3A = arith.constant 0 : index
    %swap3A_53 = arith.constant 0 : index
    %swap3A_54 = vector.load %arg9[%swap3A, %swap3A_53] : memref<1024x128xf32, #tpu.memory_space<vmem>>, vector<1024x128xf32>
    tpu.vector_store %arg9[%swap3A, %swap3A_53], %add3A_52 {strides = array<i32>} : memref<1024x128xf32, #tpu.memory_space<vmem>>, vector<1024x128xf32>,
    return
  }
  func.func @transform_0(%arg0: i32) -> (i32, i32, i32) {
    %c0_i32 = arith.constant 0 : i32
    %c0_i32_0 = arith.constant 0 : i32
    %c0_i32_1 = arith.constant 0 : i32
    return %c0_i32, %arg0, %c0_i32_0 : i32, i32, i32
  }
  func.func @transform_1(%arg0: i32) -> (i32, i32, i32) {
    %c0_i32 = arith.constant 0 : i32
    %c0_i32_0 = arith.constant 0 : i32
    %c0_i32_1 = arith.constant 0 : i32
    return %c0_i32, %arg0, %c0_i32_0 : i32, i32, i32
  }
  func.func @transform_2(%arg0: i32) -> (i32, i32) {
    %c0_i32 = arith.constant 0 : i32
    %c0_i32_0 = arith.constant 0 : i32
    return %arg0, %c0_i32 : i32, i32
  }
  func.func @transform_3(%arg0: i32) -> (i32, i32) {
    %c0_i32 = arith.constant 0 : i32
    %c0_i32_0 = arith.constant 0 : i32
    return %arg0, %c0_i32 : i32, i32
  }
  func.func @transform_4(%arg0: i32) -> (i32, i32) {
    %c0_i32 = arith.constant 0 : i32
    %c0_i32_0 = arith.constant 0 : i32
    %c0_i32_1 = arith.constant 0 : i32
    return %c0_i32, %c0_i32_0 : i32, i32
  }
  func.func @transform_5(%arg0: i32) -> (i32, i32) {
    %c0_i32 = arith.constant 0 : i32
    %c0_i32_0 = arith.constant 0 : i32
    %c0_i32_1 = arith.constant 0 : i32
    return %c0_i32, %c0_i32_0 : i32, i32
  }
  func.func @transform_6(%arg0: i32) -> (i32, i32) {
    %c0_i32 = arith.constant 0 : i32
    %c0_i32_0 = arith.constant 0 : i32
    %c0_i32_1 = arith.constant 0 : i32
    return %c0_i32, %c0_i32_0 : i32, i32
  }
  func.func @transform_7(%arg0: i32) -> (i32, i32) {
    %c0_i32 = arith.constant 0 : i32
    %c0_i32_0 = arith.constant 0 : i32
    %c0_i32_1 = arith.constant 0 : i32
    return %c0_i32, %c0_i32_0 : i32, i32
  }
  func.func @transform_8(%arg0: i32) -> (i32, i32) {
    %c0_i32 = arith.constant 0 : i32
    %c0_i32_0 = arith.constant 0 : i32
    return %arg0, %c0_i32 : i32, i32
  }
}

</mosaic_0001>

<sc_bundles>
// kernel: kernel.11.cloned.1.call-start
scs
__scs_entry_jumppad:
0x0: {  	(pc) =	sbr.rel $0x88, $3  }
0x1: {  	(tag) =	ssettag $0x0;
	lr =	simm.s32 $0x1  }
0x2: {  	[smem:$0x3F97] =	sst lr;
	_ =	strace $0xD0000000  }
0x3: {  	_ = 	snop  }
0x4: {  	_ = 	snop  }
0x5: {  	_ = 	snop  }
0x6: {  	_ = 	snop  }
0x7: {  	_ = 	snop  }
__scs_overlays_trampoline_lowered:
0x8: {  	[smem:$0x3FA6] =	sst s0  }
0x9: {  	[smem:$0x3FA7] =	sst s1  }
0xa: {  	[smem:$0x3FA8] =	sst s2  }
0xb: {  	[smem:$0x3FA9] =	sst s3  }
0xc: {  	[smem:$0x3FAA] =	sst s4  }
0xd: {  	[smem:$0x3FAB] =	sst s5  }
0xe: {  	[smem:$0x3FAC] =	sst s6  }
0xf: {  	[smem:$0x3FAD] =	sst s7  }
0x10: {  	[smem:$0x3FAE] =	sst s8  }
0x11: {  	[smem:$0x3FAF] =	sst s9;
	s0 =	simm.s32 @!p0 $0x0  }
0x12: {  	s1 =	sld [smem:$0x3F95];
	s0 =	simm.s32 @p0 $0x1  }
0x13: {  	[smem:$0x3FB0] =	sst s0;
	s0 =	simm.s32 @!p1 $0x0  }
0x14: {  	s2 =	sld [smem:$0x3F94];
	s0 =	simm.s32 @p1 $0x1  }
0x15: {  	[smem:$0x3FB1] =	sst s0;
	s0 =	simm.s32 @!p2 $0x0  }
0x16: {  	s3 =	sld [smem:$0x3FDB];
	s0 =	simm.s32 @p2 $0x1  }
0x17: {  	s4 =	simm.s32 $0x1BF5;
	[smem:$0x3FB3] =	sst s0  }
0x18: {  	s0 =	sld [smem:$0x3F96];
	_ =	swait.ge [sflag:s4], $0x0  }
0x19: {  	s7 =	sld [smem:$0x3F97]  }
0x1a: {  	s8 =	sadd.s32 $0xFFFFE003, lr  }
0x1b: {  	s9 =	sadd.s32 $0xFFFFFEF7, lr;
	s5 =	simm.s32 $0xFFFFFFFF;
	p2 =	slt.u32 s8, $0xFFFFF086  }
0x1c: {  	p1 =	slt.u32 s9, $0xF7A;
	s5 =	simm.s32 @!p2 $0x0  }
0x1d: {  	s5 =	simm.s32 @p1 $0x1;
	p0 =	seq.s32 s7, s2  }
0x1e: {  	s7 =	smul.u32 @!p0 $0xF7A, s2;
	p2 =	seq.s32 @!p0 s5, $0x0  }
0x1f: {  	s9 =	smul.u32 $0xF7A, s1;
	s8 =	simm.s32 @!p0 $0x1BF5;
	p2 =	por !p2, p0  }
0x20: {  	[sflag:s8] =	ssyncset.s32 @!p0 $0xFFFFF086;
	s6 =	sadd.s32 @!p0 s3, s7;
	s7 =	simm.s32 @!p0 $0x108  }
0x21: {  	s3 =	sadd.s32 s3, s9;
	s6 =	sadd.s32 @!p0 $0x88, s6;
	s7 =	simm.s32 @p2 $0x1082  }
0x22: {  	[simem:s7], [sflag:s8] =	dma.local @!p0 [hbm:s6], $0xF7A  }
0x23: {  	s9 =	sor.u32 $0xD0000000, s2;
	s6 =	simm.s32 $0x108;
	_ =	swait.ge @!p0 [sflag:s8], $0x0  }
0x24: {  	s3 =	sadd.s32 $0x88, s3;
	s6 =	simm.s32 @!p1 $0x1082;
	[sflag:s4] =	ssyncset.s32 $0xFFFFF086  }
0x25: {  	[simem:s6], [sflag:s4] =	dma.local [hbm:s3], $0xF7A  }
0x26: {  	[smem:$0x3F97] =	sst s1;
	(tag) =	ssettag s2;
	_ =	strace s9  }
0x27: {  	s1 =	sld [smem:$0x3FA7]  }
0x28: {  	s2 =	sld [smem:$0x3FA8]  }
0x29: {  	s4 =	sld [smem:$0x3FAA]  }
0x2a: {  	p0 =	seq.s32 s5, $0x0;
	s5 =	sld [smem:$0x3FAB]  }
0x2b: {  	s6 =	sld [smem:$0x3FAC]  }
0x2c: {  	s7 =	sld [smem:$0x3FAD]  }
0x2d: {  	s3 =	simm.s32 $0x108;
	s8 =	sld [smem:$0x3FAE]  }
0x2e: {  	s3 =	simm.s32 @!p0 $0x1082;
	s9 =	sld [smem:$0x3FAF]  }
0x2f: {  	lr =	sadd.s32 s0, s3;
	s0 =	sld [smem:$0x3FA6]  }
0x30: {  	s3 =	sld [smem:$0x3FA9]  }
0x31: {  	[smem:$0x3FB2] =	sst s10  }
0x32: {  	s10 =	sld [smem:$0x3FB0];
	_ =	sdelay $0x3  }
0x33: {  	p0 =	seq.s32 s10, $0x1;
	s10 =	sld [smem:$0x3FB2];
	_ =	sdelay $0x3  }
0x34: {  	[smem:$0x3FB2] =	sst s10  }
0x35: {  	s10 =	sld [smem:$0x3FB1];
	_ =	sdelay $0x3  }
0x36: {  	p1 =	seq.s32 s10, $0x1;
	s10 =	sld [smem:$0x3FB2];
	_ =	sdelay $0x3  }
0x37: {  	[smem:$0x3FB2] =	sst s10  }
0x38: {  	s10 =	sld [smem:$0x3FB3]  }
0x39: {  	_ = 	snop;
	(pc) =	sbr.ind lr, $3  }
0x3a: {  	_ = 	snop  }
0x3b: {  	_ = 	snop  }
0x3c: {  	p2 =	seq.s32 s10, $0x1;
	s10 =	sld [smem:$0x3FB2]  }
0x3d: {  	_ =	shalt  }
0x3e: {  	_ =	shalt  }
0x3f: {  	_ =	shalt  }
0x40: {  	_ =	shalt  }
0x41: {  	_ =	shalt  }
0x42: {  	_ =	shalt  }
0x43: {  	_ =	shalt  }
0x44: {  	_ =	shalt  }
0x45: {  	_ =	shalt  }
0x46: {  	_ =	shalt  }
0x47: {  	_ =	shalt  }
0x48: {  	_ =	shalt  }
0x49: {  	_ =	shalt  }
0x4a: {  	_ =	shalt  }
0x4b: {  	_ =	shalt  }
0x4c: {  	_ =	shalt  }
0x4d: {  	_ =	shalt  }
0x4e: {  	_ =	shalt  }
0x4f: {  	_ =	shalt  }
0x50: {  	_ =	shalt  }
0x51: {  	_ =	shalt  }
0x52: {  	_ =	shalt  }
0x53: {  	_ =	shalt  }
0x54: {  	_ =	shalt  }
0x55: {  	_ =	shalt  }
0x56: {  	_ =	shalt  }
0x57: {  	_ =	shalt  }
0x58: {  	_ =	shalt  }
0x59: {  	_ =	shalt  }
0x5a: {  	_ =	shalt  }
0x5b: {  	_ =	shalt  }
0x5c: {  	_ =	shalt  }
0x5d: {  	_ =	shalt  }
0x5e: {  	_ =	shalt  }
0x5f: {  	_ =	shalt  }
0x60: {  	_ =	shalt  }
0x61: {  	_ =	shalt  }
0x62: {  	_ =	shalt  }
0x63: {  	_ =	shalt  }
0x64: {  	_ =	shalt  }
0x65: {  	_ =	shalt  }
0x66: {  	_ =	shalt  }
0x67: {  	_ =	shalt  }
0x68: {  	_ =	shalt  }
0x69: {  	_ =	shalt  }
0x6a: {  	_ =	shalt  }
0x6b: {  	_ =	shalt  }
0x6c: {  	_ =	shalt  }
0x6d: {  	_ =	shalt  }
0x6e: {  	_ =	shalt  }
0x6f: {  	_ =	shalt  }
0x70: {  	_ =	shalt  }
0x71: {  	_ =	shalt  }
0x72: {  	_ =	shalt  }
0x73: {  	_ =	shalt  }
0x74: {  	_ =	shalt  }
0x75: {  	_ =	shalt  }
0x76: {  	_ =	shalt  }
0x77: {  	_ =	shalt  }
0x78: {  	_ =	shalt  }
0x79: {  	_ =	shalt  }
0x7a: {  	_ =	shalt  }
0x7b: {  	_ =	shalt  }
0x7c: {  	_ =	shalt  }
0x7d: {  	_ =	shalt  }
0x7e: {  	_ =	shalt  }
0x7f: {  	_ =	shalt  }
0x80: {  	_ =	shalt  }
0x81: {  	_ =	shalt  }
0x82: {  	_ =	shalt  }
0x83: {  	_ =	shalt  }
0x84: {  	_ =	shalt  }
0x85: {  	_ =	shalt  }
0x86: {  	_ =	shalt  }
0x87: {  	_ =	shalt  }
.Lfunc_end0:
.L_simem_size_0:
called_computation.1_lowered:
.L_overlay_start_0:
0x88: {  	s2 =	sld [smem:$0x3FD9]  }
0x89: {  	s3 =	sld [smem:$0x3FFE];
	_ =	sdelay $0x1  }
0x8a: {  	s1 =	srdreg.scid  }
0x8b: {  	s0 =	sand.u32 $0x1, s1  }
0x8c: {  	s17 =	sshll.u32 s0, $0xA;
	s2 =	sadd.s32 s3, s2  }
0x8d: {  	s2 =	sadd.s32 s2, s17  }
0x8e: {  	[smem:$0x3FBE] =	sst s2  }
0x8f: {  	_ = 	snop  }
0x90: {  	s2 =	sld [smem:$0x3FD0];
	(tm) =	ssettm $0x1  }
0x91: {  	s18 =	sld [smem:$0x3FFB];
	_ =	sdelay $0x3  }
0x92: {  	_ =	strace s18  }
0x93: {  	s3 =	sld [smem:$0x3FFC];
	_ =	sdelay $0x3  }
0x94: {  	_ =	strace s3  }
0x95: {  	s3 =	sld [smem:$0x3FFD];
	_ =	sdelay $0x3  }
0x96: {  	_ =	strace s3  }
0x97: {  	_ =	strace $0x8FFFFFFF  }
0x98: {  	s19 =	sld [smem:$0x3FDB];
	_ =	sdelay $0x1  }
0x99: {  	s4 =	simm.s32 $_scs_section_size  }
0x9a: {  	s5 =	simm.s32 $_size__tile_overlayer_lowered;
	s6 =	simm.s32 $_tile_overlayer_lowered  }
0x9b: {  	s22 =	simm.s32 $0x1BFF;
	s21 =	sshll.u32 s6, $0x1;
	s3 =	sadd.s32 s4, s19  }
0x9c: {  	s7 =	simm.s32 $0x0;
	s20 =	sshll.u32 s5, $0x1;
	s5 =	sadd.s32 s21, s3  }
0x9d: {  	[timem:s7], [sflag:s22] =	dma.local [hbm:s5], s20  }
0x9e: {  	_ =	swait.ge [sflag:s22], s20  }
0x9f: {  	s4 =	ssub.s32 $0x0, s20;
	[sflag:s22] =	ssyncset.done $0x0  }
0xa0: {  	[sflag:s22] =	ssyncadd.s32 s4;
	_ =	sdelay $0x1  }
0xa1: {  	s23 =	simm.s32 $0x1B8B  }
0xa2: {  	_ =	swait.ge [sflag:s23], $0x1  }
0xa3: {  	[sflag:s23] =	ssyncset.done $0x0  }
0xa4: {  	s25 =	simm.s32 $0x1B8E;
	s24 =	sld [smem:$0x3FFE];
	[sflag:s23] =	ssyncadd.s32 $0xFFFFFFFF  }
0xa5: {  	s26 =	simm.s32 $execute0_lowered;
	[smem:$0x3FD2] =	sst s25  }
0xa6: {  	s5 =	sshll.u32 s26, $0x1;
	_ =	strace $0x80000049;
	[dreg:$0x1] =	wrdreg $0xFFFFFFFF  }
0xa7: {  	s28 =	simm.s32 $_size_execute0_lowered;
	s3 =	sadd.s32 s3, s5;
	[dreg:$0x0] =	wrdreg $0x0  }
0xa8: {  	s5 =	sshll.u32 s28, $0x1;
	[dreg:$0x2] =	wrdreg s3  }
0xa9: {  	[dreg:$0x3] =	wrdreg s5  }
0xaa: {  	[dreg:$0x4] =	wrdreg $0xC0  }
0xab: {  	_ =	task [dreg:s7], $0x5FFFF  }
0xac: {  	[dreg:$0x1] =	wrdreg $0xFFFFFFFF  }
0xad: {  	[dreg:$0x0] =	wrdreg $0x60  }
0xae: {  	[dreg:$0x2] =	wrdreg s24  }
0xaf: {  	[dreg:$0x3] =	wrdreg s2  }
0xb0: {  	[dreg:$0x4] =	wrdreg $0x140000  }
0xb1: {  	[dreg:$0x5] =	wrdreg $0x9  }
0xb2: {  	_ =	task.clear_ibuf [dreg:s7], $0x6FFFF;
	_ =	strace $0x90000049  }
0xb3: {  	s29 =	simm.s32 $0x9;
	_ =	strace $0x8000004B  }
0xb4: {  	_ =	swait.ge [sflag:s29], $0x1  }
0xb5: {  	[sflag:s29] =	ssyncadd.s32 $0xFFFFFFFF  }
0xb6: {  	_ =	strace $0x9000004B  }
0xb7: {  	_ =	sfence  }
0xb8: {  	s30 =	sld [smem:$0x0];
	_ =	sdelay $0x2  }
0xb9: {  	s31 =	sshll.u32 s1, $0xD;
	s1 =	sshrl.u32 s1, $0x2  }
0xba: {  	s3 =	sand.u32 $0x4000, s31;
	s1 =	sadd.s32 s1, s30  }
0xbb: {  	s0 =	sor.u32 s3, s0;
	s1 =	sshll.u32 s1, $0x11  }
0xbc: {  	s0 =	sor.u32 s1, s0  }
0xbd: {  	s0 =	sadd.s32 $0x8F2B, s0  }
0xbe: {  	[sflag:s0] =	ssyncadd.remote.s32 $0x1  }
0xbf: {  	_ =	sfence.sel $0xFFFF  }
0xc0: {  	[dreg:$0x0] =	wrdreg $0xFFFFFFFF;
	(pc) =	sbr.abs _section_cstart, $3  }
0xc1: {  	[dreg:$0x1] =	wrdreg $0xFFFFFFFF  }
0xc2: {  	_ =	task.clear_ibuf [dreg:s7], $0x2FFFF;
	_ =	strace $0x9FFFFFFF  }
0xc3: {  	(tm) =	ssettm $0x7FFFFFFF  }
tec
execute0_lowered:
.L_overlay_start_1:
0x0: {  	(tag) =	ssettag $0x1  }
0x1: {  	s0 =	rddreg [dreg:$0x0]  }
0x2: {  	s1 =	rddreg [dreg:$0x1]  }
0x3: {  	s2 =	rddreg [dreg:$0x2];
	s9 =	stileid.u32  }
0x4: {  	s5 =	srdreg.scid;
	s3 =	simm.s32 $0x0;
	s16 =	simm.s32 $0xA000  }
0x5: {  	s17 =	simm.s32 $0xB;
	s18 =	simm.s32 $0x1;
	s19 =	simm.s32 $0x2  }
0x6: {  	s20 =	simm.s32 $0x80;
	s21 =	simm.s32 $0xC000;
	s28 =	simm.s32 $0x12000  }
0x7: {  	s29 =	simm.s32 $0x3;
	s30 =	simm.s32 $0x4;
	s4 =	smul.u32 $0xA00, s9  }
0x8: {  	s31 =	simm.s32 $0x5;
	s15 =	simm.s32 $0x8;
	s7 =	smul.u32 $0xA000, s9  }
0x9: {  	s22 =	simm.s32 $0x9;
	s5 =	sand.u32 $0x1, s5;
	s9 =	smul.u32 $0x28000, s9  }
0xa: {  	[smem:$0x7FF] =	sst s3;
	s10 =	sadd.s32 $0x2400, s0;
	s6 =	smul.u32 $0xA0000, s5  }
0xb: {  	_ =	strace $0x8000004A;
	s8 =	ssub.s32 $0x2, s5;
	[dreg:$0x4] =	wrdreg s10  }
0xc: {  	s5 =	smul.u32 $0x13880, s5;
	s4 =	sadd.s32 s4, s0;
	s23 =	sshrl.u32 s8, $0x1  }
0xd: {  	s24 =	sshrl.u32 s9, $0x2;
	s6 =	sadd.s32 s7, s6;
	s14 =	ssub.s32 s8, s23  }
0xe: {  	s25 =	sadd.s32 $0x3A00, s4;
	s4 =	sadd.s32 $0xDA00, s4;
	s26 =	sadd.s32 s24, s2  }
0xf: {  	s7 =	sadd.s32 s7, s2;
	s12 =	sadd.s32 s1, s5;
	s23 =	simm.s32 $0xE000  }
0x10: {  	s1 =	simm.s32 $0x7;
	s24 =	simm.s32 $0xA;
	[dreg:$0x5] =	wrdreg s25  }
0x11: {  	s6 =	sshrl.u32 s6, $0x3;
	[dreg:$0x6] =	wrdreg s4;
	s8 =	sadd.s32 $0x2000, s26  }
0x12: {  	s9 =	sadd.s32 $0x4000, s26;
	s10 =	sadd.s32 $0x6000, s26;
	s11 =	sadd.s32 $0x8000, s26  }
0x13: {  	s14 =	smax.u32 s14, $0x1;
	s25 =	simm.s32 $0x10000;
	s0 =	sadd.s32 s6, s0  }
0x14: {  	s26 =	simm.s32 $0x0;
	s13 =	sadd.s32 $0x67A00, s0;
	s0 =	simm.s32 $0x6  }
.LBB2_1:
0x15: {  	s4 =	rddreg [dreg:$0x5]  }
0x16: {  	[tilespmem:s3], [sflag:$0x1] =	stream.linear.gather [hbm4b:s4+s3], $0x5000, $0x38;
	[tilespmem:$0x1E000] =	vst v63  }
0x17: {  	s6 =	rddreg [dreg:$0x6];
	s5 =	simm.s32 $0x5000  }
0x18: {  	[tilespmem:s5], [sflag:$0x2] =	stream.linear.gather [hbm4b:s6+s3], $0x5000, $0x38;
	[tilespmem:$0x1E000] =	vst v63  }
0x19: {  	s6 =	rddreg [dreg:$0x4]  }
0x1a: {  	[tilespmem:s16], [sflag:$0xB] =	stream.linear.gather [hbm4b:s6+s3], $0x2000, $0x38;
	[tilespmem:$0x1E000] =	vst v63  }
0x1b: {  	_ =	swait.ge [sflag:s17], $0x2000  }
0x1c: {  	[sflag:s17] =	ssyncset.done $0x0  }
0x1d: {  	[sflag:s17] =	ssyncadd.s32 $0xFFFFE000  }
0x1e: {  	[spmem:s7] =	stream.linear.scatter [tilespmem:s16], [sflag:$0xB], $0x2000, $0x38;
	[tilespmem:$0x1E000] =	vst v63  }
0x1f: {  	_ =	swait.ge [sflag:s17], $0x2000  }
0x20: {  	[sflag:s17] =	ssyncset.done $0x0  }
0x21: {  	[sflag:s17] =	ssyncadd.s32 $0xFFFFE000  }
0x22: {  	[spmem:s8] =	stream.linear.scatter [tilespmem:s16], [sflag:$0xB], $0x2000, $0x38;
	[tilespmem:$0x1E000] =	vst v63  }
0x23: {  	_ =	swait.ge [sflag:s17], $0x2000  }
0x24: {  	[sflag:s17] =	ssyncset.done $0x0  }
0x25: {  	[sflag:s17] =	ssyncadd.s32 $0xFFFFE000  }
0x26: {  	[spmem:s9] =	stream.linear.scatter [tilespmem:s16], [sflag:$0xB], $0x2000, $0x38;
	[tilespmem:$0x1E000] =	vst v63  }
0x27: {  	_ =	swait.ge [sflag:s17], $0x2000  }
0x28: {  	[sflag:s17] =	ssyncset.done $0x0  }
0x29: {  	[sflag:s17] =	ssyncadd.s32 $0xFFFFE000  }
0x2a: {  	[spmem:s10] =	stream.linear.scatter [tilespmem:s16], [sflag:$0xB], $0x2000, $0x38;
	[tilespmem:$0x1E000] =	vst v63  }
0x2b: {  	_ =	swait.ge [sflag:s17], $0x2000  }
0x2c: {  	[sflag:s17] =	ssyncset.done $0x0  }
0x2d: {  	[sflag:s17] =	ssyncadd.s32 $0xFFFFE000  }
0x2e: {  	[spmem:s11] =	stream.linear.scatter [tilespmem:s16], [sflag:$0xB], $0x2000, $0x38;
	[tilespmem:$0x1E000] =	vst v63  }
0x2f: {  	_ =	swait.ge [sflag:s17], $0x2000  }
0x30: {  	[sflag:s17] =	ssyncset.done $0x0  }
0x31: {  	[sflag:s17] =	ssyncadd.s32 $0xFFFFE000  }
0x32: {  	_ =	swait.ge [sflag:s18], $0x5000  }
0x33: {  	[sflag:s18] =	ssyncset.done $0x0  }
0x34: {  	[sflag:s18] =	ssyncadd.s32 $0xFFFFB000  }
0x35: {  	_ =	swait.ge [sflag:s19], $0x5000  }
0x36: {  	[sflag:s19] =	ssyncset.done $0x0  }
0x37: {  	[sflag:s19] =	ssyncadd.s32 $0xFFFFB000  }
0x38: {  	[bflag:$0x0] =	sbarrier.arrive $0xFFFF  }
0x39: {  	[tilespmem:s16], [sflag:$0x1] =	stream.indirect.gather [hbm4b:s12+s20], $0x40, s3, s20, $0xb8;
	[tilespmem:$0x1E000] =	vst v63  }
0x3a: {  	_ = 	snop  }
0x3b: {  	[tilespmem:s21], [sflag:$0x2] =	stream.indirect.gather [hbm4b:s12+s20], $0x40, s20, s20, $0xb8;
	[tilespmem:$0x1E000] =	vst v63  }
0x3c: {  	s5 =	simm.s32 $0x100  }
0x3d: {  	[tilespmem:s23], [sflag:$0x3] =	stream.indirect.gather [hbm4b:s12+s20], $0x40, s5, s20, $0xb8;
	[tilespmem:$0x1E000] =	vst v63  }
0x3e: {  	s6 =	simm.s32 $0x180  }
0x3f: {  	[tilespmem:s25], [sflag:$0x4] =	stream.indirect.gather [hbm4b:s12+s20], $0x40, s6, s20, $0xb8;
	[tilespmem:$0x1E000] =	vst v63  }
0x40: {  	s5 =	simm.s32 $0x200  }
0x41: {  	[tilespmem:s28], [sflag:$0x5] =	stream.indirect.gather [hbm4b:s12+s20], $0x40, s5, s20, $0xb8;
	[tilespmem:$0x1E000] =	vst v63  }
0x42: {  	_ =	swait.ge [sflag:s18], $0x2000  }
0x43: {  	[sflag:s18] =	ssyncset.done $0x0  }
0x44: {  	s6 =	simm.s32 $0x5000;
	[sflag:s18] =	ssyncadd.s32 $0xFFFFE000  }
0x45: {  	[spmem:s2] =	stream.indirect.scatter.add.f32 [tilespmem:s16], [sflag:$0x6], $0x40, s6, s20, $0xb8;
	[tilespmem:$0x1E000] =	vst v63  }
0x46: {  	_ =	swait.ge [sflag:s19], $0x2000  }
0x47: {  	[sflag:s19] =	ssyncset.done $0x0  }
0x48: {  	s5 =	simm.s32 $0x5080;
	[sflag:s19] =	ssyncadd.s32 $0xFFFFE000  }
0x49: {  	[spmem:s2] =	stream.indirect.scatter.add.f32 [tilespmem:s21], [sflag:$0x7], $0x40, s5, s20, $0xb8;
	[tilespmem:$0x1E000] =	vst v63  }
0x4a: {  	_ =	swait.ge [sflag:s29], $0x2000  }
0x4b: {  	[sflag:s29] =	ssyncset.done $0x0  }
0x4c: {  	s6 =	simm.s32 $0x5100;
	[sflag:s29] =	ssyncadd.s32 $0xFFFFE000  }
0x4d: {  	[spmem:s2] =	stream.indirect.scatter.add.f32 [tilespmem:s23], [sflag:$0x8], $0x40, s6, s20, $0xb8;
	[tilespmem:$0x1E000] =	vst v63  }
0x4e: {  	_ =	swait.ge [sflag:s30], $0x2000  }
0x4f: {  	[sflag:s30] =	ssyncset.done $0x0  }
0x50: {  	s5 =	simm.s32 $0x5180;
	[sflag:s30] =	ssyncadd.s32 $0xFFFFE000  }
0x51: {  	[spmem:s2] =	stream.indirect.scatter.add.f32 [tilespmem:s25], [sflag:$0x9], $0x40, s5, s20, $0xb8;
	[tilespmem:$0x1E000] =	vst v63  }
0x52: {  	_ =	swait.ge [sflag:s31], $0x2000  }
0x53: {  	[sflag:s31] =	ssyncset.done $0x0  }
0x54: {  	s6 =	simm.s32 $0x5200;
	[sflag:s31] =	ssyncadd.s32 $0xFFFFE000  }
0x55: {  	[spmem:s2] =	stream.indirect.scatter.add.f32 [tilespmem:s28], [sflag:$0xA], $0x40, s6, s20, $0xb8;
	[tilespmem:$0x1E000] =	vst v63  }
0x56: {  	_ =	swait.ge [sflag:s0], $0x2000  }
0x57: {  	[sflag:s0] =	ssyncset.done $0x0  }
0x58: {  	s5 =	simm.s32 $0x280;
	[sflag:s0] =	ssyncadd.s32 $0xFFFFE000  }
0x59: {  	[tilespmem:s16], [sflag:$0x1] =	stream.indirect.gather [hbm4b:s12+s20], $0x40, s5, s20, $0xb8;
	[tilespmem:$0x1E000] =	vst v63  }
0x5a: {  	_ =	swait.ge [sflag:s1], $0x2000  }
0x5b: {  	[sflag:s1] =	ssyncset.done $0x0  }
0x5c: {  	s6 =	simm.s32 $0x300;
	[sflag:s1] =	ssyncadd.s32 $0xFFFFE000  }
0x5d: {  	[tilespmem:s21], [sflag:$0x2] =	stream.indirect.gather [hbm4b:s12+s20], $0x40, s6, s20, $0xb8;
	[tilespmem:$0x1E000] =	vst v63  }
0x5e: {  	_ =	swait.ge [sflag:s15], $0x2000  }
0x5f: {  	[sflag:s15] =	ssyncset.done $0x0  }
0x60: {  	s5 =	simm.s32 $0x380;
	[sflag:s15] =	ssyncadd.s32 $0xFFFFE000  }
0x61: {  	[tilespmem:s23], [sflag:$0x3] =	stream.indirect.gather [hbm4b:s12+s20], $0x40, s5, s20, $0xb8;
	[tilespmem:$0x1E000] =	vst v63  }
0x62: {  	_ =	swait.ge [sflag:s22], $0x2000  }
0x63: {  	[sflag:s22] =	ssyncset.done $0x0  }
0x64: {  	s6 =	simm.s32 $0x400;
	[sflag:s22] =	ssyncadd.s32 $0xFFFFE000  }
0x65: {  	[tilespmem:s25], [sflag:$0x4] =	stream.indirect.gather [hbm4b:s12+s20], $0x40, s6, s20, $0xb8;
	[tilespmem:$0x1E000] =	vst v63  }
0x66: {  	_ =	swait.ge [sflag:s24], $0x2000  }
0x67: {  	[sflag:s24] =	ssyncset.done $0x0  }
0x68: {  	s4 =	simm.s32 $0xA00;
	s5 =	simm.s32 $0x480;
	[sflag:s24] =	ssyncadd.s32 $0xFFFFE000  }
.LBB2_2:
0x69: {  	[tilespmem:s28], [sflag:$0x5] =	stream.indirect.gather [hbm4b:s12+s20], $0x40, s5, s20, $0xb8;
	[tilespmem:$0x1E000] =	vst v63  }
0x6a: {  	s5 =	smov.u32 s4  }
0x6b: {  	p0 =	sne.s32 s4, $0x12C00;
	s4 =	sadd.s32 $0xA00, s4;
	_ =	swait.ge [sflag:s18], $0x2000  }
0x6c: {  	s5 =	sshra.s32 s5, $0x2;
	[sflag:s18] =	ssyncset.done $0x0  }
0x6d: {  	s6 =	sadd.s32 $0x5000, s5;
	[sflag:s18] =	ssyncadd.s32 $0xFFFFE000  }
0x6e: {  	[spmem:s2] =	stream.indirect.scatter.add.f32 [tilespmem:s16], [sflag:$0x6], $0x40, s6, s20, $0xb8;
	[tilespmem:$0x1E000] =	vst v63  }
0x6f: {  	_ =	swait.ge [sflag:s19], $0x2000  }
0x70: {  	[sflag:s19] =	ssyncset.done $0x0  }
0x71: {  	s6 =	sadd.s32 $0x5080, s5;
	[sflag:s19] =	ssyncadd.s32 $0xFFFFE000  }
0x72: {  	[spmem:s2] =	stream.indirect.scatter.add.f32 [tilespmem:s21], [sflag:$0x7], $0x40, s6, s20, $0xb8;
	[tilespmem:$0x1E000] =	vst v63  }
0x73: {  	_ =	swait.ge [sflag:s29], $0x2000  }
0x74: {  	[sflag:s29] =	ssyncset.done $0x0  }
0x75: {  	s6 =	sadd.s32 $0x5100, s5;
	[sflag:s29] =	ssyncadd.s32 $0xFFFFE000  }
0x76: {  	[spmem:s2] =	stream.indirect.scatter.add.f32 [tilespmem:s23], [sflag:$0x8], $0x40, s6, s20, $0xb8;
	[tilespmem:$0x1E000] =	vst v63  }
0x77: {  	_ =	swait.ge [sflag:s30], $0x2000  }
0x78: {  	[sflag:s30] =	ssyncset.done $0x0  }
0x79: {  	s6 =	sadd.s32 $0x5180, s5;
	[sflag:s30] =	ssyncadd.s32 $0xFFFFE000  }
0x7a: {  	[spmem:s2] =	stream.indirect.scatter.add.f32 [tilespmem:s25], [sflag:$0x9], $0x40, s6, s20, $0xb8;
	[tilespmem:$0x1E000] =	vst v63  }
0x7b: {  	_ =	swait.ge [sflag:s31], $0x2000  }
0x7c: {  	[sflag:s31] =	ssyncset.done $0x0  }
0x7d: {  	s6 =	sadd.s32 $0x5200, s5;
	[sflag:s31] =	ssyncadd.s32 $0xFFFFE000  }
0x7e: {  	[spmem:s2] =	stream.indirect.scatter.add.f32 [tilespmem:s28], [sflag:$0xA], $0x40, s6, s20, $0xb8;
	[tilespmem:$0x1E000] =	vst v63  }
0x7f: {  	_ =	swait.ge [sflag:s0], $0x2000  }
0x80: {  	[sflag:s0] =	ssyncset.done $0x0  }
0x81: {  	s6 =	sadd.s32 $0x280, s5;
	[sflag:s0] =	ssyncadd.s32 $0xFFFFE000  }
0x82: {  	[tilespmem:s16], [sflag:$0x1] =	stream.indirect.gather [hbm4b:s12+s20], $0x40, s6, s20, $0xb8;
	[tilespmem:$0x1E000] =	vst v63  }
0x83: {  	_ =	swait.ge [sflag:s1], $0x2000  }
0x84: {  	[sflag:s1] =	ssyncset.done $0x0  }
0x85: {  	s6 =	sadd.s32 $0x300, s5;
	[sflag:s1] =	ssyncadd.s32 $0xFFFFE000  }
0x86: {  	[tilespmem:s21], [sflag:$0x2] =	stream.indirect.gather [hbm4b:s12+s20], $0x40, s6, s20, $0xb8;
	[tilespmem:$0x1E000] =	vst v63  }
0x87: {  	_ =	swait.ge [sflag:s15], $0x2000  }
0x88: {  	[sflag:s15] =	ssyncset.done $0x0  }
0x89: {  	s6 =	sadd.s32 $0x380, s5;
	[sflag:s15] =	ssyncadd.s32 $0xFFFFE000  }
0x8a: {  	[tilespmem:s23], [sflag:$0x3] =	stream.indirect.gather [hbm4b:s12+s20], $0x40, s6, s20, $0xb8;
	[tilespmem:$0x1E000] =	vst v63  }
0x8b: {  	_ =	swait.ge [sflag:s22], $0x2000  }
0x8c: {  	[sflag:s22] =	ssyncset.done $0x0  }
.Ltmp0:
0x8d: {  	s6 =	sadd.s32 $0x400, s5;
	[sflag:s22] =	ssyncadd.s32 $0xFFFFE000;
	(pc) =	sbr.rel @p0 .LBB2_2-.Ltmp0, $4  }
0x8e: {  	[tilespmem:s25], [sflag:$0x4] =	stream.indirect.gather [hbm4b:s12+s20], $0x40, s6, s20, $0xb8;
	[tilespmem:$0x1E000] =	vst v63  }
0x8f: {  	_ =	swait.ge [sflag:s24], $0x2000  }
0x90: {  	[sflag:s24] =	ssyncset.done $0x0  }
0x91: {  	s5 =	sadd.s32 $0x480, s5;
	[sflag:s24] =	ssyncadd.s32 $0xFFFFE000  }
0x92: {  	[tilespmem:s28], [sflag:$0x5] =	stream.indirect.gather [hbm4b:s12+s20], $0x40, s5, s20, $0xb8;
	[tilespmem:$0x1E000] =	vst v63  }
0x93: {  	_ =	swait.ge [sflag:s18], $0x2000  }
0x94: {  	[sflag:s18] =	ssyncset.done $0x0  }
0x95: {  	s4 =	simm.s32 $0x9D80;
	[sflag:s18] =	ssyncadd.s32 $0xFFFFE000  }
0x96: {  	[spmem:s2] =	stream.indirect.scatter.add.f32 [tilespmem:s16], [sflag:$0x6], $0x40, s4, s20, $0xb8;
	[tilespmem:$0x1E000] =	vst v63  }
0x97: {  	_ =	swait.ge [sflag:s19], $0x2000  }
0x98: {  	[sflag:s19] =	ssyncset.done $0x0  }
0x99: {  	s5 =	simm.s32 $0x9E00;
	[sflag:s19] =	ssyncadd.s32 $0xFFFFE000  }
0x9a: {  	[spmem:s2] =	stream.indirect.scatter.add.f32 [tilespmem:s21], [sflag:$0x7], $0x40, s5, s20, $0xb8;
	[tilespmem:$0x1E000] =	vst v63  }
0x9b: {  	_ =	swait.ge [sflag:s29], $0x2000  }
0x9c: {  	[sflag:s29] =	ssyncset.done $0x0  }
0x9d: {  	s6 =	simm.s32 $0x9E80;
	[sflag:s29] =	ssyncadd.s32 $0xFFFFE000  }
0x9e: {  	[spmem:s2] =	stream.indirect.scatter.add.f32 [tilespmem:s23], [sflag:$0x8], $0x40, s6, s20, $0xb8;
	[tilespmem:$0x1E000] =	vst v63  }
0x9f: {  	_ =	swait.ge [sflag:s30], $0x2000  }
0xa0: {  	[sflag:s30] =	ssyncset.done $0x0  }
0xa1: {  	s5 =	simm.s32 $0x9F00;
	[sflag:s30] =	ssyncadd.s32 $0xFFFFE000  }
0xa2: {  	[spmem:s2] =	stream.indirect.scatter.add.f32 [tilespmem:s25], [sflag:$0x9], $0x40, s5, s20, $0xb8;
	[tilespmem:$0x1E000] =	vst v63  }
0xa3: {  	_ =	swait.ge [sflag:s31], $0x2000  }
0xa4: {  	[sflag:s31] =	ssyncset.done $0x0  }
0xa5: {  	s6 =	simm.s32 $0x9F80;
	[sflag:s31] =	ssyncadd.s32 $0xFFFFE000  }
0xa6: {  	[spmem:s2] =	stream.indirect.scatter.add.f32 [tilespmem:s28], [sflag:$0xA], $0x40, s6, s20, $0xb8;
	[tilespmem:$0x1E000] =	vst v63  }
0xa7: {  	_ =	swait.ge [sflag:s0], $0x2000  }
0xa8: {  	[sflag:s0] =	ssyncset.done $0x0  }
0xa9: {  	[sflag:s0] =	ssyncadd.s32 $0xFFFFE000  }
0xaa: {  	_ =	swait.ge [sflag:s1], $0x2000  }
0xab: {  	[sflag:s1] =	ssyncset.done $0x0  }
0xac: {  	[sflag:s1] =	ssyncadd.s32 $0xFFFFE000  }
0xad: {  	_ =	swait.ge [sflag:s15], $0x2000  }
0xae: {  	[sflag:s15] =	ssyncset.done $0x0  }
0xaf: {  	[sflag:s15] =	ssyncadd.s32 $0xFFFFE000  }
0xb0: {  	_ =	swait.ge [sflag:s22], $0x2000  }
0xb1: {  	[sflag:s22] =	ssyncset.done $0x0  }
0xb2: {  	[sflag:s22] =	ssyncadd.s32 $0xFFFFE000  }
0xb3: {  	s5 =	stileid.u32;
	_ =	swait.ge [sflag:s24], $0x2000  }
0xb4: {  	s26 =	sadd.s32 $0x1, s26;
	s4 =	sshll.u32 s5, $0x6;
	[sflag:s24] =	ssyncset.done $0x0  }
0xb5: {  	p0 =	sne.s32 s26, s14;
	s4 =	sor.u32 $0x1C0B, s4;
	[sflag:s24] =	ssyncadd.s32 $0xFFFFE000  }
.Ltmp1:
0xb6: {  	s6 =	sshrl.u32 s7, $0x3;
	[bflag:$0x0] =	sbarrier.arrive $0xFFFF;
	(pc) =	sbr.rel @p0 .LBB2_1-.Ltmp1, $4  }
0xb7: {  	[hbm:s13], [sflag:s4] =	dma.local [spmem:s6], $0x1400  }
0xb8: {  	_ =	swait.ge [sflag:s17], $0x1400  }
0xb9: {  	[sflag:s17] =	ssyncset.done $0x0  }
0xba: {  	[sflag:s17] =	ssyncadd.s32 $0xFFFFEC00  }
0xbb: {  	_ =	sfence.sel $0x180000  }
0xbc: {  	[bflag:$0x0] =	sbarrier.arrive $0xFFFF  }
0xbd: {  	_ =	strace $0x9000004A  }
0xbe: {  	s0 =	stileid.u32;
	[bflag:$0x2] =	sbarrier.arrive $0xFFFF  }
0xbf: {  	p0 =	sne.s32 s0, $0x0;
	s0 =	rddreg [dreg:$0x3]  }
0xc0: {  	s0 =	sadd.s32 @!p0 $0x100000, s0  }
0xc1: {  	[sflag:s0] =	ssyncadd.tile.s32 @!p0 $0x1;
	_ =	shalt  }
.Lfunc_end2:
_tile_overlayer_lowered:
.L_overlay_start_2:
0xc2: {  	(tag) =	ssettag $0x2  }
0xc3: {  	s0 =	rddreg [dreg:$0x0];
	s2 =	stileid.u32  }
0xc4: {  	s1 =	rddreg [dreg:$0x1];
	p0 =	sne.s32 s2, $0x0  }
0xc5: {  	s3 =	rddreg [dreg:$0x2];
	[bflag:$0x3] =	sbarrier.arrive $0xFFFF;
	s2 =	simm.s32 @!p0 $0x1C0B  }
0xc6: {  	[timem:s3], [sflag:s2] =	dma.local @!p0 [hbm:s0], s1  }
0xc7: {  	s0 =	simm.s32 @!p0 $0xB  }
0xc8: {  	_ =	swait.ge @!p0 [sflag:s0], s1  }
0xc9: {  	s1 =	ssub.s32 @!p0 $0x0, s1;
	[sflag:s0] =	ssyncset.done @!p0 $0x0  }
0xca: {  	[sflag:s0] =	ssyncadd.s32 @!p0 s1  }
0xcb: {  	[bflag:$0x3] =	sbarrier.arrive $0xFFFF  }
0xcc: {  	_ =	shalt  }

// kernel: kernel.14.cloned.1.call-start
scs
__scs_entry_jumppad:
0x0: {  	(pc) =	sbr.rel $0x88, $3  }
0x1: {  	(tag) =	ssettag $0x0;
	lr =	simm.s32 $0x1  }
0x2: {  	[smem:$0x3F97] =	sst lr;
	_ =	strace $0xD0000000  }
0x3: {  	_ = 	snop  }
0x4: {  	_ = 	snop  }
0x5: {  	_ = 	snop  }
0x6: {  	_ = 	snop  }
0x7: {  	_ = 	snop  }
__scs_overlays_trampoline_lowered:
0x8: {  	[smem:$0x3FA6] =	sst s0  }
0x9: {  	[smem:$0x3FA7] =	sst s1  }
0xa: {  	[smem:$0x3FA8] =	sst s2  }
0xb: {  	[smem:$0x3FA9] =	sst s3  }
0xc: {  	[smem:$0x3FAA] =	sst s4  }
0xd: {  	[smem:$0x3FAB] =	sst s5  }
0xe: {  	[smem:$0x3FAC] =	sst s6  }
0xf: {  	[smem:$0x3FAD] =	sst s7  }
0x10: {  	[smem:$0x3FAE] =	sst s8  }
0x11: {  	[smem:$0x3FAF] =	sst s9;
	s0 =	simm.s32 @!p0 $0x0  }
0x12: {  	s1 =	sld [smem:$0x3F95];
	s0 =	simm.s32 @p0 $0x1  }
0x13: {  	[smem:$0x3FB0] =	sst s0;
	s0 =	simm.s32 @!p1 $0x0  }
0x14: {  	s2 =	sld [smem:$0x3F94];
	s0 =	simm.s32 @p1 $0x1  }
0x15: {  	[smem:$0x3FB1] =	sst s0;
	s0 =	simm.s32 @!p2 $0x0  }
0x16: {  	s3 =	sld [smem:$0x3FDB];
	s0 =	simm.s32 @p2 $0x1  }
0x17: {  	s4 =	simm.s32 $0x1BF5;
	[smem:$0x3FB3] =	sst s0  }
0x18: {  	s0 =	sld [smem:$0x3F96];
	_ =	swait.ge [sflag:s4], $0x0  }
0x19: {  	s7 =	sld [smem:$0x3F97]  }
0x1a: {  	s8 =	sadd.s32 $0xFFFFE003, lr  }
0x1b: {  	s9 =	sadd.s32 $0xFFFFFEF7, lr;
	s5 =	simm.s32 $0xFFFFFFFF;
	p2 =	slt.u32 s8, $0xFFFFF086  }
0x1c: {  	p1 =	slt.u32 s9, $0xF7A;
	s5 =	simm.s32 @!p2 $0x0  }
0x1d: {  	s5 =	simm.s32 @p1 $0x1;
	p0 =	seq.s32 s7, s2  }
0x1e: {  	s7 =	smul.u32 @!p0 $0xF7A, s2;
	p2 =	seq.s32 @!p0 s5, $0x0  }
0x1f: {  	s9 =	smul.u32 $0xF7A, s1;
	s8 =	simm.s32 @!p0 $0x1BF5;
	p2 =	por !p2, p0  }
0x20: {  	[sflag:s8] =	ssyncset.s32 @!p0 $0xFFFFF086;
	s6 =	sadd.s32 @!p0 s3, s7;
	s7 =	simm.s32 @!p0 $0x108  }
0x21: {  	s3 =	sadd.s32 s3, s9;
	s6 =	sadd.s32 @!p0 $0x88, s6;
	s7 =	simm.s32 @p2 $0x1082  }
0x22: {  	[simem:s7], [sflag:s8] =	dma.local @!p0 [hbm:s6], $0xF7A  }
0x23: {  	s9 =	sor.u32 $0xD0000000, s2;
	s6 =	simm.s32 $0x108;
	_ =	swait.ge @!p0 [sflag:s8], $0x0  }
0x24: {  	s3 =	sadd.s32 $0x88, s3;
	s6 =	simm.s32 @!p1 $0x1082;
	[sflag:s4] =	ssyncset.s32 $0xFFFFF086  }
0x25: {  	[simem:s6], [sflag:s4] =	dma.local [hbm:s3], $0xF7A  }
0x26: {  	[smem:$0x3F97] =	sst s1;
	(tag) =	ssettag s2;
	_ =	strace s9  }
0x27: {  	s1 =	sld [smem:$0x3FA7]  }
0x28: {  	s2 =	sld [smem:$0x3FA8]  }
0x29: {  	s4 =	sld [smem:$0x3FAA]  }
0x2a: {  	p0 =	seq.s32 s5, $0x0;
	s5 =	sld [smem:$0x3FAB]  }
0x2b: {  	s6 =	sld [smem:$0x3FAC]  }
0x2c: {  	s7 =	sld [smem:$0x3FAD]  }
0x2d: {  	s3 =	simm.s32 $0x108;
	s8 =	sld [smem:$0x3FAE]  }
0x2e: {  	s3 =	simm.s32 @!p0 $0x1082;
	s9 =	sld [smem:$0x3FAF]  }
0x2f: {  	lr =	sadd.s32 s0, s3;
	s0 =	sld [smem:$0x3FA6]  }
0x30: {  	s3 =	sld [smem:$0x3FA9]  }
0x31: {  	[smem:$0x3FB2] =	sst s10  }
0x32: {  	s10 =	sld [smem:$0x3FB0];
	_ =	sdelay $0x3  }
0x33: {  	p0 =	seq.s32 s10, $0x1;
	s10 =	sld [smem:$0x3FB2];
	_ =	sdelay $0x3  }
0x34: {  	[smem:$0x3FB2] =	sst s10  }
0x35: {  	s10 =	sld [smem:$0x3FB1];
	_ =	sdelay $0x3  }
0x36: {  	p1 =	seq.s32 s10, $0x1;
	s10 =	sld [smem:$0x3FB2];
	_ =	sdelay $0x3  }
0x37: {  	[smem:$0x3FB2] =	sst s10  }
0x38: {  	s10 =	sld [smem:$0x3FB3]  }
0x39: {  	_ = 	snop;
	(pc) =	sbr.ind lr, $3  }
0x3a: {  	_ = 	snop  }
0x3b: {  	_ = 	snop  }
0x3c: {  	p2 =	seq.s32 s10, $0x1;
	s10 =	sld [smem:$0x3FB2]  }
0x3d: {  	_ =	shalt  }
0x3e: {  	_ =	shalt  }
0x3f: {  	_ =	shalt  }
0x40: {  	_ =	shalt  }
0x41: {  	_ =	shalt  }
0x42: {  	_ =	shalt  }
0x43: {  	_ =	shalt  }
0x44: {  	_ =	shalt  }
0x45: {  	_ =	shalt  }
0x46: {  	_ =	shalt  }
0x47: {  	_ =	shalt  }
0x48: {  	_ =	shalt  }
0x49: {  	_ =	shalt  }
0x4a: {  	_ =	shalt  }
0x4b: {  	_ =	shalt  }
0x4c: {  	_ =	shalt  }
0x4d: {  	_ =	shalt  }
0x4e: {  	_ =	shalt  }
0x4f: {  	_ =	shalt  }
0x50: {  	_ =	shalt  }
0x51: {  	_ =	shalt  }
0x52: {  	_ =	shalt  }
0x53: {  	_ =	shalt  }
0x54: {  	_ =	shalt  }
0x55: {  	_ =	shalt  }
0x56: {  	_ =	shalt  }
0x57: {  	_ =	shalt  }
0x58: {  	_ =	shalt  }
0x59: {  	_ =	shalt  }
0x5a: {  	_ =	shalt  }
0x5b: {  	_ =	shalt  }
0x5c: {  	_ =	shalt  }
0x5d: {  	_ =	shalt  }
0x5e: {  	_ =	shalt  }
0x5f: {  	_ =	shalt  }
0x60: {  	_ =	shalt  }
0x61: {  	_ =	shalt  }
0x62: {  	_ =	shalt  }
0x63: {  	_ =	shalt  }
0x64: {  	_ =	shalt  }
0x65: {  	_ =	shalt  }
0x66: {  	_ =	shalt  }
0x67: {  	_ =	shalt  }
0x68: {  	_ =	shalt  }
0x69: {  	_ =	shalt  }
0x6a: {  	_ =	shalt  }
0x6b: {  	_ =	shalt  }
0x6c: {  	_ =	shalt  }
0x6d: {  	_ =	shalt  }
0x6e: {  	_ =	shalt  }
0x6f: {  	_ =	shalt  }
0x70: {  	_ =	shalt  }
0x71: {  	_ =	shalt  }
0x72: {  	_ =	shalt  }
0x73: {  	_ =	shalt  }
0x74: {  	_ =	shalt  }
0x75: {  	_ =	shalt  }
0x76: {  	_ =	shalt  }
0x77: {  	_ =	shalt  }
0x78: {  	_ =	shalt  }
0x79: {  	_ =	shalt  }
0x7a: {  	_ =	shalt  }
0x7b: {  	_ =	shalt  }
0x7c: {  	_ =	shalt  }
0x7d: {  	_ =	shalt  }
0x7e: {  	_ =	shalt  }
0x7f: {  	_ =	shalt  }
0x80: {  	_ =	shalt  }
0x81: {  	_ =	shalt  }
0x82: {  	_ =	shalt  }
0x83: {  	_ =	shalt  }
0x84: {  	_ =	shalt  }
0x85: {  	_ =	shalt  }
0x86: {  	_ =	shalt  }
0x87: {  	_ =	shalt  }
.Lfunc_end0:
.L_simem_size_0:
called_computation.2_lowered:
.L_overlay_start_0:
0x88: {  	s2 =	sld [smem:$0x3FD9]  }
0x89: {  	s3 =	sld [smem:$0x3FFE];
	_ =	sdelay $0x1  }
0x8a: {  	s1 =	srdreg.scid  }
0x8b: {  	s0 =	sand.u32 $0x1, s1  }
0x8c: {  	s17 =	sshll.u32 s0, $0xA;
	s2 =	sadd.s32 s3, s2  }
0x8d: {  	s2 =	sadd.s32 s2, s17  }
0x8e: {  	[smem:$0x3FBE] =	sst s2  }
0x8f: {  	_ = 	snop  }
0x90: {  	s2 =	sld [smem:$0x3FD0];
	(tm) =	ssettm $0x1  }
0x91: {  	s18 =	sld [smem:$0x3FFB];
	_ =	sdelay $0x3  }
0x92: {  	_ =	strace s18  }
0x93: {  	s3 =	sld [smem:$0x3FFC];
	_ =	sdelay $0x3  }
0x94: {  	_ =	strace s3  }
0x95: {  	s3 =	sld [smem:$0x3FFD];
	_ =	sdelay $0x3  }
0x96: {  	_ =	strace s3  }
0x97: {  	_ =	strace $0x8FFFFFFF  }
0x98: {  	s19 =	sld [smem:$0x3FDB];
	_ =	sdelay $0x1  }
0x99: {  	s4 =	simm.s32 $_scs_section_size  }
0x9a: {  	s5 =	simm.s32 $_size__tile_overlayer_lowered;
	s6 =	simm.s32 $_tile_overlayer_lowered  }
0x9b: {  	s22 =	simm.s32 $0x1BFF;
	s21 =	sshll.u32 s6, $0x1;
	s3 =	sadd.s32 s4, s19  }
0x9c: {  	s7 =	simm.s32 $0x0;
	s20 =	sshll.u32 s5, $0x1;
	s5 =	sadd.s32 s21, s3  }
0x9d: {  	[timem:s7], [sflag:s22] =	dma.local [hbm:s5], s20  }
0x9e: {  	_ =	swait.ge [sflag:s22], s20  }
0x9f: {  	s4 =	ssub.s32 $0x0, s20;
	[sflag:s22] =	ssyncset.done $0x0  }
0xa0: {  	[sflag:s22] =	ssyncadd.s32 s4;
	_ =	sdelay $0x1  }
0xa1: {  	s23 =	simm.s32 $0x1B8B  }
0xa2: {  	_ =	swait.ge [sflag:s23], $0x1  }
0xa3: {  	[sflag:s23] =	ssyncset.done $0x0  }
0xa4: {  	s25 =	simm.s32 $0x1B8E;
	s24 =	sld [smem:$0x3FFE];
	[sflag:s23] =	ssyncadd.s32 $0xFFFFFFFF  }
0xa5: {  	s26 =	simm.s32 $execute0_lowered;
	[smem:$0x3FD2] =	sst s25  }
0xa6: {  	s5 =	sshll.u32 s26, $0x1;
	_ =	strace $0x8000004C;
	[dreg:$0x1] =	wrdreg $0xFFFFFFFF  }
0xa7: {  	s28 =	simm.s32 $_size_execute0_lowered;
	s3 =	sadd.s32 s3, s5;
	[dreg:$0x0] =	wrdreg $0x0  }
0xa8: {  	s5 =	sshll.u32 s28, $0x1;
	[dreg:$0x2] =	wrdreg s3  }
0xa9: {  	[dreg:$0x3] =	wrdreg s5  }
0xaa: {  	[dreg:$0x4] =	wrdreg $0xC0  }
0xab: {  	_ =	task [dreg:s7], $0x5FFFF  }
0xac: {  	[dreg:$0x1] =	wrdreg $0xFFFFFFFF  }
0xad: {  	[dreg:$0x0] =	wrdreg $0x60  }
0xae: {  	[dreg:$0x2] =	wrdreg s24  }
0xaf: {  	[dreg:$0x3] =	wrdreg s2  }
0xb0: {  	[dreg:$0x4] =	wrdreg $0x140000  }
0xb1: {  	[dreg:$0x5] =	wrdreg $0x9  }
0xb2: {  	_ =	task.clear_ibuf [dreg:s7], $0x6FFFF;
	_ =	strace $0x9000004C  }
0xb3: {  	s29 =	simm.s32 $0x9;
	_ =	strace $0x8000004E  }
0xb4: {  	_ =	swait.ge [sflag:s29], $0x1  }
0xb5: {  	[sflag:s29] =	ssyncadd.s32 $0xFFFFFFFF  }
0xb6: {  	_ =	strace $0x9000004E  }
0xb7: {  	_ =	sfence  }
0xb8: {  	s30 =	sld [smem:$0x0];
	_ =	sdelay $0x2  }
0xb9: {  	s31 =	sshll.u32 s1, $0xD;
	s1 =	sshrl.u32 s1, $0x2  }
0xba: {  	s3 =	sand.u32 $0x4000, s31;
	s1 =	sadd.s32 s1, s30  }
0xbb: {  	s0 =	sor.u32 s3, s0;
	s1 =	sshll.u32 s1, $0x11  }
0xbc: {  	s0 =	sor.u32 s1, s0  }
0xbd: {  	s0 =	sadd.s32 $0x8F2B, s0  }
0xbe: {  	[sflag:s0] =	ssyncadd.remote.s32 $0x1  }
0xbf: {  	_ =	sfence.sel $0xFFFF  }
0xc0: {  	[dreg:$0x0] =	wrdreg $0xFFFFFFFF;
	(pc) =	sbr.abs _section_cstart, $3  }
0xc1: {  	[dreg:$0x1] =	wrdreg $0xFFFFFFFF  }
0xc2: {  	_ =	task.clear_ibuf [dreg:s7], $0x2FFFF;
	_ =	strace $0x9FFFFFFF  }
0xc3: {  	(tm) =	ssettm $0x7FFFFFFF  }
tec
execute0_lowered:
.L_overlay_start_1:
0x0: {  	(tag) =	ssettag $0x1  }
0x1: {  	s0 =	rddreg [dreg:$0x0]  }
0x2: {  	s1 =	rddreg [dreg:$0x1]  }
0x3: {  	s2 =	rddreg [dreg:$0x2];
	s9 =	stileid.u32  }
0x4: {  	s5 =	srdreg.scid;
	s3 =	simm.s32 $0x0;
	s16 =	simm.s32 $0xA000  }
0x5: {  	s17 =	simm.s32 $0xB;
	s18 =	simm.s32 $0x1;
	s19 =	simm.s32 $0x2  }
0x6: {  	s20 =	simm.s32 $0x80;
	s21 =	simm.s32 $0xC000;
	s28 =	simm.s32 $0x12000  }
0x7: {  	s29 =	simm.s32 $0x3;
	s30 =	simm.s32 $0x4;
	s4 =	smul.u32 $0xA00, s9  }
0x8: {  	s31 =	simm.s32 $0x5;
	s15 =	simm.s32 $0x8;
	s7 =	smul.u32 $0xA000, s9  }
0x9: {  	s22 =	simm.s32 $0x9;
	s5 =	sand.u32 $0x1, s5;
	s9 =	smul.u32 $0x28000, s9  }
0xa: {  	[smem:$0x7FF] =	sst s3;
	s10 =	sadd.s32 $0x2400, s0;
	s6 =	smul.u32 $0xA0000, s5  }
0xb: {  	_ =	strace $0x8000004D;
	s8 =	ssub.s32 $0x2, s5;
	[dreg:$0x4] =	wrdreg s10  }
0xc: {  	s5 =	smul.u32 $0x13880, s5;
	s4 =	sadd.s32 s4, s0;
	s23 =	sshrl.u32 s8, $0x1  }
0xd: {  	s24 =	sshrl.u32 s9, $0x2;
	s6 =	sadd.s32 s7, s6;
	s14 =	ssub.s32 s8, s23  }
0xe: {  	s25 =	sadd.s32 $0x3A00, s4;
	s4 =	sadd.s32 $0xDA00, s4;
	s26 =	sadd.s32 s24, s2  }
0xf: {  	s7 =	sadd.s32 s7, s2;
	s12 =	sadd.s32 s1, s5;
	s23 =	simm.s32 $0xE000  }
0x10: {  	s1 =	simm.s32 $0x7;
	s24 =	simm.s32 $0xA;
	[dreg:$0x5] =	wrdreg s25  }
0x11: {  	s6 =	sshrl.u32 s6, $0x3;
	[dreg:$0x6] =	wrdreg s4;
	s8 =	sadd.s32 $0x2000, s26  }
0x12: {  	s9 =	sadd.s32 $0x4000, s26;
	s10 =	sadd.s32 $0x6000, s26;
	s11 =	sadd.s32 $0x8000, s26  }
0x13: {  	s14 =	smax.u32 s14, $0x1;
	s25 =	simm.s32 $0x10000;
	s0 =	sadd.s32 s6, s0  }
0x14: {  	s26 =	simm.s32 $0x0;
	s13 =	sadd.s32 $0x17A00, s0;
	s0 =	simm.s32 $0x6  }
.LBB2_1:
0x15: {  	s4 =	rddreg [dreg:$0x5]  }
0x16: {  	[tilespmem:s3], [sflag:$0x1] =	stream.linear.gather [hbm4b:s4+s3], $0x5000, $0x38;
	[tilespmem:$0x1E000] =	vst v63  }
0x17: {  	s6 =	rddreg [dreg:$0x6];
	s5 =	simm.s32 $0x5000  }
0x18: {  	[tilespmem:s5], [sflag:$0x2] =	stream.linear.gather [hbm4b:s6+s3], $0x5000, $0x38;
	[tilespmem:$0x1E000] =	vst v63  }
0x19: {  	s6 =	rddreg [dreg:$0x4]  }
0x1a: {  	[tilespmem:s16], [sflag:$0xB] =	stream.linear.gather [hbm4b:s6+s3], $0x2000, $0x38;
	[tilespmem:$0x1E000] =	vst v63  }
0x1b: {  	_ =	swait.ge [sflag:s17], $0x2000  }
0x1c: {  	[sflag:s17] =	ssyncset.done $0x0  }
0x1d: {  	[sflag:s17] =	ssyncadd.s32 $0xFFFFE000  }
0x1e: {  	[spmem:s7] =	stream.linear.scatter [tilespmem:s16], [sflag:$0xB], $0x2000, $0x38;
	[tilespmem:$0x1E000] =	vst v63  }
0x1f: {  	_ =	swait.ge [sflag:s17], $0x2000  }
0x20: {  	[sflag:s17] =	ssyncset.done $0x0  }
0x21: {  	[sflag:s17] =	ssyncadd.s32 $0xFFFFE000  }
0x22: {  	[spmem:s8] =	stream.linear.scatter [tilespmem:s16], [sflag:$0xB], $0x2000, $0x38;
	[tilespmem:$0x1E000] =	vst v63  }
0x23: {  	_ =	swait.ge [sflag:s17], $0x2000  }
0x24: {  	[sflag:s17] =	ssyncset.done $0x0  }
0x25: {  	[sflag:s17] =	ssyncadd.s32 $0xFFFFE000  }
0x26: {  	[spmem:s9] =	stream.linear.scatter [tilespmem:s16], [sflag:$0xB], $0x2000, $0x38;
	[tilespmem:$0x1E000] =	vst v63  }
0x27: {  	_ =	swait.ge [sflag:s17], $0x2000  }
0x28: {  	[sflag:s17] =	ssyncset.done $0x0  }
0x29: {  	[sflag:s17] =	ssyncadd.s32 $0xFFFFE000  }
0x2a: {  	[spmem:s10] =	stream.linear.scatter [tilespmem:s16], [sflag:$0xB], $0x2000, $0x38;
	[tilespmem:$0x1E000] =	vst v63  }
0x2b: {  	_ =	swait.ge [sflag:s17], $0x2000  }
0x2c: {  	[sflag:s17] =	ssyncset.done $0x0  }
0x2d: {  	[sflag:s17] =	ssyncadd.s32 $0xFFFFE000  }
0x2e: {  	[spmem:s11] =	stream.linear.scatter [tilespmem:s16], [sflag:$0xB], $0x2000, $0x38;
	[tilespmem:$0x1E000] =	vst v63  }
0x2f: {  	_ =	swait.ge [sflag:s17], $0x2000  }
0x30: {  	[sflag:s17] =	ssyncset.done $0x0  }
0x31: {  	[sflag:s17] =	ssyncadd.s32 $0xFFFFE000  }
0x32: {  	_ =	swait.ge [sflag:s18], $0x5000  }
0x33: {  	[sflag:s18] =	ssyncset.done $0x0  }
0x34: {  	[sflag:s18] =	ssyncadd.s32 $0xFFFFB000  }
0x35: {  	_ =	swait.ge [sflag:s19], $0x5000  }
0x36: {  	[sflag:s19] =	ssyncset.done $0x0  }
0x37: {  	[sflag:s19] =	ssyncadd.s32 $0xFFFFB000  }
0x38: {  	[bflag:$0x0] =	sbarrier.arrive $0xFFFF  }
0x39: {  	[tilespmem:s16], [sflag:$0x1] =	stream.indirect.gather [hbm4b:s12+s20], $0x40, s3, s20, $0xb8;
	[tilespmem:$0x1E000] =	vst v63  }
0x3a: {  	_ = 	snop  }
0x3b: {  	[tilespmem:s21], [sflag:$0x2] =	stream.indirect.gather [hbm4b:s12+s20], $0x40, s20, s20, $0xb8;
	[tilespmem:$0x1E000] =	vst v63  }
0x3c: {  	s5 =	simm.s32 $0x100  }
0x3d: {  	[tilespmem:s23], [sflag:$0x3] =	stream.indirect.gather [hbm4b:s12+s20], $0x40, s5, s20, $0xb8;
	[tilespmem:$0x1E000] =	vst v63  }
0x3e: {  	s6 =	simm.s32 $0x180  }
0x3f: {  	[tilespmem:s25], [sflag:$0x4] =	stream.indirect.gather [hbm4b:s12+s20], $0x40, s6, s20, $0xb8;
	[tilespmem:$0x1E000] =	vst v63  }
0x40: {  	s5 =	simm.s32 $0x200  }
0x41: {  	[tilespmem:s28], [sflag:$0x5] =	stream.indirect.gather [hbm4b:s12+s20], $0x40, s5, s20, $0xb8;
	[tilespmem:$0x1E000] =	vst v63  }
0x42: {  	_ =	swait.ge [sflag:s18], $0x2000  }
0x43: {  	[sflag:s18] =	ssyncset.done $0x0  }
0x44: {  	s6 =	simm.s32 $0x5000;
	[sflag:s18] =	ssyncadd.s32 $0xFFFFE000  }
0x45: {  	[spmem:s2] =	stream.indirect.scatter.add.f32 [tilespmem:s16], [sflag:$0x6], $0x40, s6, s20, $0xb8;
	[tilespmem:$0x1E000] =	vst v63  }
0x46: {  	_ =	swait.ge [sflag:s19], $0x2000  }
0x47: {  	[sflag:s19] =	ssyncset.done $0x0  }
0x48: {  	s5 =	simm.s32 $0x5080;
	[sflag:s19] =	ssyncadd.s32 $0xFFFFE000  }
0x49: {  	[spmem:s2] =	stream.indirect.scatter.add.f32 [tilespmem:s21], [sflag:$0x7], $0x40, s5, s20, $0xb8;
	[tilespmem:$0x1E000] =	vst v63  }
0x4a: {  	_ =	swait.ge [sflag:s29], $0x2000  }
0x4b: {  	[sflag:s29] =	ssyncset.done $0x0  }
0x4c: {  	s6 =	simm.s32 $0x5100;
	[sflag:s29] =	ssyncadd.s32 $0xFFFFE000  }
0x4d: {  	[spmem:s2] =	stream.indirect.scatter.add.f32 [tilespmem:s23], [sflag:$0x8], $0x40, s6, s20, $0xb8;
	[tilespmem:$0x1E000] =	vst v63  }
0x4e: {  	_ =	swait.ge [sflag:s30], $0x2000  }
0x4f: {  	[sflag:s30] =	ssyncset.done $0x0  }
0x50: {  	s5 =	simm.s32 $0x5180;
	[sflag:s30] =	ssyncadd.s32 $0xFFFFE000  }
0x51: {  	[spmem:s2] =	stream.indirect.scatter.add.f32 [tilespmem:s25], [sflag:$0x9], $0x40, s5, s20, $0xb8;
	[tilespmem:$0x1E000] =	vst v63  }
0x52: {  	_ =	swait.ge [sflag:s31], $0x2000  }
0x53: {  	[sflag:s31] =	ssyncset.done $0x0  }
0x54: {  	s6 =	simm.s32 $0x5200;
	[sflag:s31] =	ssyncadd.s32 $0xFFFFE000  }
0x55: {  	[spmem:s2] =	stream.indirect.scatter.add.f32 [tilespmem:s28], [sflag:$0xA], $0x40, s6, s20, $0xb8;
	[tilespmem:$0x1E000] =	vst v63  }
0x56: {  	_ =	swait.ge [sflag:s0], $0x2000  }
0x57: {  	[sflag:s0] =	ssyncset.done $0x0  }
0x58: {  	s5 =	simm.s32 $0x280;
	[sflag:s0] =	ssyncadd.s32 $0xFFFFE000  }
0x59: {  	[tilespmem:s16], [sflag:$0x1] =	stream.indirect.gather [hbm4b:s12+s20], $0x40, s5, s20, $0xb8;
	[tilespmem:$0x1E000] =	vst v63  }
0x5a: {  	_ =	swait.ge [sflag:s1], $0x2000  }
0x5b: {  	[sflag:s1] =	ssyncset.done $0x0  }
0x5c: {  	s6 =	simm.s32 $0x300;
	[sflag:s1] =	ssyncadd.s32 $0xFFFFE000  }
0x5d: {  	[tilespmem:s21], [sflag:$0x2] =	stream.indirect.gather [hbm4b:s12+s20], $0x40, s6, s20, $0xb8;
	[tilespmem:$0x1E000] =	vst v63  }
0x5e: {  	_ =	swait.ge [sflag:s15], $0x2000  }
0x5f: {  	[sflag:s15] =	ssyncset.done $0x0  }
0x60: {  	s5 =	simm.s32 $0x380;
	[sflag:s15] =	ssyncadd.s32 $0xFFFFE000  }
0x61: {  	[tilespmem:s23], [sflag:$0x3] =	stream.indirect.gather [hbm4b:s12+s20], $0x40, s5, s20, $0xb8;
	[tilespmem:$0x1E000] =	vst v63  }
0x62: {  	_ =	swait.ge [sflag:s22], $0x2000  }
0x63: {  	[sflag:s22] =	ssyncset.done $0x0  }
0x64: {  	s6 =	simm.s32 $0x400;
	[sflag:s22] =	ssyncadd.s32 $0xFFFFE000  }
0x65: {  	[tilespmem:s25], [sflag:$0x4] =	stream.indirect.gather [hbm4b:s12+s20], $0x40, s6, s20, $0xb8;
	[tilespmem:$0x1E000] =	vst v63  }
0x66: {  	_ =	swait.ge [sflag:s24], $0x2000  }
0x67: {  	[sflag:s24] =	ssyncset.done $0x0  }
0x68: {  	s4 =	simm.s32 $0xA00;
	s5 =	simm.s32 $0x480;
	[sflag:s24] =	ssyncadd.s32 $0xFFFFE000  }
.LBB2_2:
0x69: {  	[tilespmem:s28], [sflag:$0x5] =	stream.indirect.gather [hbm4b:s12+s20], $0x40, s5, s20, $0xb8;
	[tilespmem:$0x1E000] =	vst v63  }
0x6a: {  	s5 =	smov.u32 s4  }
0x6b: {  	p0 =	sne.s32 s4, $0x12C00;
	s4 =	sadd.s32 $0xA00, s4;
	_ =	swait.ge [sflag:s18], $0x2000  }
0x6c: {  	s5 =	sshra.s32 s5, $0x2;
	[sflag:s18] =	ssyncset.done $0x0  }
0x6d: {  	s6 =	sadd.s32 $0x5000, s5;
	[sflag:s18] =	ssyncadd.s32 $0xFFFFE000  }
0x6e: {  	[spmem:s2] =	stream.indirect.scatter.add.f32 [tilespmem:s16], [sflag:$0x6], $0x40, s6, s20, $0xb8;
	[tilespmem:$0x1E000] =	vst v63  }
0x6f: {  	_ =	swait.ge [sflag:s19], $0x2000  }
0x70: {  	[sflag:s19] =	ssyncset.done $0x0  }
0x71: {  	s6 =	sadd.s32 $0x5080, s5;
	[sflag:s19] =	ssyncadd.s32 $0xFFFFE000  }
0x72: {  	[spmem:s2] =	stream.indirect.scatter.add.f32 [tilespmem:s21], [sflag:$0x7], $0x40, s6, s20, $0xb8;
	[tilespmem:$0x1E000] =	vst v63  }
0x73: {  	_ =	swait.ge [sflag:s29], $0x2000  }
0x74: {  	[sflag:s29] =	ssyncset.done $0x0  }
0x75: {  	s6 =	sadd.s32 $0x5100, s5;
	[sflag:s29] =	ssyncadd.s32 $0xFFFFE000  }
0x76: {  	[spmem:s2] =	stream.indirect.scatter.add.f32 [tilespmem:s23], [sflag:$0x8], $0x40, s6, s20, $0xb8;
	[tilespmem:$0x1E000] =	vst v63  }
0x77: {  	_ =	swait.ge [sflag:s30], $0x2000  }
0x78: {  	[sflag:s30] =	ssyncset.done $0x0  }
0x79: {  	s6 =	sadd.s32 $0x5180, s5;
	[sflag:s30] =	ssyncadd.s32 $0xFFFFE000  }
0x7a: {  	[spmem:s2] =	stream.indirect.scatter.add.f32 [tilespmem:s25], [sflag:$0x9], $0x40, s6, s20, $0xb8;
	[tilespmem:$0x1E000] =	vst v63  }
0x7b: {  	_ =	swait.ge [sflag:s31], $0x2000  }
0x7c: {  	[sflag:s31] =	ssyncset.done $0x0  }
0x7d: {  	s6 =	sadd.s32 $0x5200, s5;
	[sflag:s31] =	ssyncadd.s32 $0xFFFFE000  }
0x7e: {  	[spmem:s2] =	stream.indirect.scatter.add.f32 [tilespmem:s28], [sflag:$0xA], $0x40, s6, s20, $0xb8;
	[tilespmem:$0x1E000] =	vst v63  }
0x7f: {  	_ =	swait.ge [sflag:s0], $0x2000  }
0x80: {  	[sflag:s0] =	ssyncset.done $0x0  }
0x81: {  	s6 =	sadd.s32 $0x280, s5;
	[sflag:s0] =	ssyncadd.s32 $0xFFFFE000  }
0x82: {  	[tilespmem:s16], [sflag:$0x1] =	stream.indirect.gather [hbm4b:s12+s20], $0x40, s6, s20, $0xb8;
	[tilespmem:$0x1E000] =	vst v63  }
0x83: {  	_ =	swait.ge [sflag:s1], $0x2000  }
0x84: {  	[sflag:s1] =	ssyncset.done $0x0  }
0x85: {  	s6 =	sadd.s32 $0x300, s5;
	[sflag:s1] =	ssyncadd.s32 $0xFFFFE000  }
0x86: {  	[tilespmem:s21], [sflag:$0x2] =	stream.indirect.gather [hbm4b:s12+s20], $0x40, s6, s20, $0xb8;
	[tilespmem:$0x1E000] =	vst v63  }
0x87: {  	_ =	swait.ge [sflag:s15], $0x2000  }
0x88: {  	[sflag:s15] =	ssyncset.done $0x0  }
0x89: {  	s6 =	sadd.s32 $0x380, s5;
	[sflag:s15] =	ssyncadd.s32 $0xFFFFE000  }
0x8a: {  	[tilespmem:s23], [sflag:$0x3] =	stream.indirect.gather [hbm4b:s12+s20], $0x40, s6, s20, $0xb8;
	[tilespmem:$0x1E000] =	vst v63  }
0x8b: {  	_ =	swait.ge [sflag:s22], $0x2000  }
0x8c: {  	[sflag:s22] =	ssyncset.done $0x0  }
.Ltmp0:
0x8d: {  	s6 =	sadd.s32 $0x400, s5;
	[sflag:s22] =	ssyncadd.s32 $0xFFFFE000;
	(pc) =	sbr.rel @p0 .LBB2_2-.Ltmp0, $4  }
0x8e: {  	[tilespmem:s25], [sflag:$0x4] =	stream.indirect.gather [hbm4b:s12+s20], $0x40, s6, s20, $0xb8;
	[tilespmem:$0x1E000] =	vst v63  }
0x8f: {  	_ =	swait.ge [sflag:s24], $0x2000  }
0x90: {  	[sflag:s24] =	ssyncset.done $0x0  }
0x91: {  	s5 =	sadd.s32 $0x480, s5;
	[sflag:s24] =	ssyncadd.s32 $0xFFFFE000  }
0x92: {  	[tilespmem:s28], [sflag:$0x5] =	stream.indirect.gather [hbm4b:s12+s20], $0x40, s5, s20, $0xb8;
	[tilespmem:$0x1E000] =	vst v63  }
0x93: {  	_ =	swait.ge [sflag:s18], $0x2000  }
0x94: {  	[sflag:s18] =	ssyncset.done $0x0  }
0x95: {  	s4 =	simm.s32 $0x9D80;
	[sflag:s18] =	ssyncadd.s32 $0xFFFFE000  }
0x96: {  	[spmem:s2] =	stream.indirect.scatter.add.f32 [tilespmem:s16], [sflag:$0x6], $0x40, s4, s20, $0xb8;
	[tilespmem:$0x1E000] =	vst v63  }
0x97: {  	_ =	swait.ge [sflag:s19], $0x2000  }
0x98: {  	[sflag:s19] =	ssyncset.done $0x0  }
0x99: {  	s5 =	simm.s32 $0x9E00;
	[sflag:s19] =	ssyncadd.s32 $0xFFFFE000  }
0x9a: {  	[spmem:s2] =	stream.indirect.scatter.add.f32 [tilespmem:s21], [sflag:$0x7], $0x40, s5, s20, $0xb8;
	[tilespmem:$0x1E000] =	vst v63  }
0x9b: {  	_ =	swait.ge [sflag:s29], $0x2000  }
0x9c: {  	[sflag:s29] =	ssyncset.done $0x0  }
0x9d: {  	s6 =	simm.s32 $0x9E80;
	[sflag:s29] =	ssyncadd.s32 $0xFFFFE000  }
0x9e: {  	[spmem:s2] =	stream.indirect.scatter.add.f32 [tilespmem:s23], [sflag:$0x8], $0x40, s6, s20, $0xb8;
	[tilespmem:$0x1E000] =	vst v63  }
0x9f: {  	_ =	swait.ge [sflag:s30], $0x2000  }
0xa0: {  	[sflag:s30] =	ssyncset.done $0x0  }
0xa1: {  	s5 =	simm.s32 $0x9F00;
	[sflag:s30] =	ssyncadd.s32 $0xFFFFE000  }
0xa2: {  	[spmem:s2] =	stream.indirect.scatter.add.f32 [tilespmem:s25], [sflag:$0x9], $0x40, s5, s20, $0xb8;
	[tilespmem:$0x1E000] =	vst v63  }
0xa3: {  	_ =	swait.ge [sflag:s31], $0x2000  }
0xa4: {  	[sflag:s31] =	ssyncset.done $0x0  }
0xa5: {  	s6 =	simm.s32 $0x9F80;
	[sflag:s31] =	ssyncadd.s32 $0xFFFFE000  }
0xa6: {  	[spmem:s2] =	stream.indirect.scatter.add.f32 [tilespmem:s28], [sflag:$0xA], $0x40, s6, s20, $0xb8;
	[tilespmem:$0x1E000] =	vst v63  }
0xa7: {  	_ =	swait.ge [sflag:s0], $0x2000  }
0xa8: {  	[sflag:s0] =	ssyncset.done $0x0  }
0xa9: {  	[sflag:s0] =	ssyncadd.s32 $0xFFFFE000  }
0xaa: {  	_ =	swait.ge [sflag:s1], $0x2000  }
0xab: {  	[sflag:s1] =	ssyncset.done $0x0  }
0xac: {  	[sflag:s1] =	ssyncadd.s32 $0xFFFFE000  }
0xad: {  	_ =	swait.ge [sflag:s15], $0x2000  }
0xae: {  	[sflag:s15] =	ssyncset.done $0x0  }
0xaf: {  	[sflag:s15] =	ssyncadd.s32 $0xFFFFE000  }
0xb0: {  	_ =	swait.ge [sflag:s22], $0x2000  }
0xb1: {  	[sflag:s22] =	ssyncset.done $0x0  }
0xb2: {  	[sflag:s22] =	ssyncadd.s32 $0xFFFFE000  }
0xb3: {  	s5 =	stileid.u32;
	_ =	swait.ge [sflag:s24], $0x2000  }
0xb4: {  	s26 =	sadd.s32 $0x1, s26;
	s4 =	sshll.u32 s5, $0x6;
	[sflag:s24] =	ssyncset.done $0x0  }
0xb5: {  	p0 =	sne.s32 s26, s14;
	s4 =	sor.u32 $0x1C0B, s4;
	[sflag:s24] =	ssyncadd.s32 $0xFFFFE000  }
.Ltmp1:
0xb6: {  	s6 =	sshrl.u32 s7, $0x3;
	[bflag:$0x0] =	sbarrier.arrive $0xFFFF;
	(pc) =	sbr.rel @p0 .LBB2_1-.Ltmp1, $4  }
0xb7: {  	[hbm:s13], [sflag:s4] =	dma.local [spmem:s6], $0x1400  }
0xb8: {  	_ =	swait.ge [sflag:s17], $0x1400  }
0xb9: {  	[sflag:s17] =	ssyncset.done $0x0  }
0xba: {  	[sflag:s17] =	ssyncadd.s32 $0xFFFFEC00  }
0xbb: {  	_ =	sfence.sel $0x180000  }
0xbc: {  	[bflag:$0x0] =	sbarrier.arrive $0xFFFF  }
0xbd: {  	_ =	strace $0x9000004D  }
0xbe: {  	s0 =	stileid.u32;
	[bflag:$0x2] =	sbarrier.arrive $0xFFFF  }
0xbf: {  	p0 =	sne.s32 s0, $0x0;
	s0 =	rddreg [dreg:$0x3]  }
0xc0: {  	s0 =	sadd.s32 @!p0 $0x100000, s0  }
0xc1: {  	[sflag:s0] =	ssyncadd.tile.s32 @!p0 $0x1;
	_ =	shalt  }
.Lfunc_end2:
_tile_overlayer_lowered:
.L_overlay_start_2:
0xc2: {  	(tag) =	ssettag $0x2  }
0xc3: {  	s0 =	rddreg [dreg:$0x0];
	s2 =	stileid.u32  }
0xc4: {  	s1 =	rddreg [dreg:$0x1];
	p0 =	sne.s32 s2, $0x0  }
0xc5: {  	s3 =	rddreg [dreg:$0x2];
	[bflag:$0x3] =	sbarrier.arrive $0xFFFF;
	s2 =	simm.s32 @!p0 $0x1C0B  }
0xc6: {  	[timem:s3], [sflag:s2] =	dma.local @!p0 [hbm:s0], s1  }
0xc7: {  	s0 =	simm.s32 @!p0 $0xB  }
0xc8: {  	_ =	swait.ge @!p0 [sflag:s0], s1  }
0xc9: {  	s1 =	ssub.s32 @!p0 $0x0, s1;
	[sflag:s0] =	ssyncset.done @!p0 $0x0  }
0xca: {  	[sflag:s0] =	ssyncadd.s32 @!p0 s1  }
0xcb: {  	[bflag:$0x3] =	sbarrier.arrive $0xFFFF  }
0xcc: {  	_ =	shalt  }

// kernel: kernel.8.cloned.1.call-start
scs
__scs_entry_jumppad:
0x0: {  	(pc) =	sbr.rel $0x88, $3  }
0x1: {  	(tag) =	ssettag $0x0;
	lr =	simm.s32 $0x1  }
0x2: {  	[smem:$0x3F97] =	sst lr;
	_ =	strace $0xD0000000  }
0x3: {  	_ = 	snop  }
0x4: {  	_ = 	snop  }
0x5: {  	_ = 	snop  }
0x6: {  	_ = 	snop  }
0x7: {  	_ = 	snop  }
__scs_overlays_trampoline_lowered:
0x8: {  	[smem:$0x3FA6] =	sst s0  }
0x9: {  	[smem:$0x3FA7] =	sst s1  }
0xa: {  	[smem:$0x3FA8] =	sst s2  }
0xb: {  	[smem:$0x3FA9] =	sst s3  }
0xc: {  	[smem:$0x3FAA] =	sst s4  }
0xd: {  	[smem:$0x3FAB] =	sst s5  }
0xe: {  	[smem:$0x3FAC] =	sst s6  }
0xf: {  	[smem:$0x3FAD] =	sst s7  }
0x10: {  	[smem:$0x3FAE] =	sst s8  }
0x11: {  	[smem:$0x3FAF] =	sst s9;
	s0 =	simm.s32 @!p0 $0x0  }
0x12: {  	s1 =	sld [smem:$0x3F95];
	s0 =	simm.s32 @p0 $0x1  }
0x13: {  	[smem:$0x3FB0] =	sst s0;
	s0 =	simm.s32 @!p1 $0x0  }
0x14: {  	s2 =	sld [smem:$0x3F94];
	s0 =	simm.s32 @p1 $0x1  }
0x15: {  	[smem:$0x3FB1] =	sst s0;
	s0 =	simm.s32 @!p2 $0x0  }
0x16: {  	s3 =	sld [smem:$0x3FDB];
	s0 =	simm.s32 @p2 $0x1  }
0x17: {  	s4 =	simm.s32 $0x1BF5;
	[smem:$0x3FB3] =	sst s0  }
0x18: {  	s0 =	sld [smem:$0x3F96];
	_ =	swait.ge [sflag:s4], $0x0  }
0x19: {  	s7 =	sld [smem:$0x3F97]  }
0x1a: {  	s8 =	sadd.s32 $0xFFFFE003, lr  }
0x1b: {  	s9 =	sadd.s32 $0xFFFFFEF7, lr;
	s5 =	simm.s32 $0xFFFFFFFF;
	p2 =	slt.u32 s8, $0xFFFFF086  }
0x1c: {  	p1 =	slt.u32 s9, $0xF7A;
	s5 =	simm.s32 @!p2 $0x0  }
0x1d: {  	s5 =	simm.s32 @p1 $0x1;
	p0 =	seq.s32 s7, s2  }
0x1e: {  	s7 =	smul.u32 @!p0 $0xF7A, s2;
	p2 =	seq.s32 @!p0 s5, $0x0  }
0x1f: {  	s9 =	smul.u32 $0xF7A, s1;
	s8 =	simm.s32 @!p0 $0x1BF5;
	p2 =	por !p2, p0  }
0x20: {  	[sflag:s8] =	ssyncset.s32 @!p0 $0xFFFFF086;
	s6 =	sadd.s32 @!p0 s3, s7;
	s7 =	simm.s32 @!p0 $0x108  }
0x21: {  	s3 =	sadd.s32 s3, s9;
	s6 =	sadd.s32 @!p0 $0x88, s6;
	s7 =	simm.s32 @p2 $0x1082  }
0x22: {  	[simem:s7], [sflag:s8] =	dma.local @!p0 [hbm:s6], $0xF7A  }
0x23: {  	s9 =	sor.u32 $0xD0000000, s2;
	s6 =	simm.s32 $0x108;
	_ =	swait.ge @!p0 [sflag:s8], $0x0  }
0x24: {  	s3 =	sadd.s32 $0x88, s3;
	s6 =	simm.s32 @!p1 $0x1082;
	[sflag:s4] =	ssyncset.s32 $0xFFFFF086  }
0x25: {  	[simem:s6], [sflag:s4] =	dma.local [hbm:s3], $0xF7A  }
0x26: {  	[smem:$0x3F97] =	sst s1;
	(tag) =	ssettag s2;
	_ =	strace s9  }
0x27: {  	s1 =	sld [smem:$0x3FA7]  }
0x28: {  	s2 =	sld [smem:$0x3FA8]  }
0x29: {  	s4 =	sld [smem:$0x3FAA]  }
0x2a: {  	p0 =	seq.s32 s5, $0x0;
	s5 =	sld [smem:$0x3FAB]  }
0x2b: {  	s6 =	sld [smem:$0x3FAC]  }
0x2c: {  	s7 =	sld [smem:$0x3FAD]  }
0x2d: {  	s3 =	simm.s32 $0x108;
	s8 =	sld [smem:$0x3FAE]  }
0x2e: {  	s3 =	simm.s32 @!p0 $0x1082;
	s9 =	sld [smem:$0x3FAF]  }
0x2f: {  	lr =	sadd.s32 s0, s3;
	s0 =	sld [smem:$0x3FA6]  }
0x30: {  	s3 =	sld [smem:$0x3FA9]  }
0x31: {  	[smem:$0x3FB2] =	sst s10  }
0x32: {  	s10 =	sld [smem:$0x3FB0];
	_ =	sdelay $0x3  }
0x33: {  	p0 =	seq.s32 s10, $0x1;
	s10 =	sld [smem:$0x3FB2];
	_ =	sdelay $0x3  }
0x34: {  	[smem:$0x3FB2] =	sst s10  }
0x35: {  	s10 =	sld [smem:$0x3FB1];
	_ =	sdelay $0x3  }
0x36: {  	p1 =	seq.s32 s10, $0x1;
	s10 =	sld [smem:$0x3FB2];
	_ =	sdelay $0x3  }
0x37: {  	[smem:$0x3FB2] =	sst s10  }
0x38: {  	s10 =	sld [smem:$0x3FB3]  }
0x39: {  	_ = 	snop;
	(pc) =	sbr.ind lr, $3  }
0x3a: {  	_ = 	snop  }
0x3b: {  	_ = 	snop  }
0x3c: {  	p2 =	seq.s32 s10, $0x1;
	s10 =	sld [smem:$0x3FB2]  }
0x3d: {  	_ =	shalt  }
0x3e: {  	_ =	shalt  }
0x3f: {  	_ =	shalt  }
0x40: {  	_ =	shalt  }
0x41: {  	_ =	shalt  }
0x42: {  	_ =	shalt  }
0x43: {  	_ =	shalt  }
0x44: {  	_ =	shalt  }
0x45: {  	_ =	shalt  }
0x46: {  	_ =	shalt  }
0x47: {  	_ =	shalt  }
0x48: {  	_ =	shalt  }
0x49: {  	_ =	shalt  }
0x4a: {  	_ =	shalt  }
0x4b: {  	_ =	shalt  }
0x4c: {  	_ =	shalt  }
0x4d: {  	_ =	shalt  }
0x4e: {  	_ =	shalt  }
0x4f: {  	_ =	shalt  }
0x50: {  	_ =	shalt  }
0x51: {  	_ =	shalt  }
0x52: {  	_ =	shalt  }
0x53: {  	_ =	shalt  }
0x54: {  	_ =	shalt  }
0x55: {  	_ =	shalt  }
0x56: {  	_ =	shalt  }
0x57: {  	_ =	shalt  }
0x58: {  	_ =	shalt  }
0x59: {  	_ =	shalt  }
0x5a: {  	_ =	shalt  }
0x5b: {  	_ =	shalt  }
0x5c: {  	_ =	shalt  }
0x5d: {  	_ =	shalt  }
0x5e: {  	_ =	shalt  }
0x5f: {  	_ =	shalt  }
0x60: {  	_ =	shalt  }
0x61: {  	_ =	shalt  }
0x62: {  	_ =	shalt  }
0x63: {  	_ =	shalt  }
0x64: {  	_ =	shalt  }
0x65: {  	_ =	shalt  }
0x66: {  	_ =	shalt  }
0x67: {  	_ =	shalt  }
0x68: {  	_ =	shalt  }
0x69: {  	_ =	shalt  }
0x6a: {  	_ =	shalt  }
0x6b: {  	_ =	shalt  }
0x6c: {  	_ =	shalt  }
0x6d: {  	_ =	shalt  }
0x6e: {  	_ =	shalt  }
0x6f: {  	_ =	shalt  }
0x70: {  	_ =	shalt  }
0x71: {  	_ =	shalt  }
0x72: {  	_ =	shalt  }
0x73: {  	_ =	shalt  }
0x74: {  	_ =	shalt  }
0x75: {  	_ =	shalt  }
0x76: {  	_ =	shalt  }
0x77: {  	_ =	shalt  }
0x78: {  	_ =	shalt  }
0x79: {  	_ =	shalt  }
0x7a: {  	_ =	shalt  }
0x7b: {  	_ =	shalt  }
0x7c: {  	_ =	shalt  }
0x7d: {  	_ =	shalt  }
0x7e: {  	_ =	shalt  }
0x7f: {  	_ =	shalt  }
0x80: {  	_ =	shalt  }
0x81: {  	_ =	shalt  }
0x82: {  	_ =	shalt  }
0x83: {  	_ =	shalt  }
0x84: {  	_ =	shalt  }
0x85: {  	_ =	shalt  }
0x86: {  	_ =	shalt  }
0x87: {  	_ =	shalt  }
.Lfunc_end0:
.L_simem_size_0:
called_computation_lowered:
.L_overlay_start_0:
0x88: {  	s2 =	sld [smem:$0x3FD9]  }
0x89: {  	s3 =	sld [smem:$0x3FFE];
	_ =	sdelay $0x1  }
0x8a: {  	s1 =	srdreg.scid  }
0x8b: {  	s0 =	sand.u32 $0x1, s1  }
0x8c: {  	s17 =	sshll.u32 s0, $0xA;
	s2 =	sadd.s32 s3, s2  }
0x8d: {  	s2 =	sadd.s32 s2, s17  }
0x8e: {  	[smem:$0x3FBE] =	sst s2  }
0x8f: {  	_ = 	snop  }
0x90: {  	s2 =	sld [smem:$0x3FD0];
	(tm) =	ssettm $0x1  }
0x91: {  	s18 =	sld [smem:$0x3FFB];
	_ =	sdelay $0x3  }
0x92: {  	_ =	strace s18  }
0x93: {  	s3 =	sld [smem:$0x3FFC];
	_ =	sdelay $0x3  }
0x94: {  	_ =	strace s3  }
0x95: {  	s3 =	sld [smem:$0x3FFD];
	_ =	sdelay $0x3  }
0x96: {  	_ =	strace s3  }
0x97: {  	_ =	strace $0x8FFFFFFF  }
0x98: {  	s19 =	sld [smem:$0x3FDB];
	_ =	sdelay $0x1  }
0x99: {  	s4 =	simm.s32 $_scs_section_size  }
0x9a: {  	s5 =	simm.s32 $_size__tile_overlayer_lowered;
	s6 =	simm.s32 $_tile_overlayer_lowered  }
0x9b: {  	s22 =	simm.s32 $0x1BFF;
	s21 =	sshll.u32 s6, $0x1;
	s3 =	sadd.s32 s4, s19  }
0x9c: {  	s7 =	simm.s32 $0x0;
	s20 =	sshll.u32 s5, $0x1;
	s5 =	sadd.s32 s21, s3  }
0x9d: {  	[timem:s7], [sflag:s22] =	dma.local [hbm:s5], s20  }
0x9e: {  	_ =	swait.ge [sflag:s22], s20  }
0x9f: {  	s4 =	ssub.s32 $0x0, s20;
	[sflag:s22] =	ssyncset.done $0x0  }
0xa0: {  	[sflag:s22] =	ssyncadd.s32 s4;
	_ =	sdelay $0x1  }
0xa1: {  	s23 =	simm.s32 $0x1B8B  }
0xa2: {  	_ =	swait.ge [sflag:s23], $0x1  }
0xa3: {  	[sflag:s23] =	ssyncset.done $0x0  }
0xa4: {  	s25 =	simm.s32 $0x1B8E;
	s24 =	sld [smem:$0x3FFE];
	[sflag:s23] =	ssyncadd.s32 $0xFFFFFFFF  }
0xa5: {  	s26 =	simm.s32 $execute0_lowered;
	[smem:$0x3FD2] =	sst s25  }
0xa6: {  	s5 =	sshll.u32 s26, $0x1;
	_ =	strace $0x80000046;
	[dreg:$0x1] =	wrdreg $0xFFFFFFFF  }
0xa7: {  	s28 =	simm.s32 $_size_execute0_lowered;
	s3 =	sadd.s32 s3, s5;
	[dreg:$0x0] =	wrdreg $0x0  }
0xa8: {  	s5 =	sshll.u32 s28, $0x1;
	[dreg:$0x2] =	wrdreg s3  }
0xa9: {  	[dreg:$0x3] =	wrdreg s5  }
0xaa: {  	[dreg:$0x4] =	wrdreg $0xC0  }
0xab: {  	_ =	task [dreg:s7], $0x5FFFF  }
0xac: {  	[dreg:$0x1] =	wrdreg $0xFFFFFFFF  }
0xad: {  	[dreg:$0x0] =	wrdreg $0x60  }
0xae: {  	[dreg:$0x2] =	wrdreg s2  }
0xaf: {  	[dreg:$0x3] =	wrdreg s24  }
0xb0: {  	[dreg:$0x4] =	wrdreg $0x55800  }
0xb1: {  	[dreg:$0x5] =	wrdreg $0x9  }
0xb2: {  	_ =	task.clear_ibuf [dreg:s7], $0x6FFFF;
	_ =	strace $0x90000046  }
0xb3: {  	s29 =	simm.s32 $0x9;
	_ =	strace $0x80000048  }
0xb4: {  	_ =	swait.ge [sflag:s29], $0x1  }
0xb5: {  	[sflag:s29] =	ssyncadd.s32 $0xFFFFFFFF  }
0xb6: {  	_ =	strace $0x90000048  }
0xb7: {  	_ =	sfence  }
0xb8: {  	s30 =	sld [smem:$0x0];
	_ =	sdelay $0x2  }
0xb9: {  	s31 =	sshll.u32 s1, $0xD;
	s1 =	sshrl.u32 s1, $0x2  }
0xba: {  	s3 =	sand.u32 $0x4000, s31;
	s1 =	sadd.s32 s1, s30  }
0xbb: {  	s0 =	sor.u32 s3, s0;
	s1 =	sshll.u32 s1, $0x11  }
0xbc: {  	s0 =	sor.u32 s1, s0  }
0xbd: {  	s0 =	sadd.s32 $0x8F2B, s0  }
0xbe: {  	[sflag:s0] =	ssyncadd.remote.s32 $0x1  }
0xbf: {  	_ =	sfence.sel $0xFFFF  }
0xc0: {  	[dreg:$0x0] =	wrdreg $0xFFFFFFFF;
	(pc) =	sbr.abs _section_cstart, $3  }
0xc1: {  	[dreg:$0x1] =	wrdreg $0xFFFFFFFF  }
0xc2: {  	_ =	task.clear_ibuf [dreg:s7], $0x2FFFF;
	_ =	strace $0x9FFFFFFF  }
0xc3: {  	(tm) =	ssettm $0x7FFFFFFF  }
tec
execute0_lowered:
.L_overlay_start_1:
0x0: {  	(tag) =	ssettag $0x1  }
0x1: {  	s6 =	rddreg [dreg:$0x0]  }
0x2: {  	s5 =	rddreg [dreg:$0x1]  }
0x3: {  	s2 =	rddreg [dreg:$0x2]  }
0x4: {  	s0 =	rddreg [dreg:$0x3]  }
0x5: {  	s3 =	simm.s32 $0x0;
	s4 =	srdreg.scid;
	s1 =	stileid.u32  }
0x6: {  	s12 =	simm.s32 $0x5000;
	s13 =	simm.s32 $0x1;
	s14 =	simm.s32 $0x2  }
0x7: {  	s15 =	simm.s32 $0x3;
	s16 =	simm.s32 $0x4;
	s17 =	simm.s32 $0x5  }
0x8: {  	s18 =	simm.s32 $0x6;
	s19 =	simm.s32 $0x7;
	s20 =	simm.s32 $0x8  }
0x9: {  	s23 =	simm.s32 $0x20;
	s24 =	simm.s32 $0x10;
	s25 =	simm.s32 $0x0  }
0xa: {  	[smem:$0x7FF] =	sst s3;
	s7 =	sand.u32 $0x1, s4;
	s8 =	smul.u32 $0xA00, s1  }
0xb: {  	s4 =	sadd.s32 $0x2400, s5;
	s31 =	smul.u32 $0x1400, s1;
	s21 =	sshll.u32 s1, $0x6  }
0xc: {  	_ =	strace $0x80000047;
	s9 =	sshll.u32 s7, $0x7;
	s10 =	sshll.u32 s7, $0x4  }
0xd: {  	s7 =	ssub.s32 $0x2, s7;
	s21 =	sor.u32 $0x1C09, s21;
	s8 =	sor.u32 s9, s8  }
0xe: {  	s10 =	sor.u32 s1, s10;
	s11 =	sshrl.u32 s7, $0x1;
	s9 =	sshrl.u32 s31, $0x2  }
0xf: {  	s8 =	sshrl.u32 s8, $0x3;
	s10 =	smul.u32 $0xA00, s10;
	s11 =	ssub.s32 s7, s11  }
0x10: {  	s8 =	sadd.s32 s8, s5;
	s5 =	sadd.s32 s9, s2;
	s9 =	simm.s32 $0x5080  }
0x11: {  	s6 =	sadd.s32 s6, s10;
	s7 =	sadd.s32 $0x2600, s8;
	s8 =	smax.u32 s11, $0x1  }
0x12: {  	v0 =	vimm.f32 $1.000000000e+00;
	s10 =	simm.s32 $0x9;
	s11 =	simm.s32 $0x80;
	s22 =	sshrl.u32 s5, $0x3  }
.LBB2_1:
0x13: {  	[tilespmem:$0x5000] =	vst v0  }
0x14: {  	[tilespmem:$0x5010] =	vst v0  }
0x15: {  	[tilespmem:$0x5020] =	vst v0  }
0x16: {  	[tilespmem:$0x5030] =	vst v0  }
0x17: {  	[tilespmem:$0x5040] =	vst v0  }
0x18: {  	[tilespmem:$0x5050] =	vst v0  }
0x19: {  	[tilespmem:$0x5060] =	vst v0  }
0x1a: {  	[tilespmem:$0x5070] =	vst v0  }
0x1b: {  	[tilespmem:s9], [sflag:$0x9] =	stream.linear.gather [hbm4b:s4+s3], $0x500, $0x38;
	[tilespmem:$0x5A80] =	vst v63  }
0x1c: {  	_ =	swait.ge [sflag:s10], $0x500  }
0x1d: {  	[sflag:s10] =	ssyncset.done $0x0  }
0x1e: {  	[sflag:s10] =	ssyncadd.s32 $0xFFFFFB00  }
0x1f: {  	[spmem:s5] =	stream.linear.scatter [tilespmem:s9], [sflag:$0x9], $0x500, $0x38;
	[tilespmem:$0x5A80] =	vst v63  }
0x20: {  	_ =	swait.ge [sflag:s10], $0x500  }
0x21: {  	[sflag:s10] =	ssyncset.done $0x0  }
0x22: {  	[sflag:s10] =	ssyncadd.s32 $0xFFFFFB00  }
0x23: {  	[tilespmem:s3], [sflag:$0x9] =	stream.linear.gather [hbm4b:s6+s3], $0x5000, $0x38;
	[tilespmem:$0x5A80] =	vst v63  }
0x24: {  	_ =	swait.ge [sflag:s10], $0x5000  }
0x25: {  	[sflag:s10] =	ssyncset.done $0x0  }
0x26: {  	[sflag:s10] =	ssyncadd.s32 $0xFFFFB000  }
0x27: {  	s26 =	simm.s32 $0x0;
	[bflag:$0x0] =	sbarrier.arrive $0xFFFF  }
0x28: {  	[spmem:s2] =	stream.indirect.scatter.add.f32 [tilespmem:s12], [sflag:$0x1], $0x1, s26, s11, $0xb8;
	[tilespmem:$0x5A80] =	vst v63  }
0x29: {  	s31 =	simm.s32 $0x80  }
0x2a: {  	[spmem:s2] =	stream.indirect.scatter.add.f32 [tilespmem:s12], [sflag:$0x2], $0x1, s31, s11, $0xb8;
	[tilespmem:$0x5A80] =	vst v63  }
0x2b: {  	s28 =	simm.s32 $0x100  }
0x2c: {  	[spmem:s2] =	stream.indirect.scatter.add.f32 [tilespmem:s12], [sflag:$0x3], $0x1, s28, s11, $0xb8;
	[tilespmem:$0x5A80] =	vst v63  }
0x2d: {  	s30 =	simm.s32 $0x180  }
0x2e: {  	[spmem:s2] =	stream.indirect.scatter.add.f32 [tilespmem:s12], [sflag:$0x4], $0x1, s30, s11, $0xb8;
	[tilespmem:$0x5A80] =	vst v63  }
0x2f: {  	s31 =	simm.s32 $0x200  }
0x30: {  	[spmem:s2] =	stream.indirect.scatter.add.f32 [tilespmem:s12], [sflag:$0x5], $0x1, s31, s11, $0xb8;
	[tilespmem:$0x5A80] =	vst v63  }
0x31: {  	s28 =	simm.s32 $0x280  }
0x32: {  	[spmem:s2] =	stream.indirect.scatter.add.f32 [tilespmem:s12], [sflag:$0x6], $0x1, s28, s11, $0xb8;
	[tilespmem:$0x5A80] =	vst v63  }
0x33: {  	s30 =	simm.s32 $0x300  }
0x34: {  	[spmem:s2] =	stream.indirect.scatter.add.f32 [tilespmem:s12], [sflag:$0x7], $0x1, s30, s11, $0xb8;
	[tilespmem:$0x5A80] =	vst v63  }
0x35: {  	s31 =	simm.s32 $0x380  }
0x36: {  	[spmem:s2] =	stream.indirect.scatter.add.f32 [tilespmem:s12], [sflag:$0x8], $0x1, s31, s11, $0xb8;
	[tilespmem:$0x5A80] =	vst v63  }
0x37: {  	_ =	swait.ge [sflag:s13], $0x80  }
0x38: {  	[sflag:s13] =	ssyncset.done $0x0  }
0x39: {  	[sflag:s13] =	ssyncadd.s32 $0xFFFFFF80  }
0x3a: {  	_ =	swait.ge [sflag:s14], $0x80  }
0x3b: {  	[sflag:s14] =	ssyncset.done $0x0  }
0x3c: {  	[sflag:s14] =	ssyncadd.s32 $0xFFFFFF80  }
0x3d: {  	_ =	swait.ge [sflag:s15], $0x80  }
0x3e: {  	[sflag:s15] =	ssyncset.done $0x0  }
0x3f: {  	[sflag:s15] =	ssyncadd.s32 $0xFFFFFF80  }
0x40: {  	_ =	swait.ge [sflag:s16], $0x80  }
0x41: {  	[sflag:s16] =	ssyncset.done $0x0  }
0x42: {  	[sflag:s16] =	ssyncadd.s32 $0xFFFFFF80  }
0x43: {  	_ =	swait.ge [sflag:s17], $0x80  }
0x44: {  	[sflag:s17] =	ssyncset.done $0x0  }
0x45: {  	[sflag:s17] =	ssyncadd.s32 $0xFFFFFF80  }
0x46: {  	_ =	swait.ge [sflag:s18], $0x80  }
0x47: {  	[sflag:s18] =	ssyncset.done $0x0  }
0x48: {  	[sflag:s18] =	ssyncadd.s32 $0xFFFFFF80  }
0x49: {  	_ =	swait.ge [sflag:s19], $0x80  }
0x4a: {  	[sflag:s19] =	ssyncset.done $0x0  }
0x4b: {  	[sflag:s19] =	ssyncadd.s32 $0xFFFFFF80  }
0x4c: {  	_ =	swait.ge [sflag:s20], $0x80  }
0x4d: {  	s29 =	simm.s32 $0x2000;
	s26 =	simm.s32 $0x1000;
	[sflag:s20] =	ssyncset.done $0x0  }
.LBB2_2:
0x4e: {  	s30 =	sshra.s32 s26, $0x2  }
0x4f: {  	[sflag:s20] =	ssyncadd.s32 $0xFFFFFF80;
	s26 =	smov.u32 s29;
	s28 =	sadd.s32 $0x1000, s29  }
0x50: {  	[spmem:s2] =	stream.indirect.scatter.add.f32 [tilespmem:s12], [sflag:$0x1], $0x1, s30, s11, $0xb8;
	[tilespmem:$0x5A80] =	vst v63  }
0x51: {  	p0 =	sne.s32 s29, $0x13000;
	s29 =	sadd.s32 $0x80, s30  }
0x52: {  	[spmem:s2] =	stream.indirect.scatter.add.f32 [tilespmem:s12], [sflag:$0x2], $0x1, s29, s11, $0xb8;
	[tilespmem:$0x5A80] =	vst v63  }
0x53: {  	s29 =	sadd.s32 $0x100, s30  }
0x54: {  	[spmem:s2] =	stream.indirect.scatter.add.f32 [tilespmem:s12], [sflag:$0x3], $0x1, s29, s11, $0xb8;
	[tilespmem:$0x5A80] =	vst v63  }
0x55: {  	s29 =	sadd.s32 $0x180, s30  }
0x56: {  	[spmem:s2] =	stream.indirect.scatter.add.f32 [tilespmem:s12], [sflag:$0x4], $0x1, s29, s11, $0xb8;
	[tilespmem:$0x5A80] =	vst v63  }
0x57: {  	s29 =	sadd.s32 $0x200, s30  }
0x58: {  	[spmem:s2] =	stream.indirect.scatter.add.f32 [tilespmem:s12], [sflag:$0x5], $0x1, s29, s11, $0xb8;
	[tilespmem:$0x5A80] =	vst v63  }
0x59: {  	s29 =	sadd.s32 $0x280, s30  }
0x5a: {  	[spmem:s2] =	stream.indirect.scatter.add.f32 [tilespmem:s12], [sflag:$0x6], $0x1, s29, s11, $0xb8;
	[tilespmem:$0x5A80] =	vst v63  }
0x5b: {  	s29 =	sadd.s32 $0x300, s30  }
0x5c: {  	[spmem:s2] =	stream.indirect.scatter.add.f32 [tilespmem:s12], [sflag:$0x7], $0x1, s29, s11, $0xb8;
	[tilespmem:$0x5A80] =	vst v63  }
0x5d: {  	s29 =	sadd.s32 $0x380, s30  }
0x5e: {  	[spmem:s2] =	stream.indirect.scatter.add.f32 [tilespmem:s12], [sflag:$0x8], $0x1, s29, s11, $0xb8;
	[tilespmem:$0x5A80] =	vst v63  }
0x5f: {  	_ =	swait.ge [sflag:s13], $0x80  }
0x60: {  	[sflag:s13] =	ssyncset.done $0x0  }
0x61: {  	[sflag:s13] =	ssyncadd.s32 $0xFFFFFF80  }
0x62: {  	_ =	swait.ge [sflag:s14], $0x80  }
0x63: {  	[sflag:s14] =	ssyncset.done $0x0  }
0x64: {  	[sflag:s14] =	ssyncadd.s32 $0xFFFFFF80  }
0x65: {  	_ =	swait.ge [sflag:s15], $0x80  }
0x66: {  	[sflag:s15] =	ssyncset.done $0x0  }
0x67: {  	[sflag:s15] =	ssyncadd.s32 $0xFFFFFF80  }
0x68: {  	_ =	swait.ge [sflag:s16], $0x80  }
0x69: {  	[sflag:s16] =	ssyncset.done $0x0  }
0x6a: {  	[sflag:s16] =	ssyncadd.s32 $0xFFFFFF80  }
0x6b: {  	_ =	swait.ge [sflag:s17], $0x80  }
0x6c: {  	[sflag:s17] =	ssyncset.done $0x0  }
0x6d: {  	[sflag:s17] =	ssyncadd.s32 $0xFFFFFF80  }
0x6e: {  	_ =	swait.ge [sflag:s18], $0x80  }
0x6f: {  	[sflag:s18] =	ssyncset.done $0x0  }
0x70: {  	[sflag:s18] =	ssyncadd.s32 $0xFFFFFF80  }
.Ltmp0:
0x71: {  	_ =	swait.ge [sflag:s19], $0x80;
	(pc) =	sbr.rel @p0 .LBB2_2-.Ltmp0, $4  }
0x72: {  	[sflag:s19] =	ssyncset.done $0x0  }
0x73: {  	[sflag:s19] =	ssyncadd.s32 $0xFFFFFF80  }
0x74: {  	_ =	swait.ge [sflag:s20], $0x80  }
0x75: {  	s29 =	smov.u32 s28;
	[sflag:s20] =	ssyncset.done $0x0  }
0x76: {  	s26 =	sshra.s32 s26, $0x2;
	[sflag:s20] =	ssyncadd.s32 $0xFFFFFF80  }
0x77: {  	[spmem:s2] =	stream.indirect.scatter.add.f32 [tilespmem:s12], [sflag:$0x1], $0x1, s26, s11, $0xb8;
	[tilespmem:$0x5A80] =	vst v63  }
0x78: {  	s28 =	sadd.s32 $0x80, s26  }
0x79: {  	[spmem:s2] =	stream.indirect.scatter.add.f32 [tilespmem:s12], [sflag:$0x2], $0x1, s28, s11, $0xb8;
	[tilespmem:$0x5A80] =	vst v63  }
0x7a: {  	s30 =	sadd.s32 $0x100, s26  }
0x7b: {  	[spmem:s2] =	stream.indirect.scatter.add.f32 [tilespmem:s12], [sflag:$0x3], $0x1, s30, s11, $0xb8;
	[tilespmem:$0x5A80] =	vst v63  }
0x7c: {  	s31 =	sadd.s32 $0x180, s26  }
0x7d: {  	[spmem:s2] =	stream.indirect.scatter.add.f32 [tilespmem:s12], [sflag:$0x4], $0x1, s31, s11, $0xb8;
	[tilespmem:$0x5A80] =	vst v63  }
0x7e: {  	s29 =	sadd.s32 $0x200, s26  }
0x7f: {  	[spmem:s2] =	stream.indirect.scatter.add.f32 [tilespmem:s12], [sflag:$0x5], $0x1, s29, s11, $0xb8;
	[tilespmem:$0x5A80] =	vst v63  }
0x80: {  	s30 =	sadd.s32 $0x280, s26  }
0x81: {  	[spmem:s2] =	stream.indirect.scatter.add.f32 [tilespmem:s12], [sflag:$0x6], $0x1, s30, s11, $0xb8;
	[tilespmem:$0x5A80] =	vst v63  }
0x82: {  	s31 =	sadd.s32 $0x300, s26  }
0x83: {  	[spmem:s2] =	stream.indirect.scatter.add.f32 [tilespmem:s12], [sflag:$0x7], $0x1, s31, s11, $0xb8;
	[tilespmem:$0x5A80] =	vst v63  }
0x84: {  	s26 =	sadd.s32 $0x380, s26  }
0x85: {  	[spmem:s2] =	stream.indirect.scatter.add.f32 [tilespmem:s12], [sflag:$0x8], $0x1, s26, s11, $0xb8;
	[tilespmem:$0x5A80] =	vst v63  }
0x86: {  	_ =	swait.ge [sflag:s13], $0x80  }
0x87: {  	[sflag:s13] =	ssyncset.done $0x0  }
0x88: {  	[sflag:s13] =	ssyncadd.s32 $0xFFFFFF80  }
0x89: {  	_ =	swait.ge [sflag:s14], $0x80  }
0x8a: {  	[sflag:s14] =	ssyncset.done $0x0  }
0x8b: {  	[sflag:s14] =	ssyncadd.s32 $0xFFFFFF80  }
0x8c: {  	_ =	swait.ge [sflag:s15], $0x80  }
0x8d: {  	[sflag:s15] =	ssyncset.done $0x0  }
0x8e: {  	[sflag:s15] =	ssyncadd.s32 $0xFFFFFF80  }
0x8f: {  	_ =	swait.ge [sflag:s16], $0x80  }
0x90: {  	[sflag:s16] =	ssyncset.done $0x0  }
0x91: {  	[sflag:s16] =	ssyncadd.s32 $0xFFFFFF80  }
0x92: {  	_ =	swait.ge [sflag:s17], $0x80  }
0x93: {  	[sflag:s17] =	ssyncset.done $0x0  }
0x94: {  	[sflag:s17] =	ssyncadd.s32 $0xFFFFFF80  }
0x95: {  	_ =	swait.ge [sflag:s18], $0x80  }
0x96: {  	[sflag:s18] =	ssyncset.done $0x0  }
0x97: {  	[sflag:s18] =	ssyncadd.s32 $0xFFFFFF80  }
0x98: {  	_ =	swait.ge [sflag:s19], $0x80  }
0x99: {  	[sflag:s19] =	ssyncset.done $0x0  }
0x9a: {  	[sflag:s19] =	ssyncadd.s32 $0xFFFFFF80  }
0x9b: {  	_ =	swait.ge [sflag:s20], $0x80  }
0x9c: {  	s25 =	sadd.s32 $0x1, s25;
	[sflag:s20] =	ssyncset.done $0x0  }
0x9d: {  	p0 =	sne.s32 s25, s8;
	[sflag:s20] =	ssyncadd.s32 $0xFFFFFF80  }
.Ltmp1:
0x9e: {  	[bflag:$0x0] =	sbarrier.arrive $0xFFFF;
	(pc) =	sbr.rel @p0 .LBB2_1-.Ltmp1, $4  }
0x9f: {  	[hbm:s7@s23], [sflag:s21] =	dma.strided [spmem:s22@s24], $0xA0, s13, $0x10   }
0xa0: {  	_ =	swait.ge [sflag:s10], $0xA0  }
0xa1: {  	[sflag:s10] =	ssyncset.done $0x0  }
0xa2: {  	[sflag:s10] =	ssyncadd.s32 $0xFFFFFF60  }
0xa3: {  	_ =	sfence.sel $0x180000  }
0xa4: {  	[bflag:$0x0] =	sbarrier.arrive $0xFFFF  }
0xa5: {  	p0 =	sne.s32 s1, $0x0;
	_ =	strace $0x90000047  }
0xa6: {  	s0 =	sadd.s32 @!p0 $0x100000, s0;
	[bflag:$0x2] =	sbarrier.arrive $0xFFFF  }
0xa7: {  	[sflag:s0] =	ssyncadd.tile.s32 @!p0 $0x1;
	_ =	shalt  }
.Lfunc_end2:
_tile_overlayer_lowered:
.L_overlay_start_2:
0xa8: {  	(tag) =	ssettag $0x2  }
0xa9: {  	s0 =	rddreg [dreg:$0x0];
	s2 =	stileid.u32  }
0xaa: {  	s1 =	rddreg [dreg:$0x1];
	p0 =	sne.s32 s2, $0x0  }
0xab: {  	s3 =	rddreg [dreg:$0x2];
	[bflag:$0x3] =	sbarrier.arrive $0xFFFF;
	s2 =	simm.s32 @!p0 $0x1C09  }
0xac: {  	[timem:s3], [sflag:s2] =	dma.local @!p0 [hbm:s0], s1  }
0xad: {  	s0 =	simm.s32 @!p0 $0x9  }
0xae: {  	_ =	swait.ge @!p0 [sflag:s0], s1  }
0xaf: {  	s1 =	ssub.s32 @!p0 $0x0, s1;
	[sflag:s0] =	ssyncset.done @!p0 $0x0  }
0xb0: {  	[sflag:s0] =	ssyncadd.s32 @!p0 s1  }
0xb1: {  	[bflag:$0x3] =	sbarrier.arrive $0xFFFF  }
0xb2: {  	_ =	shalt  }

</sc_bundles>
